<compile_context>
chip_gen: v7x
topology: tpu7x:2x2x1
jax: 0.10.2.dev20260603
libtpu: 0.0.44.dev20260713+nightly
codegen_flags: <defaults>
</compile_context>

<pallas_src>
import functools

import jax
import jax.numpy as jnp
from jax import lax
from jax.experimental import pallas as pl
from jax.experimental.pallas import tpu as pltpu
from jax.experimental.pallas import tpu_sc as plsc

_NUM_CORES = 2
_NUM_SUBCORES = 16
_NW = _NUM_CORES * _NUM_SUBCORES
_CHUNK = 64
_NBUF = 10
_K = 8


@functools.lru_cache(maxsize=None)
def _build(n_rows: int, d: int):
    assert n_rows % (_NW * _CHUNK * _NBUF) == 0
    rows_per_w = n_rows // _NW
    n_chunks = rows_per_w // _CHUNK
    n_rounds = n_chunks // _NBUF
    assert n_rounds >= 2

    mesh = plsc.VectorSubcoreMesh(core_axis_name="c", subcore_axis_name="s")

    @functools.partial(
        pl.kernel,
        mesh=mesh,
        out_type=jax.ShapeDtypeStruct((n_rows, d), jnp.float32),
        scratch_types=[
            pltpu.VMEM((rows_per_w,), jnp.int32),
            pltpu.VMEM((_NBUF, _CHUNK, d), jnp.float32),
            pltpu.SemaphoreType.DMA((_NBUF,)),
            pltpu.SemaphoreType.DMA((_NBUF,)),
        ],
    )
    def gather_kernel(idx_hbm, table_hbm, out_hbm, idx_all, rows, gsem, osem):
        wid = lax.axis_index("s") * _NUM_CORES + lax.axis_index("c")
        base = wid * rows_per_w
        pltpu.sync_copy(idx_hbm.at[pl.ds(base, rows_per_w)], idx_all)

        def gather_copy(g, b):
            return pltpu.make_async_copy(
                table_hbm.at[idx_all.at[pl.ds(g * _CHUNK, _CHUNK)]],
                rows.at[b],
                gsem.at[b],
            )

        def out_copy(g, b):
            return pltpu.make_async_copy(
                rows.at[b],
                out_hbm.at[pl.ds(base + g * _CHUNK, _CHUNK)],
                osem.at[b],
            )

        def step(g, j, drain_out, issue_gather):
            gather_copy(g, j).wait()
            out_copy(g, j).start()
            if issue_gather:
                b2 = (j + _K) % _NBUF
                if drain_out:
                    out_copy(g, b2).wait()
                gather_copy(g + _K, b2).start()

        for b in range(_K):
            gather_copy(b, b).start()

        for j in range(_NBUF):
            step(j, j, drain_out=(j + _K >= _NBUF), issue_gather=True)

        def round_body(i, carry):
            g0 = i * _NBUF
            for j in range(_NBUF):
                step(g0 + j, j, drain_out=True, issue_gather=True)
            return carry

        lax.fori_loop(1, n_rounds - 1, round_body, 0)

        g0 = (n_rounds - 1) * _NBUF
        for j in range(_NBUF):
            g = g0 + j
            step(g, j, drain_out=True, issue_gather=(g + _K < n_chunks))

        for j in range(_NBUF):
            out_copy(g0 + j, j).wait()

    return gather_kernel


def kernel(token_seq_inputs, embedding_table):
    batch, seq = token_seq_inputs.shape
    _, d = embedding_table.shape
    idx = token_seq_inputs.reshape(-1).astype(jnp.int32)
    n = idx.shape[0]
    pad = (-n) % (_NW * _CHUNK * _NBUF)
    if pad:
        idx = jnp.concatenate([idx, jnp.zeros((pad,), jnp.int32)])
    out = _build(n + pad, d)(idx, embedding_table)
    if pad:
        out = out[:n]
    return out.reshape(batch, seq, d)

# --- scband reference (transcript-rebuilt; emitter-appended) ---
"""Pipeline reference for scband-token-embedding-30459908063918 (READ-ONLY COPY).

The authoritative reference and input builder live on the scoring server;
editing this copy changes nothing except your own understanding.
"""

import jax, jax.numpy as jnp
import numpy as np

VOCAB = 100000
EMBED_DIM = 128
BATCH = 4096
SEQ_LEN = 50

def setup_inputs(seed: int = 0) -> dict:
    key = jax.random.key(seed)
    k_idx, k_tab = jax.random.split(key)
    token_seq_inputs = jax.random.randint(k_idx, (BATCH, SEQ_LEN), 0, VOCAB, dtype=jnp.int64 if jax.config.jax_enable_x64 else jnp.int32)
    # Keras Embedding default initializer is uniform(-0.05, 0.05)
    embedding_table = jax.random.uniform(k_tab, (VOCAB, EMBED_DIM), dtype=jnp.float32, minval=-0.05, maxval=0.05)
    return {"token_seq_inputs": token_seq_inputs, "embedding_table": embedding_table}

def reference(token_seq_inputs, embedding_table):
    # TokenEmbedding.call with dropout=False: pure embedding lookup
    token_seq_embeddings = jnp.take(embedding_table, token_seq_inputs, axis=0)
    return token_seq_embeddings

if __name__ == "__main__":
    import jax
    _d = setup_inputs()
    print(jax.jit(kernel)(*tuple(_d.values())))

</pallas_src>

<mosaic_0001>
#map = affine_map<(d0, d1) -> (0)>
#map1 = affine_map<(d0, d1) -> (0, 0)>
module attributes {stable_mosaic.version = 14 : i64} {
  func.func @gather_kernel(%arg0: i32, %arg1: i32, %arg2: memref<204800xi32, #tpu.memory_space<hbm>>, %arg3: memref<100000x128xf32, #tpu.memory_space<hbm>>, %arg4: memref<204800x128xf32, #tpu.memory_space<hbm>>, %arg5: memref<6400xi32, #tpu.memory_space<vmem>>, %arg6: memref<10x64x128xf32, #tpu.memory_space<vmem>>, %arg7: memref<10x!tpu.dma_semaphore, #tpu.memory_space<semaphore_mem>>, %arg8: memref<10x!tpu.dma_semaphore, #tpu.memory_space<semaphore_mem>>) attributes {dimension_semantics = [#tpu.dimension_semantics<core_parallel>, #tpu.dimension_semantics<subcore_parallel>], iteration_bounds = array<i64: 2, 16>, scalar_prefetch = 0 : i64, scratch_operands = 4 : i64, tpu.core_type = #tpu.core_type<sc_vector_subcore>, window_params = [{transform_indices = #map}, {transform_indices = #map1}, {transform_indices = #map1}]} {
    %mul3A = arith.constant 2 : i32
    %mul3A_0 = arith.muli %arg1, %mul3A : i32
    %add3A = arith.addi %mul3A_0, %arg0 : i32
    %mul3A_1 = arith.constant 6400 : i32
    %mul3A_2 = arith.muli %add3A, %mul3A_1 : i32
    "tpu.region"() ({
      %run_scoped3A = tpu.sem_alloc : memref<!tpu.dma_semaphore, #tpu.memory_space<semaphore_mem>>
      %dma_start3A_1246 = tpu.memref_slice %arg2[%mul3A_2] : memref<204800xi32, #tpu.memory_space<hbm>> -> memref<6400xi32, #tpu.memory_space<hbm>>
      %dma_start3A_1247 = tpu.memref_slice %arg2[%mul3A_2] : memref<204800xi32, #tpu.memory_space<hbm>> -> memref<6400xi32, #tpu.memory_space<hbm>>
      tpu.enqueue_dma source(%dma_start3A_1247 : memref<6400xi32, #tpu.memory_space<hbm>>) target(%arg5 : memref<6400xi32, #tpu.memory_space<vmem>>) target_semaphore(%run_scoped3A : memref<!tpu.dma_semaphore, #tpu.memory_space<semaphore_mem>>)
      %dma_wait3A_1248 = tpu.memref_slice %arg2[%mul3A_2] : memref<204800xi32, #tpu.memory_space<hbm>> -> memref<6400xi32, #tpu.memory_space<hbm>>
      %dma_wait3A_1249 = tpu.memref_slice %arg2[%mul3A_2] : memref<204800xi32, #tpu.memory_space<hbm>> -> memref<6400xi32, #tpu.memory_space<hbm>>
      tpu.wait_dma2 semaphore(%run_scoped3A : memref<!tpu.dma_semaphore, #tpu.memory_space<semaphore_mem>>) src(%dma_wait3A_1249 : memref<6400xi32, #tpu.memory_space<hbm>>) dst(%arg5 : memref<6400xi32, #tpu.memory_space<vmem>>)
      tpu.yield
    }) : () -> ()
    %dma_start3A = arith.constant 0 : i32
    %dma_start3A_3 = arith.constant 0 : i32
    %dma_start3A_4 = arith.constant 0 : i32
    %dma_start3A_5 = arith.constant 0 : i32
    %dma_start3A_6 = tpu.memref_slice %arg6[%dma_start3A, %dma_start3A_4, %dma_start3A_5] : memref<10x64x128xf32, #tpu.memory_space<vmem>> -> memref<1x64x128xf32, #tpu.memory_space<vmem>>
    %dma_start3A_7 = tpu.memref_squeeze %dma_start3A_6 : memref<1x64x128xf32, #tpu.memory_space<vmem>> -> memref<64x128xf32, #tpu.memory_space<vmem>>
    %dma_start3A_8 = arith.constant 0 : i32
    %dma_start3A_9 = tpu.memref_slice %arg5[%dma_start3A_8] : memref<6400xi32, #tpu.memory_space<vmem>> -> memref<64xi32, #tpu.memory_space<vmem>>
    %dma_start3A_10 = arith.constant 0 : i32
    %dma_start3A_11 = arith.constant 0 : i32
    %dma_start3A_12 = tpu.memref_slice %arg3[%dma_start3A_10, %dma_start3A_11] : memref<100000x128xf32, #tpu.memory_space<hbm>> -> memref<100000x128xf32, #tpu.memory_space<hbm>>
    %dma_start3A_13 = tpu.memref_slice %arg7[%dma_start3A_3] : memref<10x!tpu.dma_semaphore, #tpu.memory_space<semaphore_mem>> -> memref<1x!tpu.dma_semaphore, #tpu.memory_space<semaphore_mem>>
    %dma_start3A_14 = tpu.memref_squeeze %dma_start3A_13 : memref<1x!tpu.dma_semaphore, #tpu.memory_space<semaphore_mem>> -> memref<!tpu.dma_semaphore, #tpu.memory_space<semaphore_mem>>
    tpu.enqueue_indirect_dma source(%dma_start3A_12 : memref<100000x128xf32, #tpu.memory_space<hbm>>) target(%dma_start3A_7 : memref<64x128xf32, #tpu.memory_space<vmem>>) offsets(%dma_start3A_9 : memref<64xi32, #tpu.memory_space<vmem>>) semaphore(%dma_start3A_14 : memref<!tpu.dma_semaphore, #tpu.memory_space<semaphore_mem>>)
    %dma_start3A_15 = arith.constant 1 : i32
    %dma_start3A_16 = arith.constant 1 : i32
    %dma_start3A_17 = arith.constant 0 : i32
    %dma_start3A_18 = arith.constant 0 : i32
    %dma_start3A_19 = tpu.memref_slice %arg6[%dma_start3A_15, %dma_start3A_17, %dma_start3A_18] : memref<10x64x128xf32, #tpu.memory_space<vmem>> -> memref<1x64x128xf32, #tpu.memory_space<vmem>>
    %dma_start3A_20 = tpu.memref_squeeze %dma_start3A_19 : memref<1x64x128xf32, #tpu.memory_space<vmem>> -> memref<64x128xf32, #tpu.memory_space<vmem>>
    %dma_start3A_21 = arith.constant 64 : i32
    %dma_start3A_22 = tpu.memref_slice %arg5[%dma_start3A_21] : memref<6400xi32, #tpu.memory_space<vmem>> -> memref<64xi32, #tpu.memory_space<vmem>>
    %dma_start3A_23 = arith.constant 0 : i32
    %dma_start3A_24 = arith.constant 0 : i32
    %dma_start3A_25 = tpu.memref_slice %arg3[%dma_start3A_23, %dma_start3A_24] : memref<100000x128xf32, #tpu.memory_space<hbm>> -> memref<100000x128xf32, #tpu.memory_space<hbm>>
    %dma_start3A_26 = tpu.memref_slice %arg7[%dma_start3A_16] : memref<10x!tpu.dma_semaphore, #tpu.memory_space<semaphore_mem>> -> memref<1x!tpu.dma_semaphore, #tpu.memory_space<semaphore_mem>>
    %dma_start3A_27 = tpu.memref_squeeze %dma_start3A_26 : memref<1x!tpu.dma_semaphore, #tpu.memory_space<semaphore_mem>> -> memref<!tpu.dma_semaphore, #tpu.memory_space<semaphore_mem>>
    tpu.enqueue_indirect_dma source(%dma_start3A_25 : memref<100000x128xf32, #tpu.memory_space<hbm>>) target(%dma_start3A_20 : memref<64x128xf32, #tpu.memory_space<vmem>>) offsets(%dma_start3A_22 : memref<64xi32, #tpu.memory_space<vmem>>) semaphore(%dma_start3A_27 : memref<!tpu.dma_semaphore, #tpu.memory_space<semaphore_mem>>)
    %dma_start3A_28 = arith.constant 2 : i32
    %dma_start3A_29 = arith.constant 2 : i32
    %dma_start3A_30 = arith.constant 0 : i32
    %dma_start3A_31 = arith.constant 0 : i32
    %dma_start3A_32 = tpu.memref_slice %arg6[%dma_start3A_28, %dma_start3A_30, %dma_start3A_31] : memref<10x64x128xf32, #tpu.memory_space<vmem>> -> memref<1x64x128xf32, #tpu.memory_space<vmem>>
    %dma_start3A_33 = tpu.memref_squeeze %dma_start3A_32 : memref<1x64x128xf32, #tpu.memory_space<vmem>> -> memref<64x128xf32, #tpu.memory_space<vmem>>
    %dma_start3A_34 = arith.constant 128 : i32
    %dma_start3A_35 = tpu.memref_slice %arg5[%dma_start3A_34] : memref<6400xi32, #tpu.memory_space<vmem>> -> memref<64xi32, #tpu.memory_space<vmem>>
    %dma_start3A_36 = arith.constant 0 : i32
    %dma_start3A_37 = arith.constant 0 : i32
    %dma_start3A_38 = tpu.memref_slice %arg3[%dma_start3A_36, %dma_start3A_37] : memref<100000x128xf32, #tpu.memory_space<hbm>> -> memref<100000x128xf32, #tpu.memory_space<hbm>>
    %dma_start3A_39 = tpu.memref_slice %arg7[%dma_start3A_29] : memref<10x!tpu.dma_semaphore, #tpu.memory_space<semaphore_mem>> -> memref<1x!tpu.dma_semaphore, #tpu.memory_space<semaphore_mem>>
    %dma_start3A_40 = tpu.memref_squeeze %dma_start3A_39 : memref<1x!tpu.dma_semaphore, #tpu.memory_space<semaphore_mem>> -> memref<!tpu.dma_semaphore, #tpu.memory_space<semaphore_mem>>
    tpu.enqueue_indirect_dma source(%dma_start3A_38 : memref<100000x128xf32, #tpu.memory_space<hbm>>) target(%dma_start3A_33 : memref<64x128xf32, #tpu.memory_space<vmem>>) offsets(%dma_start3A_35 : memref<64xi32, #tpu.memory_space<vmem>>) semaphore(%dma_start3A_40 : memref<!tpu.dma_semaphore, #tpu.memory_space<semaphore_mem>>)
    %dma_start3A_41 = arith.constant 3 : i32
    %dma_start3A_42 = arith.constant 3 : i32
    %dma_start3A_43 = arith.constant 0 : i32
    %dma_start3A_44 = arith.constant 0 : i32
    %dma_start3A_45 = tpu.memref_slice %arg6[%dma_start3A_41, %dma_start3A_43, %dma_start3A_44] : memref<10x64x128xf32, #tpu.memory_space<vmem>> -> memref<1x64x128xf32, #tpu.memory_space<vmem>>
    %dma_start3A_46 = tpu.memref_squeeze %dma_start3A_45 : memref<1x64x128xf32, #tpu.memory_space<vmem>> -> memref<64x128xf32, #tpu.memory_space<vmem>>
    %dma_start3A_47 = arith.constant 192 : i32
    %dma_start3A_48 = tpu.memref_slice %arg5[%dma_start3A_47] : memref<6400xi32, #tpu.memory_space<vmem>> -> memref<64xi32, #tpu.memory_space<vmem>>
    %dma_start3A_49 = arith.constant 0 : i32
    %dma_start3A_50 = arith.constant 0 : i32
    %dma_start3A_51 = tpu.memref_slice %arg3[%dma_start3A_49, %dma_start3A_50] : memref<100000x128xf32, #tpu.memory_space<hbm>> -> memref<100000x128xf32, #tpu.memory_space<hbm>>
    %dma_start3A_52 = tpu.memref_slice %arg7[%dma_start3A_42] : memref<10x!tpu.dma_semaphore, #tpu.memory_space<semaphore_mem>> -> memref<1x!tpu.dma_semaphore, #tpu.memory_space<semaphore_mem>>
    %dma_start3A_53 = tpu.memref_squeeze %dma_start3A_52 : memref<1x!tpu.dma_semaphore, #tpu.memory_space<semaphore_mem>> -> memref<!tpu.dma_semaphore, #tpu.memory_space<semaphore_mem>>
    tpu.enqueue_indirect_dma source(%dma_start3A_51 : memref<100000x128xf32, #tpu.memory_space<hbm>>) target(%dma_start3A_46 : memref<64x128xf32, #tpu.memory_space<vmem>>) offsets(%dma_start3A_48 : memref<64xi32, #tpu.memory_space<vmem>>) semaphore(%dma_start3A_53 : memref<!tpu.dma_semaphore, #tpu.memory_space<semaphore_mem>>)
    %dma_start3A_54 = arith.constant 4 : i32
    %dma_start3A_55 = arith.constant 4 : i32
    %dma_start3A_56 = arith.constant 0 : i32
    %dma_start3A_57 = arith.constant 0 : i32
    %dma_start3A_58 = tpu.memref_slice %arg6[%dma_start3A_54, %dma_start3A_56, %dma_start3A_57] : memref<10x64x128xf32, #tpu.memory_space<vmem>> -> memref<1x64x128xf32, #tpu.memory_space<vmem>>
    %dma_start3A_59 = tpu.memref_squeeze %dma_start3A_58 : memref<1x64x128xf32, #tpu.memory_space<vmem>> -> memref<64x128xf32, #tpu.memory_space<vmem>>
    %dma_start3A_60 = arith.constant 256 : i32
    %dma_start3A_61 = tpu.memref_slice %arg5[%dma_start3A_60] : memref<6400xi32, #tpu.memory_space<vmem>> -> memref<64xi32, #tpu.memory_space<vmem>>
    %dma_start3A_62 = arith.constant 0 : i32
    %dma_start3A_63 = arith.constant 0 : i32
    %dma_start3A_64 = tpu.memref_slice %arg3[%dma_start3A_62, %dma_start3A_63] : memref<100000x128xf32, #tpu.memory_space<hbm>> -> memref<100000x128xf32, #tpu.memory_space<hbm>>
    %dma_start3A_65 = tpu.memref_slice %arg7[%dma_start3A_55] : memref<10x!tpu.dma_semaphore, #tpu.memory_space<semaphore_mem>> -> memref<1x!tpu.dma_semaphore, #tpu.memory_space<semaphore_mem>>
    %dma_start3A_66 = tpu.memref_squeeze %dma_start3A_65 : memref<1x!tpu.dma_semaphore, #tpu.memory_space<semaphore_mem>> -> memref<!tpu.dma_semaphore, #tpu.memory_space<semaphore_mem>>
    tpu.enqueue_indirect_dma source(%dma_start3A_64 : memref<100000x128xf32, #tpu.memory_space<hbm>>) target(%dma_start3A_59 : memref<64x128xf32, #tpu.memory_space<vmem>>) offsets(%dma_start3A_61 : memref<64xi32, #tpu.memory_space<vmem>>) semaphore(%dma_start3A_66 : memref<!tpu.dma_semaphore, #tpu.memory_space<semaphore_mem>>)
    %dma_start3A_67 = arith.constant 5 : i32
    %dma_start3A_68 = arith.constant 5 : i32
    %dma_start3A_69 = arith.constant 0 : i32
    %dma_start3A_70 = arith.constant 0 : i32
    %dma_start3A_71 = tpu.memref_slice %arg6[%dma_start3A_67, %dma_start3A_69, %dma_start3A_70] : memref<10x64x128xf32, #tpu.memory_space<vmem>> -> memref<1x64x128xf32, #tpu.memory_space<vmem>>
    %dma_start3A_72 = tpu.memref_squeeze %dma_start3A_71 : memref<1x64x128xf32, #tpu.memory_space<vmem>> -> memref<64x128xf32, #tpu.memory_space<vmem>>
    %dma_start3A_73 = arith.constant 320 : i32
    %dma_start3A_74 = tpu.memref_slice %arg5[%dma_start3A_73] : memref<6400xi32, #tpu.memory_space<vmem>> -> memref<64xi32, #tpu.memory_space<vmem>>
    %dma_start3A_75 = arith.constant 0 : i32
    %dma_start3A_76 = arith.constant 0 : i32
    %dma_start3A_77 = tpu.memref_slice %arg3[%dma_start3A_75, %dma_start3A_76] : memref<100000x128xf32, #tpu.memory_space<hbm>> -> memref<100000x128xf32, #tpu.memory_space<hbm>>
    %dma_start3A_78 = tpu.memref_slice %arg7[%dma_start3A_68] : memref<10x!tpu.dma_semaphore, #tpu.memory_space<semaphore_mem>> -> memref<1x!tpu.dma_semaphore, #tpu.memory_space<semaphore_mem>>
    %dma_start3A_79 = tpu.memref_squeeze %dma_start3A_78 : memref<1x!tpu.dma_semaphore, #tpu.memory_space<semaphore_mem>> -> memref<!tpu.dma_semaphore, #tpu.memory_space<semaphore_mem>>
    tpu.enqueue_indirect_dma source(%dma_start3A_77 : memref<100000x128xf32, #tpu.memory_space<hbm>>) target(%dma_start3A_72 : memref<64x128xf32, #tpu.memory_space<vmem>>) offsets(%dma_start3A_74 : memref<64xi32, #tpu.memory_space<vmem>>) semaphore(%dma_start3A_79 : memref<!tpu.dma_semaphore, #tpu.memory_space<semaphore_mem>>)
    %dma_start3A_80 = arith.constant 6 : i32
    %dma_start3A_81 = arith.constant 6 : i32
    %dma_start3A_82 = arith.constant 0 : i32
    %dma_start3A_83 = arith.constant 0 : i32
    %dma_start3A_84 = tpu.memref_slice %arg6[%dma_start3A_80, %dma_start3A_82, %dma_start3A_83] : memref<10x64x128xf32, #tpu.memory_space<vmem>> -> memref<1x64x128xf32, #tpu.memory_space<vmem>>
    %dma_start3A_85 = tpu.memref_squeeze %dma_start3A_84 : memref<1x64x128xf32, #tpu.memory_space<vmem>> -> memref<64x128xf32, #tpu.memory_space<vmem>>
    %dma_start3A_86 = arith.constant 384 : i32
    %dma_start3A_87 = tpu.memref_slice %arg5[%dma_start3A_86] : memref<6400xi32, #tpu.memory_space<vmem>> -> memref<64xi32, #tpu.memory_space<vmem>>
    %dma_start3A_88 = arith.constant 0 : i32
    %dma_start3A_89 = arith.constant 0 : i32
    %dma_start3A_90 = tpu.memref_slice %arg3[%dma_start3A_88, %dma_start3A_89] : memref<100000x128xf32, #tpu.memory_space<hbm>> -> memref<100000x128xf32, #tpu.memory_space<hbm>>
    %dma_start3A_91 = tpu.memref_slice %arg7[%dma_start3A_81] : memref<10x!tpu.dma_semaphore, #tpu.memory_space<semaphore_mem>> -> memref<1x!tpu.dma_semaphore, #tpu.memory_space<semaphore_mem>>
    %dma_start3A_92 = tpu.memref_squeeze %dma_start3A_91 : memref<1x!tpu.dma_semaphore, #tpu.memory_space<semaphore_mem>> -> memref<!tpu.dma_semaphore, #tpu.memory_space<semaphore_mem>>
    tpu.enqueue_indirect_dma source(%dma_start3A_90 : memref<100000x128xf32, #tpu.memory_space<hbm>>) target(%dma_start3A_85 : memref<64x128xf32, #tpu.memory_space<vmem>>) offsets(%dma_start3A_87 : memref<64xi32, #tpu.memory_space<vmem>>) semaphore(%dma_start3A_92 : memref<!tpu.dma_semaphore, #tpu.memory_space<semaphore_mem>>)
    %dma_start3A_93 = arith.constant 7 : i32
    %dma_start3A_94 = arith.constant 7 : i32
    %dma_start3A_95 = arith.constant 0 : i32
    %dma_start3A_96 = arith.constant 0 : i32
    %dma_start3A_97 = tpu.memref_slice %arg6[%dma_start3A_93, %dma_start3A_95, %dma_start3A_96] : memref<10x64x128xf32, #tpu.memory_space<vmem>> -> memref<1x64x128xf32, #tpu.memory_space<vmem>>
    %dma_start3A_98 = tpu.memref_squeeze %dma_start3A_97 : memref<1x64x128xf32, #tpu.memory_space<vmem>> -> memref<64x128xf32, #tpu.memory_space<vmem>>
    %dma_start3A_99 = arith.constant 448 : i32
    %dma_start3A_100 = tpu.memref_slice %arg5[%dma_start3A_99] : memref<6400xi32, #tpu.memory_space<vmem>> -> memref<64xi32, #tpu.memory_space<vmem>>
    %dma_start3A_101 = arith.constant 0 : i32
    %dma_start3A_102 = arith.constant 0 : i32
    %dma_start3A_103 = tpu.memref_slice %arg3[%dma_start3A_101, %dma_start3A_102] : memref<100000x128xf32, #tpu.memory_space<hbm>> -> memref<100000x128xf32, #tpu.memory_space<hbm>>
    %dma_start3A_104 = tpu.memref_slice %arg7[%dma_start3A_94] : memref<10x!tpu.dma_semaphore, #tpu.memory_space<semaphore_mem>> -> memref<1x!tpu.dma_semaphore, #tpu.memory_space<semaphore_mem>>
    %dma_start3A_105 = tpu.memref_squeeze %dma_start3A_104 : memref<1x!tpu.dma_semaphore, #tpu.memory_space<semaphore_mem>> -> memref<!tpu.dma_semaphore, #tpu.memory_space<semaphore_mem>>
    tpu.enqueue_indirect_dma source(%dma_start3A_103 : memref<100000x128xf32, #tpu.memory_space<hbm>>) target(%dma_start3A_98 : memref<64x128xf32, #tpu.memory_space<vmem>>) offsets(%dma_start3A_100 : memref<64xi32, #tpu.memory_space<vmem>>) semaphore(%dma_start3A_105 : memref<!tpu.dma_semaphore, #tpu.memory_space<semaphore_mem>>)
    %dma_wait3A = arith.constant 0 : i32
    %dma_wait3A_106 = arith.constant 0 : i32
    %dma_wait3A_107 = arith.constant 0 : i32
    %dma_wait3A_108 = arith.constant 0 : i32
    %dma_wait3A_109 = tpu.memref_slice %arg6[%dma_wait3A, %dma_wait3A_107, %dma_wait3A_108] : memref<10x64x128xf32, #tpu.memory_space<vmem>> -> memref<1x64x128xf32, #tpu.memory_space<vmem>>
    %dma_wait3A_110 = tpu.memref_squeeze %dma_wait3A_109 : memref<1x64x128xf32, #tpu.memory_space<vmem>> -> memref<64x128xf32, #tpu.memory_space<vmem>>
    %dma_wait3A_111 = arith.constant 0 : i32
    %dma_wait3A_112 = tpu.memref_slice %arg5[%dma_wait3A_111] : memref<6400xi32, #tpu.memory_space<vmem>> -> memref<64xi32, #tpu.memory_space<vmem>>
    %dma_wait3A_113 = arith.constant 0 : i32
    %dma_wait3A_114 = arith.constant 0 : i32
    %dma_wait3A_115 = tpu.memref_slice %arg3[%dma_wait3A_113, %dma_wait3A_114] : memref<100000x128xf32, #tpu.memory_space<hbm>> -> memref<100000x128xf32, #tpu.memory_space<hbm>>
    %dma_wait3A_116 = tpu.memref_slice %arg7[%dma_wait3A_106] : memref<10x!tpu.dma_semaphore, #tpu.memory_space<semaphore_mem>> -> memref<1x!tpu.dma_semaphore, #tpu.memory_space<semaphore_mem>>
    %dma_wait3A_117 = tpu.memref_squeeze %dma_wait3A_116 : memref<1x!tpu.dma_semaphore, #tpu.memory_space<semaphore_mem>> -> memref<!tpu.dma_semaphore, #tpu.memory_space<semaphore_mem>>
    tpu.wait_indirect_dma semaphore(%dma_wait3A_117 : memref<!tpu.dma_semaphore, #tpu.memory_space<semaphore_mem>>) src(%dma_wait3A_115 : memref<100000x128xf32, #tpu.memory_space<hbm>>) dst(%dma_wait3A_110 : memref<64x128xf32, #tpu.memory_space<vmem>>)
    %add3A_118 = arith.constant 0 : i32
    %add3A_119 = arith.addi %mul3A_2, %add3A_118 : i32
    %dma_start3A_120 = arith.constant 0 : i32
    %dma_start3A_121 = arith.constant 0 : i32
    %dma_start3A_122 = arith.constant 0 : i32
    %dma_start3A_123 = arith.constant 0 : i32
    %dma_start3A_124 = tpu.memref_slice %arg6[%dma_start3A_120, %dma_start3A_122, %dma_start3A_123] : memref<10x64x128xf32, #tpu.memory_space<vmem>> -> memref<1x64x128xf32, #tpu.memory_space<vmem>>
    %dma_start3A_125 = tpu.memref_squeeze %dma_start3A_124 : memref<1x64x128xf32, #tpu.memory_space<vmem>> -> memref<64x128xf32, #tpu.memory_space<vmem>>
    %dma_start3A_126 = arith.constant 0 : i32
    %dma_start3A_127 = tpu.memref_slice %arg4[%add3A_119, %dma_start3A_126] : memref<204800x128xf32, #tpu.memory_space<hbm>> -> memref<64x128xf32, #tpu.memory_space<hbm>>
    %dma_start3A_128 = tpu.memref_slice %arg8[%dma_start3A_121] : memref<10x!tpu.dma_semaphore, #tpu.memory_space<semaphore_mem>> -> memref<1x!tpu.dma_semaphore, #tpu.memory_space<semaphore_mem>>
    %dma_start3A_129 = tpu.memref_squeeze %dma_start3A_128 : memref<1x!tpu.dma_semaphore, #tpu.memory_space<semaphore_mem>> -> memref<!tpu.dma_semaphore, #tpu.memory_space<semaphore_mem>>
    %dma_start3A_130 = arith.constant 0 : i32
    %dma_start3A_131 = tpu.memref_slice %arg4[%add3A_119, %dma_start3A_130] : memref<204800x128xf32, #tpu.memory_space<hbm>> -> memref<64x128xf32, #tpu.memory_space<hbm>>
    %dma_start3A_132 = arith.constant 0 : i32
    %dma_start3A_133 = arith.constant 0 : i32
    %dma_start3A_134 = tpu.memref_slice %arg6[%dma_start3A_120, %dma_start3A_132, %dma_start3A_133] : memref<10x64x128xf32, #tpu.memory_space<vmem>> -> memref<1x64x128xf32, #tpu.memory_space<vmem>>
    %dma_start3A_135 = tpu.memref_squeeze %dma_start3A_134 : memref<1x64x128xf32, #tpu.memory_space<vmem>> -> memref<64x128xf32, #tpu.memory_space<vmem>>
    tpu.enqueue_dma source(%dma_start3A_135 : memref<64x128xf32, #tpu.memory_space<vmem>>) target(%dma_start3A_131 : memref<64x128xf32, #tpu.memory_space<hbm>>) target_semaphore(%dma_start3A_129 : memref<!tpu.dma_semaphore, #tpu.memory_space<semaphore_mem>>)
    %dma_start3A_136 = arith.constant 8 : i32
    %dma_start3A_137 = arith.constant 8 : i32
    %dma_start3A_138 = arith.constant 0 : i32
    %dma_start3A_139 = arith.constant 0 : i32
    %dma_start3A_140 = tpu.memref_slice %arg6[%dma_start3A_136, %dma_start3A_138, %dma_start3A_139] : memref<10x64x128xf32, #tpu.memory_space<vmem>> -> memref<1x64x128xf32, #tpu.memory_space<vmem>>
    %dma_start3A_141 = tpu.memref_squeeze %dma_start3A_140 : memref<1x64x128xf32, #tpu.memory_space<vmem>> -> memref<64x128xf32, #tpu.memory_space<vmem>>
    %dma_start3A_142 = arith.constant 512 : i32
    %dma_start3A_143 = tpu.memref_slice %arg5[%dma_start3A_142] : memref<6400xi32, #tpu.memory_space<vmem>> -> memref<64xi32, #tpu.memory_space<vmem>>
    %dma_start3A_144 = arith.constant 0 : i32
    %dma_start3A_145 = arith.constant 0 : i32
    %dma_start3A_146 = tpu.memref_slice %arg3[%dma_start3A_144, %dma_start3A_145] : memref<100000x128xf32, #tpu.memory_space<hbm>> -> memref<100000x128xf32, #tpu.memory_space<hbm>>
    %dma_start3A_147 = tpu.memref_slice %arg7[%dma_start3A_137] : memref<10x!tpu.dma_semaphore, #tpu.memory_space<semaphore_mem>> -> memref<1x!tpu.dma_semaphore, #tpu.memory_space<semaphore_mem>>
    %dma_start3A_148 = tpu.memref_squeeze %dma_start3A_147 : memref<1x!tpu.dma_semaphore, #tpu.memory_space<semaphore_mem>> -> memref<!tpu.dma_semaphore, #tpu.memory_space<semaphore_mem>>
    tpu.enqueue_indirect_dma source(%dma_start3A_146 : memref<100000x128xf32, #tpu.memory_space<hbm>>) target(%dma_start3A_141 : memref<64x128xf32, #tpu.memory_space<vmem>>) offsets(%dma_start3A_143 : memref<64xi32, #tpu.memory_space<vmem>>) semaphore(%dma_start3A_148 : memref<!tpu.dma_semaphore, #tpu.memory_space<semaphore_mem>>)
    %dma_wait3A_149 = arith.constant 1 : i32
    %dma_wait3A_150 = arith.constant 1 : i32
    %dma_wait3A_151 = arith.constant 0 : i32
    %dma_wait3A_152 = arith.constant 0 : i32
    %dma_wait3A_153 = tpu.memref_slice %arg6[%dma_wait3A_149, %dma_wait3A_151, %dma_wait3A_152] : memref<10x64x128xf32, #tpu.memory_space<vmem>> -> memref<1x64x128xf32, #tpu.memory_space<vmem>>
    %dma_wait3A_154 = tpu.memref_squeeze %dma_wait3A_153 : memref<1x64x128xf32, #tpu.memory_space<vmem>> -> memref<64x128xf32, #tpu.memory_space<vmem>>
    %dma_wait3A_155 = arith.constant 64 : i32
    %dma_wait3A_156 = tpu.memref_slice %arg5[%dma_wait3A_155] : memref<6400xi32, #tpu.memory_space<vmem>> -> memref<64xi32, #tpu.memory_space<vmem>>
    %dma_wait3A_157 = arith.constant 0 : i32
    %dma_wait3A_158 = arith.constant 0 : i32
    %dma_wait3A_159 = tpu.memref_slice %arg3[%dma_wait3A_157, %dma_wait3A_158] : memref<100000x128xf32, #tpu.memory_space<hbm>> -> memref<100000x128xf32, #tpu.memory_space<hbm>>
    %dma_wait3A_160 = tpu.memref_slice %arg7[%dma_wait3A_150] : memref<10x!tpu.dma_semaphore, #tpu.memory_space<semaphore_mem>> -> memref<1x!tpu.dma_semaphore, #tpu.memory_space<semaphore_mem>>
    %dma_wait3A_161 = tpu.memref_squeeze %dma_wait3A_160 : memref<1x!tpu.dma_semaphore, #tpu.memory_space<semaphore_mem>> -> memref<!tpu.dma_semaphore, #tpu.memory_space<semaphore_mem>>
    tpu.wait_indirect_dma semaphore(%dma_wait3A_161 : memref<!tpu.dma_semaphore, #tpu.memory_space<semaphore_mem>>) src(%dma_wait3A_159 : memref<100000x128xf32, #tpu.memory_space<hbm>>) dst(%dma_wait3A_154 : memref<64x128xf32, #tpu.memory_space<vmem>>)
    %add3A_162 = arith.constant 64 : i32
    %add3A_163 = arith.addi %mul3A_2, %add3A_162 : i32
    %dma_start3A_164 = arith.constant 1 : i32
    %dma_start3A_165 = arith.constant 1 : i32
    %dma_start3A_166 = arith.constant 0 : i32
    %dma_start3A_167 = arith.constant 0 : i32
    %dma_start3A_168 = tpu.memref_slice %arg6[%dma_start3A_164, %dma_start3A_166, %dma_start3A_167] : memref<10x64x128xf32, #tpu.memory_space<vmem>> -> memref<1x64x128xf32, #tpu.memory_space<vmem>>
    %dma_start3A_169 = tpu.memref_squeeze %dma_start3A_168 : memref<1x64x128xf32, #tpu.memory_space<vmem>> -> memref<64x128xf32, #tpu.memory_space<vmem>>
    %dma_start3A_170 = arith.constant 0 : i32
    %dma_start3A_171 = tpu.memref_slice %arg4[%add3A_163, %dma_start3A_170] : memref<204800x128xf32, #tpu.memory_space<hbm>> -> memref<64x128xf32, #tpu.memory_space<hbm>>
    %dma_start3A_172 = tpu.memref_slice %arg8[%dma_start3A_165] : memref<10x!tpu.dma_semaphore, #tpu.memory_space<semaphore_mem>> -> memref<1x!tpu.dma_semaphore, #tpu.memory_space<semaphore_mem>>
    %dma_start3A_173 = tpu.memref_squeeze %dma_start3A_172 : memref<1x!tpu.dma_semaphore, #tpu.memory_space<semaphore_mem>> -> memref<!tpu.dma_semaphore, #tpu.memory_space<semaphore_mem>>
    %dma_start3A_174 = arith.constant 0 : i32
    %dma_start3A_175 = tpu.memref_slice %arg4[%add3A_163, %dma_start3A_174] : memref<204800x128xf32, #tpu.memory_space<hbm>> -> memref<64x128xf32, #tpu.memory_space<hbm>>
    %dma_start3A_176 = arith.constant 0 : i32
    %dma_start3A_177 = arith.constant 0 : i32
    %dma_start3A_178 = tpu.memref_slice %arg6[%dma_start3A_164, %dma_start3A_176, %dma_start3A_177] : memref<10x64x128xf32, #tpu.memory_space<vmem>> -> memref<1x64x128xf32, #tpu.memory_space<vmem>>
    %dma_start3A_179 = tpu.memref_squeeze %dma_start3A_178 : memref<1x64x128xf32, #tpu.memory_space<vmem>> -> memref<64x128xf32, #tpu.memory_space<vmem>>
    tpu.enqueue_dma source(%dma_start3A_179 : memref<64x128xf32, #tpu.memory_space<vmem>>) target(%dma_start3A_175 : memref<64x128xf32, #tpu.memory_space<hbm>>) target_semaphore(%dma_start3A_173 : memref<!tpu.dma_semaphore, #tpu.memory_space<semaphore_mem>>)
    %dma_start3A_180 = arith.constant 9 : i32
    %dma_start3A_181 = arith.constant 9 : i32
    %dma_start3A_182 = arith.constant 0 : i32
    %dma_start3A_183 = arith.constant 0 : i32
    %dma_start3A_184 = tpu.memref_slice %arg6[%dma_start3A_180, %dma_start3A_182, %dma_start3A_183] : memref<10x64x128xf32, #tpu.memory_space<vmem>> -> memref<1x64x128xf32, #tpu.memory_space<vmem>>
    %dma_start3A_185 = tpu.memref_squeeze %dma_start3A_184 : memref<1x64x128xf32, #tpu.memory_space<vmem>> -> memref<64x128xf32, #tpu.memory_space<vmem>>
    %dma_start3A_186 = arith.constant 576 : i32
    %dma_start3A_187 = tpu.memref_slice %arg5[%dma_start3A_186] : memref<6400xi32, #tpu.memory_space<vmem>> -> memref<64xi32, #tpu.memory_space<vmem>>
    %dma_start3A_188 = arith.constant 0 : i32
    %dma_start3A_189 = arith.constant 0 : i32
    %dma_start3A_190 = tpu.memref_slice %arg3[%dma_start3A_188, %dma_start3A_189] : memref<100000x128xf32, #tpu.memory_space<hbm>> -> memref<100000x128xf32, #tpu.memory_space<hbm>>
    %dma_start3A_191 = tpu.memref_slice %arg7[%dma_start3A_181] : memref<10x!tpu.dma_semaphore, #tpu.memory_space<semaphore_mem>> -> memref<1x!tpu.dma_semaphore, #tpu.memory_space<semaphore_mem>>
    %dma_start3A_192 = tpu.memref_squeeze %dma_start3A_191 : memref<1x!tpu.dma_semaphore, #tpu.memory_space<semaphore_mem>> -> memref<!tpu.dma_semaphore, #tpu.memory_space<semaphore_mem>>
    tpu.enqueue_indirect_dma source(%dma_start3A_190 : memref<100000x128xf32, #tpu.memory_space<hbm>>) target(%dma_start3A_185 : memref<64x128xf32, #tpu.memory_space<vmem>>) offsets(%dma_start3A_187 : memref<64xi32, #tpu.memory_space<vmem>>) semaphore(%dma_start3A_192 : memref<!tpu.dma_semaphore, #tpu.memory_space<semaphore_mem>>)
    %dma_wait3A_193 = arith.constant 2 : i32
    %dma_wait3A_194 = arith.constant 2 : i32
    %dma_wait3A_195 = arith.constant 0 : i32
    %dma_wait3A_196 = arith.constant 0 : i32
    %dma_wait3A_197 = tpu.memref_slice %arg6[%dma_wait3A_193, %dma_wait3A_195, %dma_wait3A_196] : memref<10x64x128xf32, #tpu.memory_space<vmem>> -> memref<1x64x128xf32, #tpu.memory_space<vmem>>
    %dma_wait3A_198 = tpu.memref_squeeze %dma_wait3A_197 : memref<1x64x128xf32, #tpu.memory_space<vmem>> -> memref<64x128xf32, #tpu.memory_space<vmem>>
    %dma_wait3A_199 = arith.constant 128 : i32
    %dma_wait3A_200 = tpu.memref_slice %arg5[%dma_wait3A_199] : memref<6400xi32, #tpu.memory_space<vmem>> -> memref<64xi32, #tpu.memory_space<vmem>>
    %dma_wait3A_201 = arith.constant 0 : i32
    %dma_wait3A_202 = arith.constant 0 : i32
    %dma_wait3A_203 = tpu.memref_slice %arg3[%dma_wait3A_201, %dma_wait3A_202] : memref<100000x128xf32, #tpu.memory_space<hbm>> -> memref<100000x128xf32, #tpu.memory_space<hbm>>
    %dma_wait3A_204 = tpu.memref_slice %arg7[%dma_wait3A_194] : memref<10x!tpu.dma_semaphore, #tpu.memory_space<semaphore_mem>> -> memref<1x!tpu.dma_semaphore, #tpu.memory_space<semaphore_mem>>
    %dma_wait3A_205 = tpu.memref_squeeze %dma_wait3A_204 : memref<1x!tpu.dma_semaphore, #tpu.memory_space<semaphore_mem>> -> memref<!tpu.dma_semaphore, #tpu.memory_space<semaphore_mem>>
    tpu.wait_indirect_dma semaphore(%dma_wait3A_205 : memref<!tpu.dma_semaphore, #tpu.memory_space<semaphore_mem>>) src(%dma_wait3A_203 : memref<100000x128xf32, #tpu.memory_space<hbm>>) dst(%dma_wait3A_198 : memref<64x128xf32, #tpu.memory_space<vmem>>)
    %add3A_206 = arith.constant 128 : i32
    %add3A_207 = arith.addi %mul3A_2, %add3A_206 : i32
    %dma_start3A_208 = arith.constant 2 : i32
    %dma_start3A_209 = arith.constant 2 : i32
    %dma_start3A_210 = arith.constant 0 : i32
    %dma_start3A_211 = arith.constant 0 : i32
    %dma_start3A_212 = tpu.memref_slice %arg6[%dma_start3A_208, %dma_start3A_210, %dma_start3A_211] : memref<10x64x128xf32, #tpu.memory_space<vmem>> -> memref<1x64x128xf32, #tpu.memory_space<vmem>>
    %dma_start3A_213 = tpu.memref_squeeze %dma_start3A_212 : memref<1x64x128xf32, #tpu.memory_space<vmem>> -> memref<64x128xf32, #tpu.memory_space<vmem>>
    %dma_start3A_214 = arith.constant 0 : i32
    %dma_start3A_215 = tpu.memref_slice %arg4[%add3A_207, %dma_start3A_214] : memref<204800x128xf32, #tpu.memory_space<hbm>> -> memref<64x128xf32, #tpu.memory_space<hbm>>
    %dma_start3A_216 = tpu.memref_slice %arg8[%dma_start3A_209] : memref<10x!tpu.dma_semaphore, #tpu.memory_space<semaphore_mem>> -> memref<1x!tpu.dma_semaphore, #tpu.memory_space<semaphore_mem>>
    %dma_start3A_217 = tpu.memref_squeeze %dma_start3A_216 : memref<1x!tpu.dma_semaphore, #tpu.memory_space<semaphore_mem>> -> memref<!tpu.dma_semaphore, #tpu.memory_space<semaphore_mem>>
    %dma_start3A_218 = arith.constant 0 : i32
    %dma_start3A_219 = tpu.memref_slice %arg4[%add3A_207, %dma_start3A_218] : memref<204800x128xf32, #tpu.memory_space<hbm>> -> memref<64x128xf32, #tpu.memory_space<hbm>>
    %dma_start3A_220 = arith.constant 0 : i32
    %dma_start3A_221 = arith.constant 0 : i32
    %dma_start3A_222 = tpu.memref_slice %arg6[%dma_start3A_208, %dma_start3A_220, %dma_start3A_221] : memref<10x64x128xf32, #tpu.memory_space<vmem>> -> memref<1x64x128xf32, #tpu.memory_space<vmem>>
    %dma_start3A_223 = tpu.memref_squeeze %dma_start3A_222 : memref<1x64x128xf32, #tpu.memory_space<vmem>> -> memref<64x128xf32, #tpu.memory_space<vmem>>
    tpu.enqueue_dma source(%dma_start3A_223 : memref<64x128xf32, #tpu.memory_space<vmem>>) target(%dma_start3A_219 : memref<64x128xf32, #tpu.memory_space<hbm>>) target_semaphore(%dma_start3A_217 : memref<!tpu.dma_semaphore, #tpu.memory_space<semaphore_mem>>)
    %add3A_224 = arith.constant 128 : i32
    %add3A_225 = arith.addi %mul3A_2, %add3A_224 : i32
    %dma_wait3A_226 = arith.constant 0 : i32
    %dma_wait3A_227 = arith.constant 0 : i32
    %dma_wait3A_228 = arith.constant 0 : i32
    %dma_wait3A_229 = arith.constant 0 : i32
    %dma_wait3A_230 = tpu.memref_slice %arg6[%dma_wait3A_226, %dma_wait3A_228, %dma_wait3A_229] : memref<10x64x128xf32, #tpu.memory_space<vmem>> -> memref<1x64x128xf32, #tpu.memory_space<vmem>>
    %dma_wait3A_231 = tpu.memref_squeeze %dma_wait3A_230 : memref<1x64x128xf32, #tpu.memory_space<vmem>> -> memref<64x128xf32, #tpu.memory_space<vmem>>
    %dma_wait3A_232 = arith.constant 0 : i32
    %dma_wait3A_233 = tpu.memref_slice %arg4[%add3A_225, %dma_wait3A_232] : memref<204800x128xf32, #tpu.memory_space<hbm>> -> memref<64x128xf32, #tpu.memory_space<hbm>>
    %dma_wait3A_234 = tpu.memref_slice %arg8[%dma_wait3A_227] : memref<10x!tpu.dma_semaphore, #tpu.memory_space<semaphore_mem>> -> memref<1x!tpu.dma_semaphore, #tpu.memory_space<semaphore_mem>>
    %dma_wait3A_235 = tpu.memref_squeeze %dma_wait3A_234 : memref<1x!tpu.dma_semaphore, #tpu.memory_space<semaphore_mem>> -> memref<!tpu.dma_semaphore, #tpu.memory_space<semaphore_mem>>
    %dma_wait3A_236 = arith.constant 0 : i32
    %dma_wait3A_237 = tpu.memref_slice %arg4[%add3A_225, %dma_wait3A_236] : memref<204800x128xf32, #tpu.memory_space<hbm>> -> memref<64x128xf32, #tpu.memory_space<hbm>>
    %dma_wait3A_238 = arith.constant 0 : i32
    %dma_wait3A_239 = arith.constant 0 : i32
    %dma_wait3A_240 = tpu.memref_slice %arg6[%dma_wait3A_226, %dma_wait3A_238, %dma_wait3A_239] : memref<10x64x128xf32, #tpu.memory_space<vmem>> -> memref<1x64x128xf32, #tpu.memory_space<vmem>>
    %dma_wait3A_241 = tpu.memref_squeeze %dma_wait3A_240 : memref<1x64x128xf32, #tpu.memory_space<vmem>> -> memref<64x128xf32, #tpu.memory_space<vmem>>
    tpu.wait_dma2 semaphore(%dma_wait3A_235 : memref<!tpu.dma_semaphore, #tpu.memory_space<semaphore_mem>>) src(%dma_wait3A_241 : memref<64x128xf32, #tpu.memory_space<vmem>>) dst(%dma_wait3A_237 : memref<64x128xf32, #tpu.memory_space<hbm>>)
    %dma_start3A_242 = arith.constant 0 : i32
    %dma_start3A_243 = arith.constant 0 : i32
    %dma_start3A_244 = arith.constant 0 : i32
    %dma_start3A_245 = arith.constant 0 : i32
    %dma_start3A_246 = tpu.memref_slice %arg6[%dma_start3A_242, %dma_start3A_244, %dma_start3A_245] : memref<10x64x128xf32, #tpu.memory_space<vmem>> -> memref<1x64x128xf32, #tpu.memory_space<vmem>>
    %dma_start3A_247 = tpu.memref_squeeze %dma_start3A_246 : memref<1x64x128xf32, #tpu.memory_space<vmem>> -> memref<64x128xf32, #tpu.memory_space<vmem>>
    %dma_start3A_248 = arith.constant 640 : i32
    %dma_start3A_249 = tpu.memref_slice %arg5[%dma_start3A_248] : memref<6400xi32, #tpu.memory_space<vmem>> -> memref<64xi32, #tpu.memory_space<vmem>>
    %dma_start3A_250 = arith.constant 0 : i32
    %dma_start3A_251 = arith.constant 0 : i32
    %dma_start3A_252 = tpu.memref_slice %arg3[%dma_start3A_250, %dma_start3A_251] : memref<100000x128xf32, #tpu.memory_space<hbm>> -> memref<100000x128xf32, #tpu.memory_space<hbm>>
    %dma_start3A_253 = tpu.memref_slice %arg7[%dma_start3A_243] : memref<10x!tpu.dma_semaphore, #tpu.memory_space<semaphore_mem>> -> memref<1x!tpu.dma_semaphore, #tpu.memory_space<semaphore_mem>>
    %dma_start3A_254 = tpu.memref_squeeze %dma_start3A_253 : memref<1x!tpu.dma_semaphore, #tpu.memory_space<semaphore_mem>> -> memref<!tpu.dma_semaphore, #tpu.memory_space<semaphore_mem>>
    tpu.enqueue_indirect_dma source(%dma_start3A_252 : memref<100000x128xf32, #tpu.memory_space<hbm>>) target(%dma_start3A_247 : memref<64x128xf32, #tpu.memory_space<vmem>>) offsets(%dma_start3A_249 : memref<64xi32, #tpu.memory_space<vmem>>) semaphore(%dma_start3A_254 : memref<!tpu.dma_semaphore, #tpu.memory_space<semaphore_mem>>)
    %dma_wait3A_255 = arith.constant 3 : i32
    %dma_wait3A_256 = arith.constant 3 : i32
    %dma_wait3A_257 = arith.constant 0 : i32
    %dma_wait3A_258 = arith.constant 0 : i32
    %dma_wait3A_259 = tpu.memref_slice %arg6[%dma_wait3A_255, %dma_wait3A_257, %dma_wait3A_258] : memref<10x64x128xf32, #tpu.memory_space<vmem>> -> memref<1x64x128xf32, #tpu.memory_space<vmem>>
    %dma_wait3A_260 = tpu.memref_squeeze %dma_wait3A_259 : memref<1x64x128xf32, #tpu.memory_space<vmem>> -> memref<64x128xf32, #tpu.memory_space<vmem>>
    %dma_wait3A_261 = arith.constant 192 : i32
    %dma_wait3A_262 = tpu.memref_slice %arg5[%dma_wait3A_261] : memref<6400xi32, #tpu.memory_space<vmem>> -> memref<64xi32, #tpu.memory_space<vmem>>
    %dma_wait3A_263 = arith.constant 0 : i32
    %dma_wait3A_264 = arith.constant 0 : i32
    %dma_wait3A_265 = tpu.memref_slice %arg3[%dma_wait3A_263, %dma_wait3A_264] : memref<100000x128xf32, #tpu.memory_space<hbm>> -> memref<100000x128xf32, #tpu.memory_space<hbm>>
    %dma_wait3A_266 = tpu.memref_slice %arg7[%dma_wait3A_256] : memref<10x!tpu.dma_semaphore, #tpu.memory_space<semaphore_mem>> -> memref<1x!tpu.dma_semaphore, #tpu.memory_space<semaphore_mem>>
    %dma_wait3A_267 = tpu.memref_squeeze %dma_wait3A_266 : memref<1x!tpu.dma_semaphore, #tpu.memory_space<semaphore_mem>> -> memref<!tpu.dma_semaphore, #tpu.memory_space<semaphore_mem>>
    tpu.wait_indirect_dma semaphore(%dma_wait3A_267 : memref<!tpu.dma_semaphore, #tpu.memory_space<semaphore_mem>>) src(%dma_wait3A_265 : memref<100000x128xf32, #tpu.memory_space<hbm>>) dst(%dma_wait3A_260 : memref<64x128xf32, #tpu.memory_space<vmem>>)
    %add3A_268 = arith.constant 192 : i32
    %add3A_269 = arith.addi %mul3A_2, %add3A_268 : i32
    %dma_start3A_270 = arith.constant 3 : i32
    %dma_start3A_271 = arith.constant 3 : i32
    %dma_start3A_272 = arith.constant 0 : i32
    %dma_start3A_273 = arith.constant 0 : i32
    %dma_start3A_274 = tpu.memref_slice %arg6[%dma_start3A_270, %dma_start3A_272, %dma_start3A_273] : memref<10x64x128xf32, #tpu.memory_space<vmem>> -> memref<1x64x128xf32, #tpu.memory_space<vmem>>
    %dma_start3A_275 = tpu.memref_squeeze %dma_start3A_274 : memref<1x64x128xf32, #tpu.memory_space<vmem>> -> memref<64x128xf32, #tpu.memory_space<vmem>>
    %dma_start3A_276 = arith.constant 0 : i32
    %dma_start3A_277 = tpu.memref_slice %arg4[%add3A_269, %dma_start3A_276] : memref<204800x128xf32, #tpu.memory_space<hbm>> -> memref<64x128xf32, #tpu.memory_space<hbm>>
    %dma_start3A_278 = tpu.memref_slice %arg8[%dma_start3A_271] : memref<10x!tpu.dma_semaphore, #tpu.memory_space<semaphore_mem>> -> memref<1x!tpu.dma_semaphore, #tpu.memory_space<semaphore_mem>>
    %dma_start3A_279 = tpu.memref_squeeze %dma_start3A_278 : memref<1x!tpu.dma_semaphore, #tpu.memory_space<semaphore_mem>> -> memref<!tpu.dma_semaphore, #tpu.memory_space<semaphore_mem>>
    %dma_start3A_280 = arith.constant 0 : i32
    %dma_start3A_281 = tpu.memref_slice %arg4[%add3A_269, %dma_start3A_280] : memref<204800x128xf32, #tpu.memory_space<hbm>> -> memref<64x128xf32, #tpu.memory_space<hbm>>
    %dma_start3A_282 = arith.constant 0 : i32
    %dma_start3A_283 = arith.constant 0 : i32
    %dma_start3A_284 = tpu.memref_slice %arg6[%dma_start3A_270, %dma_start3A_282, %dma_start3A_283] : memref<10x64x128xf32, #tpu.memory_space<vmem>> -> memref<1x64x128xf32, #tpu.memory_space<vmem>>
    %dma_start3A_285 = tpu.memref_squeeze %dma_start3A_284 : memref<1x64x128xf32, #tpu.memory_space<vmem>> -> memref<64x128xf32, #tpu.memory_space<vmem>>
    tpu.enqueue_dma source(%dma_start3A_285 : memref<64x128xf32, #tpu.memory_space<vmem>>) target(%dma_start3A_281 : memref<64x128xf32, #tpu.memory_space<hbm>>) target_semaphore(%dma_start3A_279 : memref<!tpu.dma_semaphore, #tpu.memory_space<semaphore_mem>>)
    %add3A_286 = arith.constant 192 : i32
    %add3A_287 = arith.addi %mul3A_2, %add3A_286 : i32
    %dma_wait3A_288 = arith.constant 1 : i32
    %dma_wait3A_289 = arith.constant 1 : i32
    %dma_wait3A_290 = arith.constant 0 : i32
    %dma_wait3A_291 = arith.constant 0 : i32
    %dma_wait3A_292 = tpu.memref_slice %arg6[%dma_wait3A_288, %dma_wait3A_290, %dma_wait3A_291] : memref<10x64x128xf32, #tpu.memory_space<vmem>> -> memref<1x64x128xf32, #tpu.memory_space<vmem>>
    %dma_wait3A_293 = tpu.memref_squeeze %dma_wait3A_292 : memref<1x64x128xf32, #tpu.memory_space<vmem>> -> memref<64x128xf32, #tpu.memory_space<vmem>>
    %dma_wait3A_294 = arith.constant 0 : i32
    %dma_wait3A_295 = tpu.memref_slice %arg4[%add3A_287, %dma_wait3A_294] : memref<204800x128xf32, #tpu.memory_space<hbm>> -> memref<64x128xf32, #tpu.memory_space<hbm>>
    %dma_wait3A_296 = tpu.memref_slice %arg8[%dma_wait3A_289] : memref<10x!tpu.dma_semaphore, #tpu.memory_space<semaphore_mem>> -> memref<1x!tpu.dma_semaphore, #tpu.memory_space<semaphore_mem>>
    %dma_wait3A_297 = tpu.memref_squeeze %dma_wait3A_296 : memref<1x!tpu.dma_semaphore, #tpu.memory_space<semaphore_mem>> -> memref<!tpu.dma_semaphore, #tpu.memory_space<semaphore_mem>>
    %dma_wait3A_298 = arith.constant 0 : i32
    %dma_wait3A_299 = tpu.memref_slice %arg4[%add3A_287, %dma_wait3A_298] : memref<204800x128xf32, #tpu.memory_space<hbm>> -> memref<64x128xf32, #tpu.memory_space<hbm>>
    %dma_wait3A_300 = arith.constant 0 : i32
    %dma_wait3A_301 = arith.constant 0 : i32
    %dma_wait3A_302 = tpu.memref_slice %arg6[%dma_wait3A_288, %dma_wait3A_300, %dma_wait3A_301] : memref<10x64x128xf32, #tpu.memory_space<vmem>> -> memref<1x64x128xf32, #tpu.memory_space<vmem>>
    %dma_wait3A_303 = tpu.memref_squeeze %dma_wait3A_302 : memref<1x64x128xf32, #tpu.memory_space<vmem>> -> memref<64x128xf32, #tpu.memory_space<vmem>>
    tpu.wait_dma2 semaphore(%dma_wait3A_297 : memref<!tpu.dma_semaphore, #tpu.memory_space<semaphore_mem>>) src(%dma_wait3A_303 : memref<64x128xf32, #tpu.memory_space<vmem>>) dst(%dma_wait3A_299 : memref<64x128xf32, #tpu.memory_space<hbm>>)
    %dma_start3A_304 = arith.constant 1 : i32
    %dma_start3A_305 = arith.constant 1 : i32
    %dma_start3A_306 = arith.constant 0 : i32
    %dma_start3A_307 = arith.constant 0 : i32
    %dma_start3A_308 = tpu.memref_slice %arg6[%dma_start3A_304, %dma_start3A_306, %dma_start3A_307] : memref<10x64x128xf32, #tpu.memory_space<vmem>> -> memref<1x64x128xf32, #tpu.memory_space<vmem>>
    %dma_start3A_309 = tpu.memref_squeeze %dma_start3A_308 : memref<1x64x128xf32, #tpu.memory_space<vmem>> -> memref<64x128xf32, #tpu.memory_space<vmem>>
    %dma_start3A_310 = arith.constant 704 : i32
    %dma_start3A_311 = tpu.memref_slice %arg5[%dma_start3A_310] : memref<6400xi32, #tpu.memory_space<vmem>> -> memref<64xi32, #tpu.memory_space<vmem>>
    %dma_start3A_312 = arith.constant 0 : i32
    %dma_start3A_313 = arith.constant 0 : i32
    %dma_start3A_314 = tpu.memref_slice %arg3[%dma_start3A_312, %dma_start3A_313] : memref<100000x128xf32, #tpu.memory_space<hbm>> -> memref<100000x128xf32, #tpu.memory_space<hbm>>
    %dma_start3A_315 = tpu.memref_slice %arg7[%dma_start3A_305] : memref<10x!tpu.dma_semaphore, #tpu.memory_space<semaphore_mem>> -> memref<1x!tpu.dma_semaphore, #tpu.memory_space<semaphore_mem>>
    %dma_start3A_316 = tpu.memref_squeeze %dma_start3A_315 : memref<1x!tpu.dma_semaphore, #tpu.memory_space<semaphore_mem>> -> memref<!tpu.dma_semaphore, #tpu.memory_space<semaphore_mem>>
    tpu.enqueue_indirect_dma source(%dma_start3A_314 : memref<100000x128xf32, #tpu.memory_space<hbm>>) target(%dma_start3A_309 : memref<64x128xf32, #tpu.memory_space<vmem>>) offsets(%dma_start3A_311 : memref<64xi32, #tpu.memory_space<vmem>>) semaphore(%dma_start3A_316 : memref<!tpu.dma_semaphore, #tpu.memory_space<semaphore_mem>>)
    %dma_wait3A_317 = arith.constant 4 : i32
    %dma_wait3A_318 = arith.constant 4 : i32
    %dma_wait3A_319 = arith.constant 0 : i32
    %dma_wait3A_320 = arith.constant 0 : i32
    %dma_wait3A_321 = tpu.memref_slice %arg6[%dma_wait3A_317, %dma_wait3A_319, %dma_wait3A_320] : memref<10x64x128xf32, #tpu.memory_space<vmem>> -> memref<1x64x128xf32, #tpu.memory_space<vmem>>
    %dma_wait3A_322 = tpu.memref_squeeze %dma_wait3A_321 : memref<1x64x128xf32, #tpu.memory_space<vmem>> -> memref<64x128xf32, #tpu.memory_space<vmem>>
    %dma_wait3A_323 = arith.constant 256 : i32
    %dma_wait3A_324 = tpu.memref_slice %arg5[%dma_wait3A_323] : memref<6400xi32, #tpu.memory_space<vmem>> -> memref<64xi32, #tpu.memory_space<vmem>>
    %dma_wait3A_325 = arith.constant 0 : i32
    %dma_wait3A_326 = arith.constant 0 : i32
    %dma_wait3A_327 = tpu.memref_slice %arg3[%dma_wait3A_325, %dma_wait3A_326] : memref<100000x128xf32, #tpu.memory_space<hbm>> -> memref<100000x128xf32, #tpu.memory_space<hbm>>
    %dma_wait3A_328 = tpu.memref_slice %arg7[%dma_wait3A_318] : memref<10x!tpu.dma_semaphore, #tpu.memory_space<semaphore_mem>> -> memref<1x!tpu.dma_semaphore, #tpu.memory_space<semaphore_mem>>
    %dma_wait3A_329 = tpu.memref_squeeze %dma_wait3A_328 : memref<1x!tpu.dma_semaphore, #tpu.memory_space<semaphore_mem>> -> memref<!tpu.dma_semaphore, #tpu.memory_space<semaphore_mem>>
    tpu.wait_indirect_dma semaphore(%dma_wait3A_329 : memref<!tpu.dma_semaphore, #tpu.memory_space<semaphore_mem>>) src(%dma_wait3A_327 : memref<100000x128xf32, #tpu.memory_space<hbm>>) dst(%dma_wait3A_322 : memref<64x128xf32, #tpu.memory_space<vmem>>)
    %add3A_330 = arith.constant 256 : i32
    %add3A_331 = arith.addi %mul3A_2, %add3A_330 : i32
    %dma_start3A_332 = arith.constant 4 : i32
    %dma_start3A_333 = arith.constant 4 : i32
    %dma_start3A_334 = arith.constant 0 : i32
    %dma_start3A_335 = arith.constant 0 : i32
    %dma_start3A_336 = tpu.memref_slice %arg6[%dma_start3A_332, %dma_start3A_334, %dma_start3A_335] : memref<10x64x128xf32, #tpu.memory_space<vmem>> -> memref<1x64x128xf32, #tpu.memory_space<vmem>>
    %dma_start3A_337 = tpu.memref_squeeze %dma_start3A_336 : memref<1x64x128xf32, #tpu.memory_space<vmem>> -> memref<64x128xf32, #tpu.memory_space<vmem>>
    %dma_start3A_338 = arith.constant 0 : i32
    %dma_start3A_339 = tpu.memref_slice %arg4[%add3A_331, %dma_start3A_338] : memref<204800x128xf32, #tpu.memory_space<hbm>> -> memref<64x128xf32, #tpu.memory_space<hbm>>
    %dma_start3A_340 = tpu.memref_slice %arg8[%dma_start3A_333] : memref<10x!tpu.dma_semaphore, #tpu.memory_space<semaphore_mem>> -> memref<1x!tpu.dma_semaphore, #tpu.memory_space<semaphore_mem>>
    %dma_start3A_341 = tpu.memref_squeeze %dma_start3A_340 : memref<1x!tpu.dma_semaphore, #tpu.memory_space<semaphore_mem>> -> memref<!tpu.dma_semaphore, #tpu.memory_space<semaphore_mem>>
    %dma_start3A_342 = arith.constant 0 : i32
    %dma_start3A_343 = tpu.memref_slice %arg4[%add3A_331, %dma_start3A_342] : memref<204800x128xf32, #tpu.memory_space<hbm>> -> memref<64x128xf32, #tpu.memory_space<hbm>>
    %dma_start3A_344 = arith.constant 0 : i32
    %dma_start3A_345 = arith.constant 0 : i32
    %dma_start3A_346 = tpu.memref_slice %arg6[%dma_start3A_332, %dma_start3A_344, %dma_start3A_345] : memref<10x64x128xf32, #tpu.memory_space<vmem>> -> memref<1x64x128xf32, #tpu.memory_space<vmem>>
    %dma_start3A_347 = tpu.memref_squeeze %dma_start3A_346 : memref<1x64x128xf32, #tpu.memory_space<vmem>> -> memref<64x128xf32, #tpu.memory_space<vmem>>
    tpu.enqueue_dma source(%dma_start3A_347 : memref<64x128xf32, #tpu.memory_space<vmem>>) target(%dma_start3A_343 : memref<64x128xf32, #tpu.memory_space<hbm>>) target_semaphore(%dma_start3A_341 : memref<!tpu.dma_semaphore, #tpu.memory_space<semaphore_mem>>)
    %add3A_348 = arith.constant 256 : i32
    %add3A_349 = arith.addi %mul3A_2, %add3A_348 : i32
    %dma_wait3A_350 = arith.constant 2 : i32
    %dma_wait3A_351 = arith.constant 2 : i32
    %dma_wait3A_352 = arith.constant 0 : i32
    %dma_wait3A_353 = arith.constant 0 : i32
    %dma_wait3A_354 = tpu.memref_slice %arg6[%dma_wait3A_350, %dma_wait3A_352, %dma_wait3A_353] : memref<10x64x128xf32, #tpu.memory_space<vmem>> -> memref<1x64x128xf32, #tpu.memory_space<vmem>>
    %dma_wait3A_355 = tpu.memref_squeeze %dma_wait3A_354 : memref<1x64x128xf32, #tpu.memory_space<vmem>> -> memref<64x128xf32, #tpu.memory_space<vmem>>
    %dma_wait3A_356 = arith.constant 0 : i32
    %dma_wait3A_357 = tpu.memref_slice %arg4[%add3A_349, %dma_wait3A_356] : memref<204800x128xf32, #tpu.memory_space<hbm>> -> memref<64x128xf32, #tpu.memory_space<hbm>>
    %dma_wait3A_358 = tpu.memref_slice %arg8[%dma_wait3A_351] : memref<10x!tpu.dma_semaphore, #tpu.memory_space<semaphore_mem>> -> memref<1x!tpu.dma_semaphore, #tpu.memory_space<semaphore_mem>>
    %dma_wait3A_359 = tpu.memref_squeeze %dma_wait3A_358 : memref<1x!tpu.dma_semaphore, #tpu.memory_space<semaphore_mem>> -> memref<!tpu.dma_semaphore, #tpu.memory_space<semaphore_mem>>
    %dma_wait3A_360 = arith.constant 0 : i32
    %dma_wait3A_361 = tpu.memref_slice %arg4[%add3A_349, %dma_wait3A_360] : memref<204800x128xf32, #tpu.memory_space<hbm>> -> memref<64x128xf32, #tpu.memory_space<hbm>>
    %dma_wait3A_362 = arith.constant 0 : i32
    %dma_wait3A_363 = arith.constant 0 : i32
    %dma_wait3A_364 = tpu.memref_slice %arg6[%dma_wait3A_350, %dma_wait3A_362, %dma_wait3A_363] : memref<10x64x128xf32, #tpu.memory_space<vmem>> -> memref<1x64x128xf32, #tpu.memory_space<vmem>>
    %dma_wait3A_365 = tpu.memref_squeeze %dma_wait3A_364 : memref<1x64x128xf32, #tpu.memory_space<vmem>> -> memref<64x128xf32, #tpu.memory_space<vmem>>
    tpu.wait_dma2 semaphore(%dma_wait3A_359 : memref<!tpu.dma_semaphore, #tpu.memory_space<semaphore_mem>>) src(%dma_wait3A_365 : memref<64x128xf32, #tpu.memory_space<vmem>>) dst(%dma_wait3A_361 : memref<64x128xf32, #tpu.memory_space<hbm>>)
    %dma_start3A_366 = arith.constant 2 : i32
    %dma_start3A_367 = arith.constant 2 : i32
    %dma_start3A_368 = arith.constant 0 : i32
    %dma_start3A_369 = arith.constant 0 : i32
    %dma_start3A_370 = tpu.memref_slice %arg6[%dma_start3A_366, %dma_start3A_368, %dma_start3A_369] : memref<10x64x128xf32, #tpu.memory_space<vmem>> -> memref<1x64x128xf32, #tpu.memory_space<vmem>>
    %dma_start3A_371 = tpu.memref_squeeze %dma_start3A_370 : memref<1x64x128xf32, #tpu.memory_space<vmem>> -> memref<64x128xf32, #tpu.memory_space<vmem>>
    %dma_start3A_372 = arith.constant 768 : i32
    %dma_start3A_373 = tpu.memref_slice %arg5[%dma_start3A_372] : memref<6400xi32, #tpu.memory_space<vmem>> -> memref<64xi32, #tpu.memory_space<vmem>>
    %dma_start3A_374 = arith.constant 0 : i32
    %dma_start3A_375 = arith.constant 0 : i32
    %dma_start3A_376 = tpu.memref_slice %arg3[%dma_start3A_374, %dma_start3A_375] : memref<100000x128xf32, #tpu.memory_space<hbm>> -> memref<100000x128xf32, #tpu.memory_space<hbm>>
    %dma_start3A_377 = tpu.memref_slice %arg7[%dma_start3A_367] : memref<10x!tpu.dma_semaphore, #tpu.memory_space<semaphore_mem>> -> memref<1x!tpu.dma_semaphore, #tpu.memory_space<semaphore_mem>>
    %dma_start3A_378 = tpu.memref_squeeze %dma_start3A_377 : memref<1x!tpu.dma_semaphore, #tpu.memory_space<semaphore_mem>> -> memref<!tpu.dma_semaphore, #tpu.memory_space<semaphore_mem>>
    tpu.enqueue_indirect_dma source(%dma_start3A_376 : memref<100000x128xf32, #tpu.memory_space<hbm>>) target(%dma_start3A_371 : memref<64x128xf32, #tpu.memory_space<vmem>>) offsets(%dma_start3A_373 : memref<64xi32, #tpu.memory_space<vmem>>) semaphore(%dma_start3A_378 : memref<!tpu.dma_semaphore, #tpu.memory_space<semaphore_mem>>)
    %dma_wait3A_379 = arith.constant 5 : i32
    %dma_wait3A_380 = arith.constant 5 : i32
    %dma_wait3A_381 = arith.constant 0 : i32
    %dma_wait3A_382 = arith.constant 0 : i32
    %dma_wait3A_383 = tpu.memref_slice %arg6[%dma_wait3A_379, %dma_wait3A_381, %dma_wait3A_382] : memref<10x64x128xf32, #tpu.memory_space<vmem>> -> memref<1x64x128xf32, #tpu.memory_space<vmem>>
    %dma_wait3A_384 = tpu.memref_squeeze %dma_wait3A_383 : memref<1x64x128xf32, #tpu.memory_space<vmem>> -> memref<64x128xf32, #tpu.memory_space<vmem>>
    %dma_wait3A_385 = arith.constant 320 : i32
    %dma_wait3A_386 = tpu.memref_slice %arg5[%dma_wait3A_385] : memref<6400xi32, #tpu.memory_space<vmem>> -> memref<64xi32, #tpu.memory_space<vmem>>
    %dma_wait3A_387 = arith.constant 0 : i32
    %dma_wait3A_388 = arith.constant 0 : i32
    %dma_wait3A_389 = tpu.memref_slice %arg3[%dma_wait3A_387, %dma_wait3A_388] : memref<100000x128xf32, #tpu.memory_space<hbm>> -> memref<100000x128xf32, #tpu.memory_space<hbm>>
    %dma_wait3A_390 = tpu.memref_slice %arg7[%dma_wait3A_380] : memref<10x!tpu.dma_semaphore, #tpu.memory_space<semaphore_mem>> -> memref<1x!tpu.dma_semaphore, #tpu.memory_space<semaphore_mem>>
    %dma_wait3A_391 = tpu.memref_squeeze %dma_wait3A_390 : memref<1x!tpu.dma_semaphore, #tpu.memory_space<semaphore_mem>> -> memref<!tpu.dma_semaphore, #tpu.memory_space<semaphore_mem>>
    tpu.wait_indirect_dma semaphore(%dma_wait3A_391 : memref<!tpu.dma_semaphore, #tpu.memory_space<semaphore_mem>>) src(%dma_wait3A_389 : memref<100000x128xf32, #tpu.memory_space<hbm>>) dst(%dma_wait3A_384 : memref<64x128xf32, #tpu.memory_space<vmem>>)
    %add3A_392 = arith.constant 320 : i32
    %add3A_393 = arith.addi %mul3A_2, %add3A_392 : i32
    %dma_start3A_394 = arith.constant 5 : i32
    %dma_start3A_395 = arith.constant 5 : i32
    %dma_start3A_396 = arith.constant 0 : i32
    %dma_start3A_397 = arith.constant 0 : i32
    %dma_start3A_398 = tpu.memref_slice %arg6[%dma_start3A_394, %dma_start3A_396, %dma_start3A_397] : memref<10x64x128xf32, #tpu.memory_space<vmem>> -> memref<1x64x128xf32, #tpu.memory_space<vmem>>
    %dma_start3A_399 = tpu.memref_squeeze %dma_start3A_398 : memref<1x64x128xf32, #tpu.memory_space<vmem>> -> memref<64x128xf32, #tpu.memory_space<vmem>>
    %dma_start3A_400 = arith.constant 0 : i32
    %dma_start3A_401 = tpu.memref_slice %arg4[%add3A_393, %dma_start3A_400] : memref<204800x128xf32, #tpu.memory_space<hbm>> -> memref<64x128xf32, #tpu.memory_space<hbm>>
    %dma_start3A_402 = tpu.memref_slice %arg8[%dma_start3A_395] : memref<10x!tpu.dma_semaphore, #tpu.memory_space<semaphore_mem>> -> memref<1x!tpu.dma_semaphore, #tpu.memory_space<semaphore_mem>>
    %dma_start3A_403 = tpu.memref_squeeze %dma_start3A_402 : memref<1x!tpu.dma_semaphore, #tpu.memory_space<semaphore_mem>> -> memref<!tpu.dma_semaphore, #tpu.memory_space<semaphore_mem>>
    %dma_start3A_404 = arith.constant 0 : i32
    %dma_start3A_405 = tpu.memref_slice %arg4[%add3A_393, %dma_start3A_404] : memref<204800x128xf32, #tpu.memory_space<hbm>> -> memref<64x128xf32, #tpu.memory_space<hbm>>
    %dma_start3A_406 = arith.constant 0 : i32
    %dma_start3A_407 = arith.constant 0 : i32
    %dma_start3A_408 = tpu.memref_slice %arg6[%dma_start3A_394, %dma_start3A_406, %dma_start3A_407] : memref<10x64x128xf32, #tpu.memory_space<vmem>> -> memref<1x64x128xf32, #tpu.memory_space<vmem>>
    %dma_start3A_409 = tpu.memref_squeeze %dma_start3A_408 : memref<1x64x128xf32, #tpu.memory_space<vmem>> -> memref<64x128xf32, #tpu.memory_space<vmem>>
    tpu.enqueue_dma source(%dma_start3A_409 : memref<64x128xf32, #tpu.memory_space<vmem>>) target(%dma_start3A_405 : memref<64x128xf32, #tpu.memory_space<hbm>>) target_semaphore(%dma_start3A_403 : memref<!tpu.dma_semaphore, #tpu.memory_space<semaphore_mem>>)
    %add3A_410 = arith.constant 320 : i32
    %add3A_411 = arith.addi %mul3A_2, %add3A_410 : i32
    %dma_wait3A_412 = arith.constant 3 : i32
    %dma_wait3A_413 = arith.constant 3 : i32
    %dma_wait3A_414 = arith.constant 0 : i32
    %dma_wait3A_415 = arith.constant 0 : i32
    %dma_wait3A_416 = tpu.memref_slice %arg6[%dma_wait3A_412, %dma_wait3A_414, %dma_wait3A_415] : memref<10x64x128xf32, #tpu.memory_space<vmem>> -> memref<1x64x128xf32, #tpu.memory_space<vmem>>
    %dma_wait3A_417 = tpu.memref_squeeze %dma_wait3A_416 : memref<1x64x128xf32, #tpu.memory_space<vmem>> -> memref<64x128xf32, #tpu.memory_space<vmem>>
    %dma_wait3A_418 = arith.constant 0 : i32
    %dma_wait3A_419 = tpu.memref_slice %arg4[%add3A_411, %dma_wait3A_418] : memref<204800x128xf32, #tpu.memory_space<hbm>> -> memref<64x128xf32, #tpu.memory_space<hbm>>
    %dma_wait3A_420 = tpu.memref_slice %arg8[%dma_wait3A_413] : memref<10x!tpu.dma_semaphore, #tpu.memory_space<semaphore_mem>> -> memref<1x!tpu.dma_semaphore, #tpu.memory_space<semaphore_mem>>
    %dma_wait3A_421 = tpu.memref_squeeze %dma_wait3A_420 : memref<1x!tpu.dma_semaphore, #tpu.memory_space<semaphore_mem>> -> memref<!tpu.dma_semaphore, #tpu.memory_space<semaphore_mem>>
    %dma_wait3A_422 = arith.constant 0 : i32
    %dma_wait3A_423 = tpu.memref_slice %arg4[%add3A_411, %dma_wait3A_422] : memref<204800x128xf32, #tpu.memory_space<hbm>> -> memref<64x128xf32, #tpu.memory_space<hbm>>
    %dma_wait3A_424 = arith.constant 0 : i32
    %dma_wait3A_425 = arith.constant 0 : i32
    %dma_wait3A_426 = tpu.memref_slice %arg6[%dma_wait3A_412, %dma_wait3A_424, %dma_wait3A_425] : memref<10x64x128xf32, #tpu.memory_space<vmem>> -> memref<1x64x128xf32, #tpu.memory_space<vmem>>
    %dma_wait3A_427 = tpu.memref_squeeze %dma_wait3A_426 : memref<1x64x128xf32, #tpu.memory_space<vmem>> -> memref<64x128xf32, #tpu.memory_space<vmem>>
    tpu.wait_dma2 semaphore(%dma_wait3A_421 : memref<!tpu.dma_semaphore, #tpu.memory_space<semaphore_mem>>) src(%dma_wait3A_427 : memref<64x128xf32, #tpu.memory_space<vmem>>) dst(%dma_wait3A_423 : memref<64x128xf32, #tpu.memory_space<hbm>>)
    %dma_start3A_428 = arith.constant 3 : i32
    %dma_start3A_429 = arith.constant 3 : i32
    %dma_start3A_430 = arith.constant 0 : i32
    %dma_start3A_431 = arith.constant 0 : i32
    %dma_start3A_432 = tpu.memref_slice %arg6[%dma_start3A_428, %dma_start3A_430, %dma_start3A_431] : memref<10x64x128xf32, #tpu.memory_space<vmem>> -> memref<1x64x128xf32, #tpu.memory_space<vmem>>
    %dma_start3A_433 = tpu.memref_squeeze %dma_start3A_432 : memref<1x64x128xf32, #tpu.memory_space<vmem>> -> memref<64x128xf32, #tpu.memory_space<vmem>>
    %dma_start3A_434 = arith.constant 832 : i32
    %dma_start3A_435 = tpu.memref_slice %arg5[%dma_start3A_434] : memref<6400xi32, #tpu.memory_space<vmem>> -> memref<64xi32, #tpu.memory_space<vmem>>
    %dma_start3A_436 = arith.constant 0 : i32
    %dma_start3A_437 = arith.constant 0 : i32
    %dma_start3A_438 = tpu.memref_slice %arg3[%dma_start3A_436, %dma_start3A_437] : memref<100000x128xf32, #tpu.memory_space<hbm>> -> memref<100000x128xf32, #tpu.memory_space<hbm>>
    %dma_start3A_439 = tpu.memref_slice %arg7[%dma_start3A_429] : memref<10x!tpu.dma_semaphore, #tpu.memory_space<semaphore_mem>> -> memref<1x!tpu.dma_semaphore, #tpu.memory_space<semaphore_mem>>
    %dma_start3A_440 = tpu.memref_squeeze %dma_start3A_439 : memref<1x!tpu.dma_semaphore, #tpu.memory_space<semaphore_mem>> -> memref<!tpu.dma_semaphore, #tpu.memory_space<semaphore_mem>>
    tpu.enqueue_indirect_dma source(%dma_start3A_438 : memref<100000x128xf32, #tpu.memory_space<hbm>>) target(%dma_start3A_433 : memref<64x128xf32, #tpu.memory_space<vmem>>) offsets(%dma_start3A_435 : memref<64xi32, #tpu.memory_space<vmem>>) semaphore(%dma_start3A_440 : memref<!tpu.dma_semaphore, #tpu.memory_space<semaphore_mem>>)
    %dma_wait3A_441 = arith.constant 6 : i32
    %dma_wait3A_442 = arith.constant 6 : i32
    %dma_wait3A_443 = arith.constant 0 : i32
    %dma_wait3A_444 = arith.constant 0 : i32
    %dma_wait3A_445 = tpu.memref_slice %arg6[%dma_wait3A_441, %dma_wait3A_443, %dma_wait3A_444] : memref<10x64x128xf32, #tpu.memory_space<vmem>> -> memref<1x64x128xf32, #tpu.memory_space<vmem>>
    %dma_wait3A_446 = tpu.memref_squeeze %dma_wait3A_445 : memref<1x64x128xf32, #tpu.memory_space<vmem>> -> memref<64x128xf32, #tpu.memory_space<vmem>>
    %dma_wait3A_447 = arith.constant 384 : i32
    %dma_wait3A_448 = tpu.memref_slice %arg5[%dma_wait3A_447] : memref<6400xi32, #tpu.memory_space<vmem>> -> memref<64xi32, #tpu.memory_space<vmem>>
    %dma_wait3A_449 = arith.constant 0 : i32
    %dma_wait3A_450 = arith.constant 0 : i32
    %dma_wait3A_451 = tpu.memref_slice %arg3[%dma_wait3A_449, %dma_wait3A_450] : memref<100000x128xf32, #tpu.memory_space<hbm>> -> memref<100000x128xf32, #tpu.memory_space<hbm>>
    %dma_wait3A_452 = tpu.memref_slice %arg7[%dma_wait3A_442] : memref<10x!tpu.dma_semaphore, #tpu.memory_space<semaphore_mem>> -> memref<1x!tpu.dma_semaphore, #tpu.memory_space<semaphore_mem>>
    %dma_wait3A_453 = tpu.memref_squeeze %dma_wait3A_452 : memref<1x!tpu.dma_semaphore, #tpu.memory_space<semaphore_mem>> -> memref<!tpu.dma_semaphore, #tpu.memory_space<semaphore_mem>>
    tpu.wait_indirect_dma semaphore(%dma_wait3A_453 : memref<!tpu.dma_semaphore, #tpu.memory_space<semaphore_mem>>) src(%dma_wait3A_451 : memref<100000x128xf32, #tpu.memory_space<hbm>>) dst(%dma_wait3A_446 : memref<64x128xf32, #tpu.memory_space<vmem>>)
    %add3A_454 = arith.constant 384 : i32
    %add3A_455 = arith.addi %mul3A_2, %add3A_454 : i32
    %dma_start3A_456 = arith.constant 6 : i32
    %dma_start3A_457 = arith.constant 6 : i32
    %dma_start3A_458 = arith.constant 0 : i32
    %dma_start3A_459 = arith.constant 0 : i32
    %dma_start3A_460 = tpu.memref_slice %arg6[%dma_start3A_456, %dma_start3A_458, %dma_start3A_459] : memref<10x64x128xf32, #tpu.memory_space<vmem>> -> memref<1x64x128xf32, #tpu.memory_space<vmem>>
    %dma_start3A_461 = tpu.memref_squeeze %dma_start3A_460 : memref<1x64x128xf32, #tpu.memory_space<vmem>> -> memref<64x128xf32, #tpu.memory_space<vmem>>
    %dma_start3A_462 = arith.constant 0 : i32
    %dma_start3A_463 = tpu.memref_slice %arg4[%add3A_455, %dma_start3A_462] : memref<204800x128xf32, #tpu.memory_space<hbm>> -> memref<64x128xf32, #tpu.memory_space<hbm>>
    %dma_start3A_464 = tpu.memref_slice %arg8[%dma_start3A_457] : memref<10x!tpu.dma_semaphore, #tpu.memory_space<semaphore_mem>> -> memref<1x!tpu.dma_semaphore, #tpu.memory_space<semaphore_mem>>
    %dma_start3A_465 = tpu.memref_squeeze %dma_start3A_464 : memref<1x!tpu.dma_semaphore, #tpu.memory_space<semaphore_mem>> -> memref<!tpu.dma_semaphore, #tpu.memory_space<semaphore_mem>>
    %dma_start3A_466 = arith.constant 0 : i32
    %dma_start3A_467 = tpu.memref_slice %arg4[%add3A_455, %dma_start3A_466] : memref<204800x128xf32, #tpu.memory_space<hbm>> -> memref<64x128xf32, #tpu.memory_space<hbm>>
    %dma_start3A_468 = arith.constant 0 : i32
    %dma_start3A_469 = arith.constant 0 : i32
    %dma_start3A_470 = tpu.memref_slice %arg6[%dma_start3A_456, %dma_start3A_468, %dma_start3A_469] : memref<10x64x128xf32, #tpu.memory_space<vmem>> -> memref<1x64x128xf32, #tpu.memory_space<vmem>>
    %dma_start3A_471 = tpu.memref_squeeze %dma_start3A_470 : memref<1x64x128xf32, #tpu.memory_space<vmem>> -> memref<64x128xf32, #tpu.memory_space<vmem>>
    tpu.enqueue_dma source(%dma_start3A_471 : memref<64x128xf32, #tpu.memory_space<vmem>>) target(%dma_start3A_467 : memref<64x128xf32, #tpu.memory_space<hbm>>) target_semaphore(%dma_start3A_465 : memref<!tpu.dma_semaphore, #tpu.memory_space<semaphore_mem>>)
    %add3A_472 = arith.constant 384 : i32
    %add3A_473 = arith.addi %mul3A_2, %add3A_472 : i32
    %dma_wait3A_474 = arith.constant 4 : i32
    %dma_wait3A_475 = arith.constant 4 : i32
    %dma_wait3A_476 = arith.constant 0 : i32
    %dma_wait3A_477 = arith.constant 0 : i32
    %dma_wait3A_478 = tpu.memref_slice %arg6[%dma_wait3A_474, %dma_wait3A_476, %dma_wait3A_477] : memref<10x64x128xf32, #tpu.memory_space<vmem>> -> memref<1x64x128xf32, #tpu.memory_space<vmem>>
    %dma_wait3A_479 = tpu.memref_squeeze %dma_wait3A_478 : memref<1x64x128xf32, #tpu.memory_space<vmem>> -> memref<64x128xf32, #tpu.memory_space<vmem>>
    %dma_wait3A_480 = arith.constant 0 : i32
    %dma_wait3A_481 = tpu.memref_slice %arg4[%add3A_473, %dma_wait3A_480] : memref<204800x128xf32, #tpu.memory_space<hbm>> -> memref<64x128xf32, #tpu.memory_space<hbm>>
    %dma_wait3A_482 = tpu.memref_slice %arg8[%dma_wait3A_475] : memref<10x!tpu.dma_semaphore, #tpu.memory_space<semaphore_mem>> -> memref<1x!tpu.dma_semaphore, #tpu.memory_space<semaphore_mem>>
    %dma_wait3A_483 = tpu.memref_squeeze %dma_wait3A_482 : memref<1x!tpu.dma_semaphore, #tpu.memory_space<semaphore_mem>> -> memref<!tpu.dma_semaphore, #tpu.memory_space<semaphore_mem>>
    %dma_wait3A_484 = arith.constant 0 : i32
    %dma_wait3A_485 = tpu.memref_slice %arg4[%add3A_473, %dma_wait3A_484] : memref<204800x128xf32, #tpu.memory_space<hbm>> -> memref<64x128xf32, #tpu.memory_space<hbm>>
    %dma_wait3A_486 = arith.constant 0 : i32
    %dma_wait3A_487 = arith.constant 0 : i32
    %dma_wait3A_488 = tpu.memref_slice %arg6[%dma_wait3A_474, %dma_wait3A_486, %dma_wait3A_487] : memref<10x64x128xf32, #tpu.memory_space<vmem>> -> memref<1x64x128xf32, #tpu.memory_space<vmem>>
    %dma_wait3A_489 = tpu.memref_squeeze %dma_wait3A_488 : memref<1x64x128xf32, #tpu.memory_space<vmem>> -> memref<64x128xf32, #tpu.memory_space<vmem>>
    tpu.wait_dma2 semaphore(%dma_wait3A_483 : memref<!tpu.dma_semaphore, #tpu.memory_space<semaphore_mem>>) src(%dma_wait3A_489 : memref<64x128xf32, #tpu.memory_space<vmem>>) dst(%dma_wait3A_485 : memref<64x128xf32, #tpu.memory_space<hbm>>)
    %dma_start3A_490 = arith.constant 4 : i32
    %dma_start3A_491 = arith.constant 4 : i32
    %dma_start3A_492 = arith.constant 0 : i32
    %dma_start3A_493 = arith.constant 0 : i32
    %dma_start3A_494 = tpu.memref_slice %arg6[%dma_start3A_490, %dma_start3A_492, %dma_start3A_493] : memref<10x64x128xf32, #tpu.memory_space<vmem>> -> memref<1x64x128xf32, #tpu.memory_space<vmem>>
    %dma_start3A_495 = tpu.memref_squeeze %dma_start3A_494 : memref<1x64x128xf32, #tpu.memory_space<vmem>> -> memref<64x128xf32, #tpu.memory_space<vmem>>
    %dma_start3A_496 = arith.constant 896 : i32
    %dma_start3A_497 = tpu.memref_slice %arg5[%dma_start3A_496] : memref<6400xi32, #tpu.memory_space<vmem>> -> memref<64xi32, #tpu.memory_space<vmem>>
    %dma_start3A_498 = arith.constant 0 : i32
    %dma_start3A_499 = arith.constant 0 : i32
    %dma_start3A_500 = tpu.memref_slice %arg3[%dma_start3A_498, %dma_start3A_499] : memref<100000x128xf32, #tpu.memory_space<hbm>> -> memref<100000x128xf32, #tpu.memory_space<hbm>>
    %dma_start3A_501 = tpu.memref_slice %arg7[%dma_start3A_491] : memref<10x!tpu.dma_semaphore, #tpu.memory_space<semaphore_mem>> -> memref<1x!tpu.dma_semaphore, #tpu.memory_space<semaphore_mem>>
    %dma_start3A_502 = tpu.memref_squeeze %dma_start3A_501 : memref<1x!tpu.dma_semaphore, #tpu.memory_space<semaphore_mem>> -> memref<!tpu.dma_semaphore, #tpu.memory_space<semaphore_mem>>
    tpu.enqueue_indirect_dma source(%dma_start3A_500 : memref<100000x128xf32, #tpu.memory_space<hbm>>) target(%dma_start3A_495 : memref<64x128xf32, #tpu.memory_space<vmem>>) offsets(%dma_start3A_497 : memref<64xi32, #tpu.memory_space<vmem>>) semaphore(%dma_start3A_502 : memref<!tpu.dma_semaphore, #tpu.memory_space<semaphore_mem>>)
    %dma_wait3A_503 = arith.constant 7 : i32
    %dma_wait3A_504 = arith.constant 7 : i32
    %dma_wait3A_505 = arith.constant 0 : i32
    %dma_wait3A_506 = arith.constant 0 : i32
    %dma_wait3A_507 = tpu.memref_slice %arg6[%dma_wait3A_503, %dma_wait3A_505, %dma_wait3A_506] : memref<10x64x128xf32, #tpu.memory_space<vmem>> -> memref<1x64x128xf32, #tpu.memory_space<vmem>>
    %dma_wait3A_508 = tpu.memref_squeeze %dma_wait3A_507 : memref<1x64x128xf32, #tpu.memory_space<vmem>> -> memref<64x128xf32, #tpu.memory_space<vmem>>
    %dma_wait3A_509 = arith.constant 448 : i32
    %dma_wait3A_510 = tpu.memref_slice %arg5[%dma_wait3A_509] : memref<6400xi32, #tpu.memory_space<vmem>> -> memref<64xi32, #tpu.memory_space<vmem>>
    %dma_wait3A_511 = arith.constant 0 : i32
    %dma_wait3A_512 = arith.constant 0 : i32
    %dma_wait3A_513 = tpu.memref_slice %arg3[%dma_wait3A_511, %dma_wait3A_512] : memref<100000x128xf32, #tpu.memory_space<hbm>> -> memref<100000x128xf32, #tpu.memory_space<hbm>>
    %dma_wait3A_514 = tpu.memref_slice %arg7[%dma_wait3A_504] : memref<10x!tpu.dma_semaphore, #tpu.memory_space<semaphore_mem>> -> memref<1x!tpu.dma_semaphore, #tpu.memory_space<semaphore_mem>>
    %dma_wait3A_515 = tpu.memref_squeeze %dma_wait3A_514 : memref<1x!tpu.dma_semaphore, #tpu.memory_space<semaphore_mem>> -> memref<!tpu.dma_semaphore, #tpu.memory_space<semaphore_mem>>
    tpu.wait_indirect_dma semaphore(%dma_wait3A_515 : memref<!tpu.dma_semaphore, #tpu.memory_space<semaphore_mem>>) src(%dma_wait3A_513 : memref<100000x128xf32, #tpu.memory_space<hbm>>) dst(%dma_wait3A_508 : memref<64x128xf32, #tpu.memory_space<vmem>>)
    %add3A_516 = arith.constant 448 : i32
    %add3A_517 = arith.addi %mul3A_2, %add3A_516 : i32
    %dma_start3A_518 = arith.constant 7 : i32
    %dma_start3A_519 = arith.constant 7 : i32
    %dma_start3A_520 = arith.constant 0 : i32
    %dma_start3A_521 = arith.constant 0 : i32
    %dma_start3A_522 = tpu.memref_slice %arg6[%dma_start3A_518, %dma_start3A_520, %dma_start3A_521] : memref<10x64x128xf32, #tpu.memory_space<vmem>> -> memref<1x64x128xf32, #tpu.memory_space<vmem>>
    %dma_start3A_523 = tpu.memref_squeeze %dma_start3A_522 : memref<1x64x128xf32, #tpu.memory_space<vmem>> -> memref<64x128xf32, #tpu.memory_space<vmem>>
    %dma_start3A_524 = arith.constant 0 : i32
    %dma_start3A_525 = tpu.memref_slice %arg4[%add3A_517, %dma_start3A_524] : memref<204800x128xf32, #tpu.memory_space<hbm>> -> memref<64x128xf32, #tpu.memory_space<hbm>>
    %dma_start3A_526 = tpu.memref_slice %arg8[%dma_start3A_519] : memref<10x!tpu.dma_semaphore, #tpu.memory_space<semaphore_mem>> -> memref<1x!tpu.dma_semaphore, #tpu.memory_space<semaphore_mem>>
    %dma_start3A_527 = tpu.memref_squeeze %dma_start3A_526 : memref<1x!tpu.dma_semaphore, #tpu.memory_space<semaphore_mem>> -> memref<!tpu.dma_semaphore, #tpu.memory_space<semaphore_mem>>
    %dma_start3A_528 = arith.constant 0 : i32
    %dma_start3A_529 = tpu.memref_slice %arg4[%add3A_517, %dma_start3A_528] : memref<204800x128xf32, #tpu.memory_space<hbm>> -> memref<64x128xf32, #tpu.memory_space<hbm>>
    %dma_start3A_530 = arith.constant 0 : i32
    %dma_start3A_531 = arith.constant 0 : i32
    %dma_start3A_532 = tpu.memref_slice %arg6[%dma_start3A_518, %dma_start3A_530, %dma_start3A_531] : memref<10x64x128xf32, #tpu.memory_space<vmem>> -> memref<1x64x128xf32, #tpu.memory_space<vmem>>
    %dma_start3A_533 = tpu.memref_squeeze %dma_start3A_532 : memref<1x64x128xf32, #tpu.memory_space<vmem>> -> memref<64x128xf32, #tpu.memory_space<vmem>>
    tpu.enqueue_dma source(%dma_start3A_533 : memref<64x128xf32, #tpu.memory_space<vmem>>) target(%dma_start3A_529 : memref<64x128xf32, #tpu.memory_space<hbm>>) target_semaphore(%dma_start3A_527 : memref<!tpu.dma_semaphore, #tpu.memory_space<semaphore_mem>>)
    %add3A_534 = arith.constant 448 : i32
    %add3A_535 = arith.addi %mul3A_2, %add3A_534 : i32
    %dma_wait3A_536 = arith.constant 5 : i32
    %dma_wait3A_537 = arith.constant 5 : i32
    %dma_wait3A_538 = arith.constant 0 : i32
    %dma_wait3A_539 = arith.constant 0 : i32
    %dma_wait3A_540 = tpu.memref_slice %arg6[%dma_wait3A_536, %dma_wait3A_538, %dma_wait3A_539] : memref<10x64x128xf32, #tpu.memory_space<vmem>> -> memref<1x64x128xf32, #tpu.memory_space<vmem>>
    %dma_wait3A_541 = tpu.memref_squeeze %dma_wait3A_540 : memref<1x64x128xf32, #tpu.memory_space<vmem>> -> memref<64x128xf32, #tpu.memory_space<vmem>>
    %dma_wait3A_542 = arith.constant 0 : i32
    %dma_wait3A_543 = tpu.memref_slice %arg4[%add3A_535, %dma_wait3A_542] : memref<204800x128xf32, #tpu.memory_space<hbm>> -> memref<64x128xf32, #tpu.memory_space<hbm>>
    %dma_wait3A_544 = tpu.memref_slice %arg8[%dma_wait3A_537] : memref<10x!tpu.dma_semaphore, #tpu.memory_space<semaphore_mem>> -> memref<1x!tpu.dma_semaphore, #tpu.memory_space<semaphore_mem>>
    %dma_wait3A_545 = tpu.memref_squeeze %dma_wait3A_544 : memref<1x!tpu.dma_semaphore, #tpu.memory_space<semaphore_mem>> -> memref<!tpu.dma_semaphore, #tpu.memory_space<semaphore_mem>>
    %dma_wait3A_546 = arith.constant 0 : i32
    %dma_wait3A_547 = tpu.memref_slice %arg4[%add3A_535, %dma_wait3A_546] : memref<204800x128xf32, #tpu.memory_space<hbm>> -> memref<64x128xf32, #tpu.memory_space<hbm>>
    %dma_wait3A_548 = arith.constant 0 : i32
    %dma_wait3A_549 = arith.constant 0 : i32
    %dma_wait3A_550 = tpu.memref_slice %arg6[%dma_wait3A_536, %dma_wait3A_548, %dma_wait3A_549] : memref<10x64x128xf32, #tpu.memory_space<vmem>> -> memref<1x64x128xf32, #tpu.memory_space<vmem>>
    %dma_wait3A_551 = tpu.memref_squeeze %dma_wait3A_550 : memref<1x64x128xf32, #tpu.memory_space<vmem>> -> memref<64x128xf32, #tpu.memory_space<vmem>>
    tpu.wait_dma2 semaphore(%dma_wait3A_545 : memref<!tpu.dma_semaphore, #tpu.memory_space<semaphore_mem>>) src(%dma_wait3A_551 : memref<64x128xf32, #tpu.memory_space<vmem>>) dst(%dma_wait3A_547 : memref<64x128xf32, #tpu.memory_space<hbm>>)
    %dma_start3A_552 = arith.constant 5 : i32
    %dma_start3A_553 = arith.constant 5 : i32
    %dma_start3A_554 = arith.constant 0 : i32
    %dma_start3A_555 = arith.constant 0 : i32
    %dma_start3A_556 = tpu.memref_slice %arg6[%dma_start3A_552, %dma_start3A_554, %dma_start3A_555] : memref<10x64x128xf32, #tpu.memory_space<vmem>> -> memref<1x64x128xf32, #tpu.memory_space<vmem>>
    %dma_start3A_557 = tpu.memref_squeeze %dma_start3A_556 : memref<1x64x128xf32, #tpu.memory_space<vmem>> -> memref<64x128xf32, #tpu.memory_space<vmem>>
    %dma_start3A_558 = arith.constant 960 : i32
    %dma_start3A_559 = tpu.memref_slice %arg5[%dma_start3A_558] : memref<6400xi32, #tpu.memory_space<vmem>> -> memref<64xi32, #tpu.memory_space<vmem>>
    %dma_start3A_560 = arith.constant 0 : i32
    %dma_start3A_561 = arith.constant 0 : i32
    %dma_start3A_562 = tpu.memref_slice %arg3[%dma_start3A_560, %dma_start3A_561] : memref<100000x128xf32, #tpu.memory_space<hbm>> -> memref<100000x128xf32, #tpu.memory_space<hbm>>
    %dma_start3A_563 = tpu.memref_slice %arg7[%dma_start3A_553] : memref<10x!tpu.dma_semaphore, #tpu.memory_space<semaphore_mem>> -> memref<1x!tpu.dma_semaphore, #tpu.memory_space<semaphore_mem>>
    %dma_start3A_564 = tpu.memref_squeeze %dma_start3A_563 : memref<1x!tpu.dma_semaphore, #tpu.memory_space<semaphore_mem>> -> memref<!tpu.dma_semaphore, #tpu.memory_space<semaphore_mem>>
    tpu.enqueue_indirect_dma source(%dma_start3A_562 : memref<100000x128xf32, #tpu.memory_space<hbm>>) target(%dma_start3A_557 : memref<64x128xf32, #tpu.memory_space<vmem>>) offsets(%dma_start3A_559 : memref<64xi32, #tpu.memory_space<vmem>>) semaphore(%dma_start3A_564 : memref<!tpu.dma_semaphore, #tpu.memory_space<semaphore_mem>>)
    %dma_wait3A_565 = arith.constant 8 : i32
    %dma_wait3A_566 = arith.constant 8 : i32
    %dma_wait3A_567 = arith.constant 0 : i32
    %dma_wait3A_568 = arith.constant 0 : i32
    %dma_wait3A_569 = tpu.memref_slice %arg6[%dma_wait3A_565, %dma_wait3A_567, %dma_wait3A_568] : memref<10x64x128xf32, #tpu.memory_space<vmem>> -> memref<1x64x128xf32, #tpu.memory_space<vmem>>
    %dma_wait3A_570 = tpu.memref_squeeze %dma_wait3A_569 : memref<1x64x128xf32, #tpu.memory_space<vmem>> -> memref<64x128xf32, #tpu.memory_space<vmem>>
    %dma_wait3A_571 = arith.constant 512 : i32
    %dma_wait3A_572 = tpu.memref_slice %arg5[%dma_wait3A_571] : memref<6400xi32, #tpu.memory_space<vmem>> -> memref<64xi32, #tpu.memory_space<vmem>>
    %dma_wait3A_573 = arith.constant 0 : i32
    %dma_wait3A_574 = arith.constant 0 : i32
    %dma_wait3A_575 = tpu.memref_slice %arg3[%dma_wait3A_573, %dma_wait3A_574] : memref<100000x128xf32, #tpu.memory_space<hbm>> -> memref<100000x128xf32, #tpu.memory_space<hbm>>
    %dma_wait3A_576 = tpu.memref_slice %arg7[%dma_wait3A_566] : memref<10x!tpu.dma_semaphore, #tpu.memory_space<semaphore_mem>> -> memref<1x!tpu.dma_semaphore, #tpu.memory_space<semaphore_mem>>
    %dma_wait3A_577 = tpu.memref_squeeze %dma_wait3A_576 : memref<1x!tpu.dma_semaphore, #tpu.memory_space<semaphore_mem>> -> memref<!tpu.dma_semaphore, #tpu.memory_space<semaphore_mem>>
    tpu.wait_indirect_dma semaphore(%dma_wait3A_577 : memref<!tpu.dma_semaphore, #tpu.memory_space<semaphore_mem>>) src(%dma_wait3A_575 : memref<100000x128xf32, #tpu.memory_space<hbm>>) dst(%dma_wait3A_570 : memref<64x128xf32, #tpu.memory_space<vmem>>)
    %add3A_578 = arith.constant 512 : i32
    %add3A_579 = arith.addi %mul3A_2, %add3A_578 : i32
    %dma_start3A_580 = arith.constant 8 : i32
    %dma_start3A_581 = arith.constant 8 : i32
    %dma_start3A_582 = arith.constant 0 : i32
    %dma_start3A_583 = arith.constant 0 : i32
    %dma_start3A_584 = tpu.memref_slice %arg6[%dma_start3A_580, %dma_start3A_582, %dma_start3A_583] : memref<10x64x128xf32, #tpu.memory_space<vmem>> -> memref<1x64x128xf32, #tpu.memory_space<vmem>>
    %dma_start3A_585 = tpu.memref_squeeze %dma_start3A_584 : memref<1x64x128xf32, #tpu.memory_space<vmem>> -> memref<64x128xf32, #tpu.memory_space<vmem>>
    %dma_start3A_586 = arith.constant 0 : i32
    %dma_start3A_587 = tpu.memref_slice %arg4[%add3A_579, %dma_start3A_586] : memref<204800x128xf32, #tpu.memory_space<hbm>> -> memref<64x128xf32, #tpu.memory_space<hbm>>
    %dma_start3A_588 = tpu.memref_slice %arg8[%dma_start3A_581] : memref<10x!tpu.dma_semaphore, #tpu.memory_space<semaphore_mem>> -> memref<1x!tpu.dma_semaphore, #tpu.memory_space<semaphore_mem>>
    %dma_start3A_589 = tpu.memref_squeeze %dma_start3A_588 : memref<1x!tpu.dma_semaphore, #tpu.memory_space<semaphore_mem>> -> memref<!tpu.dma_semaphore, #tpu.memory_space<semaphore_mem>>
    %dma_start3A_590 = arith.constant 0 : i32
    %dma_start3A_591 = tpu.memref_slice %arg4[%add3A_579, %dma_start3A_590] : memref<204800x128xf32, #tpu.memory_space<hbm>> -> memref<64x128xf32, #tpu.memory_space<hbm>>
    %dma_start3A_592 = arith.constant 0 : i32
    %dma_start3A_593 = arith.constant 0 : i32
    %dma_start3A_594 = tpu.memref_slice %arg6[%dma_start3A_580, %dma_start3A_592, %dma_start3A_593] : memref<10x64x128xf32, #tpu.memory_space<vmem>> -> memref<1x64x128xf32, #tpu.memory_space<vmem>>
    %dma_start3A_595 = tpu.memref_squeeze %dma_start3A_594 : memref<1x64x128xf32, #tpu.memory_space<vmem>> -> memref<64x128xf32, #tpu.memory_space<vmem>>
    tpu.enqueue_dma source(%dma_start3A_595 : memref<64x128xf32, #tpu.memory_space<vmem>>) target(%dma_start3A_591 : memref<64x128xf32, #tpu.memory_space<hbm>>) target_semaphore(%dma_start3A_589 : memref<!tpu.dma_semaphore, #tpu.memory_space<semaphore_mem>>)
    %add3A_596 = arith.constant 512 : i32
    %add3A_597 = arith.addi %mul3A_2, %add3A_596 : i32
    %dma_wait3A_598 = arith.constant 6 : i32
    %dma_wait3A_599 = arith.constant 6 : i32
    %dma_wait3A_600 = arith.constant 0 : i32
    %dma_wait3A_601 = arith.constant 0 : i32
    %dma_wait3A_602 = tpu.memref_slice %arg6[%dma_wait3A_598, %dma_wait3A_600, %dma_wait3A_601] : memref<10x64x128xf32, #tpu.memory_space<vmem>> -> memref<1x64x128xf32, #tpu.memory_space<vmem>>
    %dma_wait3A_603 = tpu.memref_squeeze %dma_wait3A_602 : memref<1x64x128xf32, #tpu.memory_space<vmem>> -> memref<64x128xf32, #tpu.memory_space<vmem>>
    %dma_wait3A_604 = arith.constant 0 : i32
    %dma_wait3A_605 = tpu.memref_slice %arg4[%add3A_597, %dma_wait3A_604] : memref<204800x128xf32, #tpu.memory_space<hbm>> -> memref<64x128xf32, #tpu.memory_space<hbm>>
    %dma_wait3A_606 = tpu.memref_slice %arg8[%dma_wait3A_599] : memref<10x!tpu.dma_semaphore, #tpu.memory_space<semaphore_mem>> -> memref<1x!tpu.dma_semaphore, #tpu.memory_space<semaphore_mem>>
    %dma_wait3A_607 = tpu.memref_squeeze %dma_wait3A_606 : memref<1x!tpu.dma_semaphore, #tpu.memory_space<semaphore_mem>> -> memref<!tpu.dma_semaphore, #tpu.memory_space<semaphore_mem>>
    %dma_wait3A_608 = arith.constant 0 : i32
    %dma_wait3A_609 = tpu.memref_slice %arg4[%add3A_597, %dma_wait3A_608] : memref<204800x128xf32, #tpu.memory_space<hbm>> -> memref<64x128xf32, #tpu.memory_space<hbm>>
    %dma_wait3A_610 = arith.constant 0 : i32
    %dma_wait3A_611 = arith.constant 0 : i32
    %dma_wait3A_612 = tpu.memref_slice %arg6[%dma_wait3A_598, %dma_wait3A_610, %dma_wait3A_611] : memref<10x64x128xf32, #tpu.memory_space<vmem>> -> memref<1x64x128xf32, #tpu.memory_space<vmem>>
    %dma_wait3A_613 = tpu.memref_squeeze %dma_wait3A_612 : memref<1x64x128xf32, #tpu.memory_space<vmem>> -> memref<64x128xf32, #tpu.memory_space<vmem>>
    tpu.wait_dma2 semaphore(%dma_wait3A_607 : memref<!tpu.dma_semaphore, #tpu.memory_space<semaphore_mem>>) src(%dma_wait3A_613 : memref<64x128xf32, #tpu.memory_space<vmem>>) dst(%dma_wait3A_609 : memref<64x128xf32, #tpu.memory_space<hbm>>)
    %dma_start3A_614 = arith.constant 6 : i32
    %dma_start3A_615 = arith.constant 6 : i32
    %dma_start3A_616 = arith.constant 0 : i32
    %dma_start3A_617 = arith.constant 0 : i32
    %dma_start3A_618 = tpu.memref_slice %arg6[%dma_start3A_614, %dma_start3A_616, %dma_start3A_617] : memref<10x64x128xf32, #tpu.memory_space<vmem>> -> memref<1x64x128xf32, #tpu.memory_space<vmem>>
    %dma_start3A_619 = tpu.memref_squeeze %dma_start3A_618 : memref<1x64x128xf32, #tpu.memory_space<vmem>> -> memref<64x128xf32, #tpu.memory_space<vmem>>
    %dma_start3A_620 = arith.constant 1024 : i32
    %dma_start3A_621 = tpu.memref_slice %arg5[%dma_start3A_620] : memref<6400xi32, #tpu.memory_space<vmem>> -> memref<64xi32, #tpu.memory_space<vmem>>
    %dma_start3A_622 = arith.constant 0 : i32
    %dma_start3A_623 = arith.constant 0 : i32
    %dma_start3A_624 = tpu.memref_slice %arg3[%dma_start3A_622, %dma_start3A_623] : memref<100000x128xf32, #tpu.memory_space<hbm>> -> memref<100000x128xf32, #tpu.memory_space<hbm>>
    %dma_start3A_625 = tpu.memref_slice %arg7[%dma_start3A_615] : memref<10x!tpu.dma_semaphore, #tpu.memory_space<semaphore_mem>> -> memref<1x!tpu.dma_semaphore, #tpu.memory_space<semaphore_mem>>
    %dma_start3A_626 = tpu.memref_squeeze %dma_start3A_625 : memref<1x!tpu.dma_semaphore, #tpu.memory_space<semaphore_mem>> -> memref<!tpu.dma_semaphore, #tpu.memory_space<semaphore_mem>>
    tpu.enqueue_indirect_dma source(%dma_start3A_624 : memref<100000x128xf32, #tpu.memory_space<hbm>>) target(%dma_start3A_619 : memref<64x128xf32, #tpu.memory_space<vmem>>) offsets(%dma_start3A_621 : memref<64xi32, #tpu.memory_space<vmem>>) semaphore(%dma_start3A_626 : memref<!tpu.dma_semaphore, #tpu.memory_space<semaphore_mem>>)
    %dma_wait3A_627 = arith.constant 9 : i32
    %dma_wait3A_628 = arith.constant 9 : i32
    %dma_wait3A_629 = arith.constant 0 : i32
    %dma_wait3A_630 = arith.constant 0 : i32
    %dma_wait3A_631 = tpu.memref_slice %arg6[%dma_wait3A_627, %dma_wait3A_629, %dma_wait3A_630] : memref<10x64x128xf32, #tpu.memory_space<vmem>> -> memref<1x64x128xf32, #tpu.memory_space<vmem>>
    %dma_wait3A_632 = tpu.memref_squeeze %dma_wait3A_631 : memref<1x64x128xf32, #tpu.memory_space<vmem>> -> memref<64x128xf32, #tpu.memory_space<vmem>>
    %dma_wait3A_633 = arith.constant 576 : i32
    %dma_wait3A_634 = tpu.memref_slice %arg5[%dma_wait3A_633] : memref<6400xi32, #tpu.memory_space<vmem>> -> memref<64xi32, #tpu.memory_space<vmem>>
    %dma_wait3A_635 = arith.constant 0 : i32
    %dma_wait3A_636 = arith.constant 0 : i32
    %dma_wait3A_637 = tpu.memref_slice %arg3[%dma_wait3A_635, %dma_wait3A_636] : memref<100000x128xf32, #tpu.memory_space<hbm>> -> memref<100000x128xf32, #tpu.memory_space<hbm>>
    %dma_wait3A_638 = tpu.memref_slice %arg7[%dma_wait3A_628] : memref<10x!tpu.dma_semaphore, #tpu.memory_space<semaphore_mem>> -> memref<1x!tpu.dma_semaphore, #tpu.memory_space<semaphore_mem>>
    %dma_wait3A_639 = tpu.memref_squeeze %dma_wait3A_638 : memref<1x!tpu.dma_semaphore, #tpu.memory_space<semaphore_mem>> -> memref<!tpu.dma_semaphore, #tpu.memory_space<semaphore_mem>>
    tpu.wait_indirect_dma semaphore(%dma_wait3A_639 : memref<!tpu.dma_semaphore, #tpu.memory_space<semaphore_mem>>) src(%dma_wait3A_637 : memref<100000x128xf32, #tpu.memory_space<hbm>>) dst(%dma_wait3A_632 : memref<64x128xf32, #tpu.memory_space<vmem>>)
    %add3A_640 = arith.constant 576 : i32
    %add3A_641 = arith.addi %mul3A_2, %add3A_640 : i32
    %dma_start3A_642 = arith.constant 9 : i32
    %dma_start3A_643 = arith.constant 9 : i32
    %dma_start3A_644 = arith.constant 0 : i32
    %dma_start3A_645 = arith.constant 0 : i32
    %dma_start3A_646 = tpu.memref_slice %arg6[%dma_start3A_642, %dma_start3A_644, %dma_start3A_645] : memref<10x64x128xf32, #tpu.memory_space<vmem>> -> memref<1x64x128xf32, #tpu.memory_space<vmem>>
    %dma_start3A_647 = tpu.memref_squeeze %dma_start3A_646 : memref<1x64x128xf32, #tpu.memory_space<vmem>> -> memref<64x128xf32, #tpu.memory_space<vmem>>
    %dma_start3A_648 = arith.constant 0 : i32
    %dma_start3A_649 = tpu.memref_slice %arg4[%add3A_641, %dma_start3A_648] : memref<204800x128xf32, #tpu.memory_space<hbm>> -> memref<64x128xf32, #tpu.memory_space<hbm>>
    %dma_start3A_650 = tpu.memref_slice %arg8[%dma_start3A_643] : memref<10x!tpu.dma_semaphore, #tpu.memory_space<semaphore_mem>> -> memref<1x!tpu.dma_semaphore, #tpu.memory_space<semaphore_mem>>
    %dma_start3A_651 = tpu.memref_squeeze %dma_start3A_650 : memref<1x!tpu.dma_semaphore, #tpu.memory_space<semaphore_mem>> -> memref<!tpu.dma_semaphore, #tpu.memory_space<semaphore_mem>>
    %dma_start3A_652 = arith.constant 0 : i32
    %dma_start3A_653 = tpu.memref_slice %arg4[%add3A_641, %dma_start3A_652] : memref<204800x128xf32, #tpu.memory_space<hbm>> -> memref<64x128xf32, #tpu.memory_space<hbm>>
    %dma_start3A_654 = arith.constant 0 : i32
    %dma_start3A_655 = arith.constant 0 : i32
    %dma_start3A_656 = tpu.memref_slice %arg6[%dma_start3A_642, %dma_start3A_654, %dma_start3A_655] : memref<10x64x128xf32, #tpu.memory_space<vmem>> -> memref<1x64x128xf32, #tpu.memory_space<vmem>>
    %dma_start3A_657 = tpu.memref_squeeze %dma_start3A_656 : memref<1x64x128xf32, #tpu.memory_space<vmem>> -> memref<64x128xf32, #tpu.memory_space<vmem>>
    tpu.enqueue_dma source(%dma_start3A_657 : memref<64x128xf32, #tpu.memory_space<vmem>>) target(%dma_start3A_653 : memref<64x128xf32, #tpu.memory_space<hbm>>) target_semaphore(%dma_start3A_651 : memref<!tpu.dma_semaphore, #tpu.memory_space<semaphore_mem>>)
    %add3A_658 = arith.constant 576 : i32
    %add3A_659 = arith.addi %mul3A_2, %add3A_658 : i32
    %dma_wait3A_660 = arith.constant 7 : i32
    %dma_wait3A_661 = arith.constant 7 : i32
    %dma_wait3A_662 = arith.constant 0 : i32
    %dma_wait3A_663 = arith.constant 0 : i32
    %dma_wait3A_664 = tpu.memref_slice %arg6[%dma_wait3A_660, %dma_wait3A_662, %dma_wait3A_663] : memref<10x64x128xf32, #tpu.memory_space<vmem>> -> memref<1x64x128xf32, #tpu.memory_space<vmem>>
    %dma_wait3A_665 = tpu.memref_squeeze %dma_wait3A_664 : memref<1x64x128xf32, #tpu.memory_space<vmem>> -> memref<64x128xf32, #tpu.memory_space<vmem>>
    %dma_wait3A_666 = arith.constant 0 : i32
    %dma_wait3A_667 = tpu.memref_slice %arg4[%add3A_659, %dma_wait3A_666] : memref<204800x128xf32, #tpu.memory_space<hbm>> -> memref<64x128xf32, #tpu.memory_space<hbm>>
    %dma_wait3A_668 = tpu.memref_slice %arg8[%dma_wait3A_661] : memref<10x!tpu.dma_semaphore, #tpu.memory_space<semaphore_mem>> -> memref<1x!tpu.dma_semaphore, #tpu.memory_space<semaphore_mem>>
    %dma_wait3A_669 = tpu.memref_squeeze %dma_wait3A_668 : memref<1x!tpu.dma_semaphore, #tpu.memory_space<semaphore_mem>> -> memref<!tpu.dma_semaphore, #tpu.memory_space<semaphore_mem>>
    %dma_wait3A_670 = arith.constant 0 : i32
    %dma_wait3A_671 = tpu.memref_slice %arg4[%add3A_659, %dma_wait3A_670] : memref<204800x128xf32, #tpu.memory_space<hbm>> -> memref<64x128xf32, #tpu.memory_space<hbm>>
    %dma_wait3A_672 = arith.constant 0 : i32
    %dma_wait3A_673 = arith.constant 0 : i32
    %dma_wait3A_674 = tpu.memref_slice %arg6[%dma_wait3A_660, %dma_wait3A_672, %dma_wait3A_673] : memref<10x64x128xf32, #tpu.memory_space<vmem>> -> memref<1x64x128xf32, #tpu.memory_space<vmem>>
    %dma_wait3A_675 = tpu.memref_squeeze %dma_wait3A_674 : memref<1x64x128xf32, #tpu.memory_space<vmem>> -> memref<64x128xf32, #tpu.memory_space<vmem>>
    tpu.wait_dma2 semaphore(%dma_wait3A_669 : memref<!tpu.dma_semaphore, #tpu.memory_space<semaphore_mem>>) src(%dma_wait3A_675 : memref<64x128xf32, #tpu.memory_space<vmem>>) dst(%dma_wait3A_671 : memref<64x128xf32, #tpu.memory_space<hbm>>)
    %dma_start3A_676 = arith.constant 7 : i32
    %dma_start3A_677 = arith.constant 7 : i32
    %dma_start3A_678 = arith.constant 0 : i32
    %dma_start3A_679 = arith.constant 0 : i32
    %dma_start3A_680 = tpu.memref_slice %arg6[%dma_start3A_676, %dma_start3A_678, %dma_start3A_679] : memref<10x64x128xf32, #tpu.memory_space<vmem>> -> memref<1x64x128xf32, #tpu.memory_space<vmem>>
    %dma_start3A_681 = tpu.memref_squeeze %dma_start3A_680 : memref<1x64x128xf32, #tpu.memory_space<vmem>> -> memref<64x128xf32, #tpu.memory_space<vmem>>
    %dma_start3A_682 = arith.constant 1088 : i32
    %dma_start3A_683 = tpu.memref_slice %arg5[%dma_start3A_682] : memref<6400xi32, #tpu.memory_space<vmem>> -> memref<64xi32, #tpu.memory_space<vmem>>
    %dma_start3A_684 = arith.constant 0 : i32
    %dma_start3A_685 = arith.constant 0 : i32
    %dma_start3A_686 = tpu.memref_slice %arg3[%dma_start3A_684, %dma_start3A_685] : memref<100000x128xf32, #tpu.memory_space<hbm>> -> memref<100000x128xf32, #tpu.memory_space<hbm>>
    %dma_start3A_687 = tpu.memref_slice %arg7[%dma_start3A_677] : memref<10x!tpu.dma_semaphore, #tpu.memory_space<semaphore_mem>> -> memref<1x!tpu.dma_semaphore, #tpu.memory_space<semaphore_mem>>
    %dma_start3A_688 = tpu.memref_squeeze %dma_start3A_687 : memref<1x!tpu.dma_semaphore, #tpu.memory_space<semaphore_mem>> -> memref<!tpu.dma_semaphore, #tpu.memory_space<semaphore_mem>>
    tpu.enqueue_indirect_dma source(%dma_start3A_686 : memref<100000x128xf32, #tpu.memory_space<hbm>>) target(%dma_start3A_681 : memref<64x128xf32, #tpu.memory_space<vmem>>) offsets(%dma_start3A_683 : memref<64xi32, #tpu.memory_space<vmem>>) semaphore(%dma_start3A_688 : memref<!tpu.dma_semaphore, #tpu.memory_space<semaphore_mem>>)
    %scan3A = arith.constant 0 : i32
    %scan3A_689 = arith.constant 1 : i32
    %scan3A_690 = arith.constant 8 : i32
    %scan3A_691 = arith.addi %scan3A_689, %scan3A_690 : i32
    %scan3A_692 = arith.constant 1 : i32
    scf.for %scan3A_1246 = %scan3A_689 to %scan3A_691 step %scan3A_692  : i32 {
      %mul3A_1247 = arith.constant 10 : i32
      %mul3A_1248 = arith.muli %scan3A_1246, %mul3A_1247 : i32
      %add3A_1249 = arith.constant 0 : i32
      %add3A_1250 = arith.addi %mul3A_1248, %add3A_1249 : i32
      %mul3A_1251 = arith.constant 64 : i32
      %mul3A_1252 = arith.muli %add3A_1250, %mul3A_1251 : i32
      %dma_wait3A_1253 = arith.constant 0 : i32
      %dma_wait3A_1254 = arith.constant 0 : i32
      %dma_wait3A_1255 = arith.constant 0 : i32
      %dma_wait3A_1256 = arith.constant 0 : i32
      %dma_wait3A_1257 = tpu.memref_slice %arg6[%dma_wait3A_1253, %dma_wait3A_1255, %dma_wait3A_1256] : memref<10x64x128xf32, #tpu.memory_space<vmem>> -> memref<1x64x128xf32, #tpu.memory_space<vmem>>
      %dma_wait3A_1258 = tpu.memref_squeeze %dma_wait3A_1257 : memref<1x64x128xf32, #tpu.memory_space<vmem>> -> memref<64x128xf32, #tpu.memory_space<vmem>>
      %dma_wait3A_1259 = tpu.memref_slice %arg5[%mul3A_1252] : memref<6400xi32, #tpu.memory_space<vmem>> -> memref<64xi32, #tpu.memory_space<vmem>>
      %dma_wait3A_1260 = arith.constant 0 : i32
      %dma_wait3A_1261 = arith.constant 0 : i32
      %dma_wait3A_1262 = tpu.memref_slice %arg3[%dma_wait3A_1260, %dma_wait3A_1261] : memref<100000x128xf32, #tpu.memory_space<hbm>> -> memref<100000x128xf32, #tpu.memory_space<hbm>>
      %dma_wait3A_1263 = tpu.memref_slice %arg7[%dma_wait3A_1254] : memref<10x!tpu.dma_semaphore, #tpu.memory_space<semaphore_mem>> -> memref<1x!tpu.dma_semaphore, #tpu.memory_space<semaphore_mem>>
      %dma_wait3A_1264 = tpu.memref_squeeze %dma_wait3A_1263 : memref<1x!tpu.dma_semaphore, #tpu.memory_space<semaphore_mem>> -> memref<!tpu.dma_semaphore, #tpu.memory_space<semaphore_mem>>
      tpu.wait_indirect_dma semaphore(%dma_wait3A_1264 : memref<!tpu.dma_semaphore, #tpu.memory_space<semaphore_mem>>) src(%dma_wait3A_1262 : memref<100000x128xf32, #tpu.memory_space<hbm>>) dst(%dma_wait3A_1258 : memref<64x128xf32, #tpu.memory_space<vmem>>)
      %mul3A_1265 = arith.constant 64 : i32
      %mul3A_1266 = arith.muli %add3A_1250, %mul3A_1265 : i32
      %add3A_1267 = arith.addi %mul3A_2, %mul3A_1266 : i32
      %dma_start3A_1268 = arith.constant 0 : i32
      %dma_start3A_1269 = arith.constant 0 : i32
      %dma_start3A_1270 = arith.constant 0 : i32
      %dma_start3A_1271 = arith.constant 0 : i32
      %dma_start3A_1272 = tpu.memref_slice %arg6[%dma_start3A_1268, %dma_start3A_1270, %dma_start3A_1271] : memref<10x64x128xf32, #tpu.memory_space<vmem>> -> memref<1x64x128xf32, #tpu.memory_space<vmem>>
      %dma_start3A_1273 = tpu.memref_squeeze %dma_start3A_1272 : memref<1x64x128xf32, #tpu.memory_space<vmem>> -> memref<64x128xf32, #tpu.memory_space<vmem>>
      %dma_start3A_1274 = arith.constant 0 : i32
      %dma_start3A_1275 = tpu.memref_slice %arg4[%add3A_1267, %dma_start3A_1274] : memref<204800x128xf32, #tpu.memory_space<hbm>> -> memref<64x128xf32, #tpu.memory_space<hbm>>
      %dma_start3A_1276 = tpu.memref_slice %arg8[%dma_start3A_1269] : memref<10x!tpu.dma_semaphore, #tpu.memory_space<semaphore_mem>> -> memref<1x!tpu.dma_semaphore, #tpu.memory_space<semaphore_mem>>
      %dma_start3A_1277 = tpu.memref_squeeze %dma_start3A_1276 : memref<1x!tpu.dma_semaphore, #tpu.memory_space<semaphore_mem>> -> memref<!tpu.dma_semaphore, #tpu.memory_space<semaphore_mem>>
      %dma_start3A_1278 = arith.constant 0 : i32
      %dma_start3A_1279 = tpu.memref_slice %arg4[%add3A_1267, %dma_start3A_1278] : memref<204800x128xf32, #tpu.memory_space<hbm>> -> memref<64x128xf32, #tpu.memory_space<hbm>>
      %dma_start3A_1280 = arith.constant 0 : i32
      %dma_start3A_1281 = arith.constant 0 : i32
      %dma_start3A_1282 = tpu.memref_slice %arg6[%dma_start3A_1268, %dma_start3A_1280, %dma_start3A_1281] : memref<10x64x128xf32, #tpu.memory_space<vmem>> -> memref<1x64x128xf32, #tpu.memory_space<vmem>>
      %dma_start3A_1283 = tpu.memref_squeeze %dma_start3A_1282 : memref<1x64x128xf32, #tpu.memory_space<vmem>> -> memref<64x128xf32, #tpu.memory_space<vmem>>
      tpu.enqueue_dma source(%dma_start3A_1283 : memref<64x128xf32, #tpu.memory_space<vmem>>) target(%dma_start3A_1279 : memref<64x128xf32, #tpu.memory_space<hbm>>) target_semaphore(%dma_start3A_1277 : memref<!tpu.dma_semaphore, #tpu.memory_space<semaphore_mem>>)
      %mul3A_1284 = arith.constant 64 : i32
      %mul3A_1285 = arith.muli %add3A_1250, %mul3A_1284 : i32
      %add3A_1286 = arith.addi %mul3A_2, %mul3A_1285 : i32
      %dma_wait3A_1287 = arith.constant 8 : i32
      %dma_wait3A_1288 = arith.constant 8 : i32
      %dma_wait3A_1289 = arith.constant 0 : i32
      %dma_wait3A_1290 = arith.constant 0 : i32
      %dma_wait3A_1291 = tpu.memref_slice %arg6[%dma_wait3A_1287, %dma_wait3A_1289, %dma_wait3A_1290] : memref<10x64x128xf32, #tpu.memory_space<vmem>> -> memref<1x64x128xf32, #tpu.memory_space<vmem>>
      %dma_wait3A_1292 = tpu.memref_squeeze %dma_wait3A_1291 : memref<1x64x128xf32, #tpu.memory_space<vmem>> -> memref<64x128xf32, #tpu.memory_space<vmem>>
      %dma_wait3A_1293 = arith.constant 0 : i32
      %dma_wait3A_1294 = tpu.memref_slice %arg4[%add3A_1286, %dma_wait3A_1293] : memref<204800x128xf32, #tpu.memory_space<hbm>> -> memref<64x128xf32, #tpu.memory_space<hbm>>
      %dma_wait3A_1295 = tpu.memref_slice %arg8[%dma_wait3A_1288] : memref<10x!tpu.dma_semaphore, #tpu.memory_space<semaphore_mem>> -> memref<1x!tpu.dma_semaphore, #tpu.memory_space<semaphore_mem>>
      %dma_wait3A_1296 = tpu.memref_squeeze %dma_wait3A_1295 : memref<1x!tpu.dma_semaphore, #tpu.memory_space<semaphore_mem>> -> memref<!tpu.dma_semaphore, #tpu.memory_space<semaphore_mem>>
      %dma_wait3A_1297 = arith.constant 0 : i32
      %dma_wait3A_1298 = tpu.memref_slice %arg4[%add3A_1286, %dma_wait3A_1297] : memref<204800x128xf32, #tpu.memory_space<hbm>> -> memref<64x128xf32, #tpu.memory_space<hbm>>
      %dma_wait3A_1299 = arith.constant 0 : i32
      %dma_wait3A_1300 = arith.constant 0 : i32
      %dma_wait3A_1301 = tpu.memref_slice %arg6[%dma_wait3A_1287, %dma_wait3A_1299, %dma_wait3A_1300] : memref<10x64x128xf32, #tpu.memory_space<vmem>> -> memref<1x64x128xf32, #tpu.memory_space<vmem>>
      %dma_wait3A_1302 = tpu.memref_squeeze %dma_wait3A_1301 : memref<1x64x128xf32, #tpu.memory_space<vmem>> -> memref<64x128xf32, #tpu.memory_space<vmem>>
      tpu.wait_dma2 semaphore(%dma_wait3A_1296 : memref<!tpu.dma_semaphore, #tpu.memory_space<semaphore_mem>>) src(%dma_wait3A_1302 : memref<64x128xf32, #tpu.memory_space<vmem>>) dst(%dma_wait3A_1298 : memref<64x128xf32, #tpu.memory_space<hbm>>)
      %add3A_1303 = arith.constant 8 : i32
      %add3A_1304 = arith.addi %add3A_1250, %add3A_1303 : i32
      %mul3A_1305 = arith.constant 64 : i32
      %mul3A_1306 = arith.muli %add3A_1304, %mul3A_1305 : i32
      %dma_start3A_1307 = arith.constant 8 : i32
      %dma_start3A_1308 = arith.constant 8 : i32
      %dma_start3A_1309 = arith.constant 0 : i32
      %dma_start3A_1310 = arith.constant 0 : i32
      %dma_start3A_1311 = tpu.memref_slice %arg6[%dma_start3A_1307, %dma_start3A_1309, %dma_start3A_1310] : memref<10x64x128xf32, #tpu.memory_space<vmem>> -> memref<1x64x128xf32, #tpu.memory_space<vmem>>
      %dma_start3A_1312 = tpu.memref_squeeze %dma_start3A_1311 : memref<1x64x128xf32, #tpu.memory_space<vmem>> -> memref<64x128xf32, #tpu.memory_space<vmem>>
      %dma_start3A_1313 = tpu.memref_slice %arg5[%mul3A_1306] : memref<6400xi32, #tpu.memory_space<vmem>> -> memref<64xi32, #tpu.memory_space<vmem>>
      %dma_start3A_1314 = arith.constant 0 : i32
      %dma_start3A_1315 = arith.constant 0 : i32
      %dma_start3A_1316 = tpu.memref_slice %arg3[%dma_start3A_1314, %dma_start3A_1315] : memref<100000x128xf32, #tpu.memory_space<hbm>> -> memref<100000x128xf32, #tpu.memory_space<hbm>>
      %dma_start3A_1317 = tpu.memref_slice %arg7[%dma_start3A_1308] : memref<10x!tpu.dma_semaphore, #tpu.memory_space<semaphore_mem>> -> memref<1x!tpu.dma_semaphore, #tpu.memory_space<semaphore_mem>>
      %dma_start3A_1318 = tpu.memref_squeeze %dma_start3A_1317 : memref<1x!tpu.dma_semaphore, #tpu.memory_space<semaphore_mem>> -> memref<!tpu.dma_semaphore, #tpu.memory_space<semaphore_mem>>
      tpu.enqueue_indirect_dma source(%dma_start3A_1316 : memref<100000x128xf32, #tpu.memory_space<hbm>>) target(%dma_start3A_1312 : memref<64x128xf32, #tpu.memory_space<vmem>>) offsets(%dma_start3A_1313 : memref<64xi32, #tpu.memory_space<vmem>>) semaphore(%dma_start3A_1318 : memref<!tpu.dma_semaphore, #tpu.memory_space<semaphore_mem>>)
      %add3A_1319 = arith.constant 1 : i32
      %add3A_1320 = arith.addi %mul3A_1248, %add3A_1319 : i32
      %mul3A_1321 = arith.constant 64 : i32
      %mul3A_1322 = arith.muli %add3A_1320, %mul3A_1321 : i32
      %dma_wait3A_1323 = arith.constant 1 : i32
      %dma_wait3A_1324 = arith.constant 1 : i32
      %dma_wait3A_1325 = arith.constant 0 : i32
      %dma_wait3A_1326 = arith.constant 0 : i32
      %dma_wait3A_1327 = tpu.memref_slice %arg6[%dma_wait3A_1323, %dma_wait3A_1325, %dma_wait3A_1326] : memref<10x64x128xf32, #tpu.memory_space<vmem>> -> memref<1x64x128xf32, #tpu.memory_space<vmem>>
      %dma_wait3A_1328 = tpu.memref_squeeze %dma_wait3A_1327 : memref<1x64x128xf32, #tpu.memory_space<vmem>> -> memref<64x128xf32, #tpu.memory_space<vmem>>
      %dma_wait3A_1329 = tpu.memref_slice %arg5[%mul3A_1322] : memref<6400xi32, #tpu.memory_space<vmem>> -> memref<64xi32, #tpu.memory_space<vmem>>
      %dma_wait3A_1330 = arith.constant 0 : i32
      %dma_wait3A_1331 = arith.constant 0 : i32
      %dma_wait3A_1332 = tpu.memref_slice %arg3[%dma_wait3A_1330, %dma_wait3A_1331] : memref<100000x128xf32, #tpu.memory_space<hbm>> -> memref<100000x128xf32, #tpu.memory_space<hbm>>
      %dma_wait3A_1333 = tpu.memref_slice %arg7[%dma_wait3A_1324] : memref<10x!tpu.dma_semaphore, #tpu.memory_space<semaphore_mem>> -> memref<1x!tpu.dma_semaphore, #tpu.memory_space<semaphore_mem>>
      %dma_wait3A_1334 = tpu.memref_squeeze %dma_wait3A_1333 : memref<1x!tpu.dma_semaphore, #tpu.memory_space<semaphore_mem>> -> memref<!tpu.dma_semaphore, #tpu.memory_space<semaphore_mem>>
      tpu.wait_indirect_dma semaphore(%dma_wait3A_1334 : memref<!tpu.dma_semaphore, #tpu.memory_space<semaphore_mem>>) src(%dma_wait3A_1332 : memref<100000x128xf32, #tpu.memory_space<hbm>>) dst(%dma_wait3A_1328 : memref<64x128xf32, #tpu.memory_space<vmem>>)
      %mul3A_1335 = arith.constant 64 : i32
      %mul3A_1336 = arith.muli %add3A_1320, %mul3A_1335 : i32
      %add3A_1337 = arith.addi %mul3A_2, %mul3A_1336 : i32
      %dma_start3A_1338 = arith.constant 1 : i32
      %dma_start3A_1339 = arith.constant 1 : i32
      %dma_start3A_1340 = arith.constant 0 : i32
      %dma_start3A_1341 = arith.constant 0 : i32
      %dma_start3A_1342 = tpu.memref_slice %arg6[%dma_start3A_1338, %dma_start3A_1340, %dma_start3A_1341] : memref<10x64x128xf32, #tpu.memory_space<vmem>> -> memref<1x64x128xf32, #tpu.memory_space<vmem>>
      %dma_start3A_1343 = tpu.memref_squeeze %dma_start3A_1342 : memref<1x64x128xf32, #tpu.memory_space<vmem>> -> memref<64x128xf32, #tpu.memory_space<vmem>>
      %dma_start3A_1344 = arith.constant 0 : i32
      %dma_start3A_1345 = tpu.memref_slice %arg4[%add3A_1337, %dma_start3A_1344] : memref<204800x128xf32, #tpu.memory_space<hbm>> -> memref<64x128xf32, #tpu.memory_space<hbm>>
      %dma_start3A_1346 = tpu.memref_slice %arg8[%dma_start3A_1339] : memref<10x!tpu.dma_semaphore, #tpu.memory_space<semaphore_mem>> -> memref<1x!tpu.dma_semaphore, #tpu.memory_space<semaphore_mem>>
      %dma_start3A_1347 = tpu.memref_squeeze %dma_start3A_1346 : memref<1x!tpu.dma_semaphore, #tpu.memory_space<semaphore_mem>> -> memref<!tpu.dma_semaphore, #tpu.memory_space<semaphore_mem>>
      %dma_start3A_1348 = arith.constant 0 : i32
      %dma_start3A_1349 = tpu.memref_slice %arg4[%add3A_1337, %dma_start3A_1348] : memref<204800x128xf32, #tpu.memory_space<hbm>> -> memref<64x128xf32, #tpu.memory_space<hbm>>
      %dma_start3A_1350 = arith.constant 0 : i32
      %dma_start3A_1351 = arith.constant 0 : i32
      %dma_start3A_1352 = tpu.memref_slice %arg6[%dma_start3A_1338, %dma_start3A_1350, %dma_start3A_1351] : memref<10x64x128xf32, #tpu.memory_space<vmem>> -> memref<1x64x128xf32, #tpu.memory_space<vmem>>
      %dma_start3A_1353 = tpu.memref_squeeze %dma_start3A_1352 : memref<1x64x128xf32, #tpu.memory_space<vmem>> -> memref<64x128xf32, #tpu.memory_space<vmem>>
      tpu.enqueue_dma source(%dma_start3A_1353 : memref<64x128xf32, #tpu.memory_space<vmem>>) target(%dma_start3A_1349 : memref<64x128xf32, #tpu.memory_space<hbm>>) target_semaphore(%dma_start3A_1347 : memref<!tpu.dma_semaphore, #tpu.memory_space<semaphore_mem>>)
      %mul3A_1354 = arith.constant 64 : i32
      %mul3A_1355 = arith.muli %add3A_1320, %mul3A_1354 : i32
      %add3A_1356 = arith.addi %mul3A_2, %mul3A_1355 : i32
      %dma_wait3A_1357 = arith.constant 9 : i32
      %dma_wait3A_1358 = arith.constant 9 : i32
      %dma_wait3A_1359 = arith.constant 0 : i32
      %dma_wait3A_1360 = arith.constant 0 : i32
      %dma_wait3A_1361 = tpu.memref_slice %arg6[%dma_wait3A_1357, %dma_wait3A_1359, %dma_wait3A_1360] : memref<10x64x128xf32, #tpu.memory_space<vmem>> -> memref<1x64x128xf32, #tpu.memory_space<vmem>>
      %dma_wait3A_1362 = tpu.memref_squeeze %dma_wait3A_1361 : memref<1x64x128xf32, #tpu.memory_space<vmem>> -> memref<64x128xf32, #tpu.memory_space<vmem>>
      %dma_wait3A_1363 = arith.constant 0 : i32
      %dma_wait3A_1364 = tpu.memref_slice %arg4[%add3A_1356, %dma_wait3A_1363] : memref<204800x128xf32, #tpu.memory_space<hbm>> -> memref<64x128xf32, #tpu.memory_space<hbm>>
      %dma_wait3A_1365 = tpu.memref_slice %arg8[%dma_wait3A_1358] : memref<10x!tpu.dma_semaphore, #tpu.memory_space<semaphore_mem>> -> memref<1x!tpu.dma_semaphore, #tpu.memory_space<semaphore_mem>>
      %dma_wait3A_1366 = tpu.memref_squeeze %dma_wait3A_1365 : memref<1x!tpu.dma_semaphore, #tpu.memory_space<semaphore_mem>> -> memref<!tpu.dma_semaphore, #tpu.memory_space<semaphore_mem>>
      %dma_wait3A_1367 = arith.constant 0 : i32
      %dma_wait3A_1368 = tpu.memref_slice %arg4[%add3A_1356, %dma_wait3A_1367] : memref<204800x128xf32, #tpu.memory_space<hbm>> -> memref<64x128xf32, #tpu.memory_space<hbm>>
      %dma_wait3A_1369 = arith.constant 0 : i32
      %dma_wait3A_1370 = arith.constant 0 : i32
      %dma_wait3A_1371 = tpu.memref_slice %arg6[%dma_wait3A_1357, %dma_wait3A_1369, %dma_wait3A_1370] : memref<10x64x128xf32, #tpu.memory_space<vmem>> -> memref<1x64x128xf32, #tpu.memory_space<vmem>>
      %dma_wait3A_1372 = tpu.memref_squeeze %dma_wait3A_1371 : memref<1x64x128xf32, #tpu.memory_space<vmem>> -> memref<64x128xf32, #tpu.memory_space<vmem>>
      tpu.wait_dma2 semaphore(%dma_wait3A_1366 : memref<!tpu.dma_semaphore, #tpu.memory_space<semaphore_mem>>) src(%dma_wait3A_1372 : memref<64x128xf32, #tpu.memory_space<vmem>>) dst(%dma_wait3A_1368 : memref<64x128xf32, #tpu.memory_space<hbm>>)
      %add3A_1373 = arith.constant 8 : i32
      %add3A_1374 = arith.addi %add3A_1320, %add3A_1373 : i32
      %mul3A_1375 = arith.constant 64 : i32
      %mul3A_1376 = arith.muli %add3A_1374, %mul3A_1375 : i32
      %dma_start3A_1377 = arith.constant 9 : i32
      %dma_start3A_1378 = arith.constant 9 : i32
      %dma_start3A_1379 = arith.constant 0 : i32
      %dma_start3A_1380 = arith.constant 0 : i32
      %dma_start3A_1381 = tpu.memref_slice %arg6[%dma_start3A_1377, %dma_start3A_1379, %dma_start3A_1380] : memref<10x64x128xf32, #tpu.memory_space<vmem>> -> memref<1x64x128xf32, #tpu.memory_space<vmem>>
      %dma_start3A_1382 = tpu.memref_squeeze %dma_start3A_1381 : memref<1x64x128xf32, #tpu.memory_space<vmem>> -> memref<64x128xf32, #tpu.memory_space<vmem>>
      %dma_start3A_1383 = tpu.memref_slice %arg5[%mul3A_1376] : memref<6400xi32, #tpu.memory_space<vmem>> -> memref<64xi32, #tpu.memory_space<vmem>>
      %dma_start3A_1384 = arith.constant 0 : i32
      %dma_start3A_1385 = arith.constant 0 : i32
      %dma_start3A_1386 = tpu.memref_slice %arg3[%dma_start3A_1384, %dma_start3A_1385] : memref<100000x128xf32, #tpu.memory_space<hbm>> -> memref<100000x128xf32, #tpu.memory_space<hbm>>
      %dma_start3A_1387 = tpu.memref_slice %arg7[%dma_start3A_1378] : memref<10x!tpu.dma_semaphore, #tpu.memory_space<semaphore_mem>> -> memref<1x!tpu.dma_semaphore, #tpu.memory_space<semaphore_mem>>
      %dma_start3A_1388 = tpu.memref_squeeze %dma_start3A_1387 : memref<1x!tpu.dma_semaphore, #tpu.memory_space<semaphore_mem>> -> memref<!tpu.dma_semaphore, #tpu.memory_space<semaphore_mem>>
      tpu.enqueue_indirect_dma source(%dma_start3A_1386 : memref<100000x128xf32, #tpu.memory_space<hbm>>) target(%dma_start3A_1382 : memref<64x128xf32, #tpu.memory_space<vmem>>) offsets(%dma_start3A_1383 : memref<64xi32, #tpu.memory_space<vmem>>) semaphore(%dma_start3A_1388 : memref<!tpu.dma_semaphore, #tpu.memory_space<semaphore_mem>>)
      %add3A_1389 = arith.constant 2 : i32
      %add3A_1390 = arith.addi %mul3A_1248, %add3A_1389 : i32
      %mul3A_1391 = arith.constant 64 : i32
      %mul3A_1392 = arith.muli %add3A_1390, %mul3A_1391 : i32
      %dma_wait3A_1393 = arith.constant 2 : i32
      %dma_wait3A_1394 = arith.constant 2 : i32
      %dma_wait3A_1395 = arith.constant 0 : i32
      %dma_wait3A_1396 = arith.constant 0 : i32
      %dma_wait3A_1397 = tpu.memref_slice %arg6[%dma_wait3A_1393, %dma_wait3A_1395, %dma_wait3A_1396] : memref<10x64x128xf32, #tpu.memory_space<vmem>> -> memref<1x64x128xf32, #tpu.memory_space<vmem>>
      %dma_wait3A_1398 = tpu.memref_squeeze %dma_wait3A_1397 : memref<1x64x128xf32, #tpu.memory_space<vmem>> -> memref<64x128xf32, #tpu.memory_space<vmem>>
      %dma_wait3A_1399 = tpu.memref_slice %arg5[%mul3A_1392] : memref<6400xi32, #tpu.memory_space<vmem>> -> memref<64xi32, #tpu.memory_space<vmem>>
      %dma_wait3A_1400 = arith.constant 0 : i32
      %dma_wait3A_1401 = arith.constant 0 : i32
      %dma_wait3A_1402 = tpu.memref_slice %arg3[%dma_wait3A_1400, %dma_wait3A_1401] : memref<100000x128xf32, #tpu.memory_space<hbm>> -> memref<100000x128xf32, #tpu.memory_space<hbm>>
      %dma_wait3A_1403 = tpu.memref_slice %arg7[%dma_wait3A_1394] : memref<10x!tpu.dma_semaphore, #tpu.memory_space<semaphore_mem>> -> memref<1x!tpu.dma_semaphore, #tpu.memory_space<semaphore_mem>>
      %dma_wait3A_1404 = tpu.memref_squeeze %dma_wait3A_1403 : memref<1x!tpu.dma_semaphore, #tpu.memory_space<semaphore_mem>> -> memref<!tpu.dma_semaphore, #tpu.memory_space<semaphore_mem>>
      tpu.wait_indirect_dma semaphore(%dma_wait3A_1404 : memref<!tpu.dma_semaphore, #tpu.memory_space<semaphore_mem>>) src(%dma_wait3A_1402 : memref<100000x128xf32, #tpu.memory_space<hbm>>) dst(%dma_wait3A_1398 : memref<64x128xf32, #tpu.memory_space<vmem>>)
      %mul3A_1405 = arith.constant 64 : i32
      %mul3A_1406 = arith.muli %add3A_1390, %mul3A_1405 : i32
      %add3A_1407 = arith.addi %mul3A_2, %mul3A_1406 : i32
      %dma_start3A_1408 = arith.constant 2 : i32
      %dma_start3A_1409 = arith.constant 2 : i32
      %dma_start3A_1410 = arith.constant 0 : i32
      %dma_start3A_1411 = arith.constant 0 : i32
      %dma_start3A_1412 = tpu.memref_slice %arg6[%dma_start3A_1408, %dma_start3A_1410, %dma_start3A_1411] : memref<10x64x128xf32, #tpu.memory_space<vmem>> -> memref<1x64x128xf32, #tpu.memory_space<vmem>>
      %dma_start3A_1413 = tpu.memref_squeeze %dma_start3A_1412 : memref<1x64x128xf32, #tpu.memory_space<vmem>> -> memref<64x128xf32, #tpu.memory_space<vmem>>
      %dma_start3A_1414 = arith.constant 0 : i32
      %dma_start3A_1415 = tpu.memref_slice %arg4[%add3A_1407, %dma_start3A_1414] : memref<204800x128xf32, #tpu.memory_space<hbm>> -> memref<64x128xf32, #tpu.memory_space<hbm>>
      %dma_start3A_1416 = tpu.memref_slice %arg8[%dma_start3A_1409] : memref<10x!tpu.dma_semaphore, #tpu.memory_space<semaphore_mem>> -> memref<1x!tpu.dma_semaphore, #tpu.memory_space<semaphore_mem>>
      %dma_start3A_1417 = tpu.memref_squeeze %dma_start3A_1416 : memref<1x!tpu.dma_semaphore, #tpu.memory_space<semaphore_mem>> -> memref<!tpu.dma_semaphore, #tpu.memory_space<semaphore_mem>>
      %dma_start3A_1418 = arith.constant 0 : i32
      %dma_start3A_1419 = tpu.memref_slice %arg4[%add3A_1407, %dma_start3A_1418] : memref<204800x128xf32, #tpu.memory_space<hbm>> -> memref<64x128xf32, #tpu.memory_space<hbm>>
      %dma_start3A_1420 = arith.constant 0 : i32
      %dma_start3A_1421 = arith.constant 0 : i32
      %dma_start3A_1422 = tpu.memref_slice %arg6[%dma_start3A_1408, %dma_start3A_1420, %dma_start3A_1421] : memref<10x64x128xf32, #tpu.memory_space<vmem>> -> memref<1x64x128xf32, #tpu.memory_space<vmem>>
      %dma_start3A_1423 = tpu.memref_squeeze %dma_start3A_1422 : memref<1x64x128xf32, #tpu.memory_space<vmem>> -> memref<64x128xf32, #tpu.memory_space<vmem>>
      tpu.enqueue_dma source(%dma_start3A_1423 : memref<64x128xf32, #tpu.memory_space<vmem>>) target(%dma_start3A_1419 : memref<64x128xf32, #tpu.memory_space<hbm>>) target_semaphore(%dma_start3A_1417 : memref<!tpu.dma_semaphore, #tpu.memory_space<semaphore_mem>>)
      %mul3A_1424 = arith.constant 64 : i32
      %mul3A_1425 = arith.muli %add3A_1390, %mul3A_1424 : i32
      %add3A_1426 = arith.addi %mul3A_2, %mul3A_1425 : i32
      %dma_wait3A_1427 = arith.constant 0 : i32
      %dma_wait3A_1428 = arith.constant 0 : i32
      %dma_wait3A_1429 = arith.constant 0 : i32
      %dma_wait3A_1430 = arith.constant 0 : i32
      %dma_wait3A_1431 = tpu.memref_slice %arg6[%dma_wait3A_1427, %dma_wait3A_1429, %dma_wait3A_1430] : memref<10x64x128xf32, #tpu.memory_space<vmem>> -> memref<1x64x128xf32, #tpu.memory_space<vmem>>
      %dma_wait3A_1432 = tpu.memref_squeeze %dma_wait3A_1431 : memref<1x64x128xf32, #tpu.memory_space<vmem>> -> memref<64x128xf32, #tpu.memory_space<vmem>>
      %dma_wait3A_1433 = arith.constant 0 : i32
      %dma_wait3A_1434 = tpu.memref_slice %arg4[%add3A_1426, %dma_wait3A_1433] : memref<204800x128xf32, #tpu.memory_space<hbm>> -> memref<64x128xf32, #tpu.memory_space<hbm>>
      %dma_wait3A_1435 = tpu.memref_slice %arg8[%dma_wait3A_1428] : memref<10x!tpu.dma_semaphore, #tpu.memory_space<semaphore_mem>> -> memref<1x!tpu.dma_semaphore, #tpu.memory_space<semaphore_mem>>
      %dma_wait3A_1436 = tpu.memref_squeeze %dma_wait3A_1435 : memref<1x!tpu.dma_semaphore, #tpu.memory_space<semaphore_mem>> -> memref<!tpu.dma_semaphore, #tpu.memory_space<semaphore_mem>>
      %dma_wait3A_1437 = arith.constant 0 : i32
      %dma_wait3A_1438 = tpu.memref_slice %arg4[%add3A_1426, %dma_wait3A_1437] : memref<204800x128xf32, #tpu.memory_space<hbm>> -> memref<64x128xf32, #tpu.memory_space<hbm>>
      %dma_wait3A_1439 = arith.constant 0 : i32
      %dma_wait3A_1440 = arith.constant 0 : i32
      %dma_wait3A_1441 = tpu.memref_slice %arg6[%dma_wait3A_1427, %dma_wait3A_1439, %dma_wait3A_1440] : memref<10x64x128xf32, #tpu.memory_space<vmem>> -> memref<1x64x128xf32, #tpu.memory_space<vmem>>
      %dma_wait3A_1442 = tpu.memref_squeeze %dma_wait3A_1441 : memref<1x64x128xf32, #tpu.memory_space<vmem>> -> memref<64x128xf32, #tpu.memory_space<vmem>>
      tpu.wait_dma2 semaphore(%dma_wait3A_1436 : memref<!tpu.dma_semaphore, #tpu.memory_space<semaphore_mem>>) src(%dma_wait3A_1442 : memref<64x128xf32, #tpu.memory_space<vmem>>) dst(%dma_wait3A_1438 : memref<64x128xf32, #tpu.memory_space<hbm>>)
      %add3A_1443 = arith.constant 8 : i32
      %add3A_1444 = arith.addi %add3A_1390, %add3A_1443 : i32
      %mul3A_1445 = arith.constant 64 : i32
      %mul3A_1446 = arith.muli %add3A_1444, %mul3A_1445 : i32
      %dma_start3A_1447 = arith.constant 0 : i32
      %dma_start3A_1448 = arith.constant 0 : i32
      %dma_start3A_1449 = arith.constant 0 : i32
      %dma_start3A_1450 = arith.constant 0 : i32
      %dma_start3A_1451 = tpu.memref_slice %arg6[%dma_start3A_1447, %dma_start3A_1449, %dma_start3A_1450] : memref<10x64x128xf32, #tpu.memory_space<vmem>> -> memref<1x64x128xf32, #tpu.memory_space<vmem>>
      %dma_start3A_1452 = tpu.memref_squeeze %dma_start3A_1451 : memref<1x64x128xf32, #tpu.memory_space<vmem>> -> memref<64x128xf32, #tpu.memory_space<vmem>>
      %dma_start3A_1453 = tpu.memref_slice %arg5[%mul3A_1446] : memref<6400xi32, #tpu.memory_space<vmem>> -> memref<64xi32, #tpu.memory_space<vmem>>
      %dma_start3A_1454 = arith.constant 0 : i32
      %dma_start3A_1455 = arith.constant 0 : i32
      %dma_start3A_1456 = tpu.memref_slice %arg3[%dma_start3A_1454, %dma_start3A_1455] : memref<100000x128xf32, #tpu.memory_space<hbm>> -> memref<100000x128xf32, #tpu.memory_space<hbm>>
      %dma_start3A_1457 = tpu.memref_slice %arg7[%dma_start3A_1448] : memref<10x!tpu.dma_semaphore, #tpu.memory_space<semaphore_mem>> -> memref<1x!tpu.dma_semaphore, #tpu.memory_space<semaphore_mem>>
      %dma_start3A_1458 = tpu.memref_squeeze %dma_start3A_1457 : memref<1x!tpu.dma_semaphore, #tpu.memory_space<semaphore_mem>> -> memref<!tpu.dma_semaphore, #tpu.memory_space<semaphore_mem>>
      tpu.enqueue_indirect_dma source(%dma_start3A_1456 : memref<100000x128xf32, #tpu.memory_space<hbm>>) target(%dma_start3A_1452 : memref<64x128xf32, #tpu.memory_space<vmem>>) offsets(%dma_start3A_1453 : memref<64xi32, #tpu.memory_space<vmem>>) semaphore(%dma_start3A_1458 : memref<!tpu.dma_semaphore, #tpu.memory_space<semaphore_mem>>)
      %add3A_1459 = arith.constant 3 : i32
      %add3A_1460 = arith.addi %mul3A_1248, %add3A_1459 : i32
      %mul3A_1461 = arith.constant 64 : i32
      %mul3A_1462 = arith.muli %add3A_1460, %mul3A_1461 : i32
      %dma_wait3A_1463 = arith.constant 3 : i32
      %dma_wait3A_1464 = arith.constant 3 : i32
      %dma_wait3A_1465 = arith.constant 0 : i32
      %dma_wait3A_1466 = arith.constant 0 : i32
      %dma_wait3A_1467 = tpu.memref_slice %arg6[%dma_wait3A_1463, %dma_wait3A_1465, %dma_wait3A_1466] : memref<10x64x128xf32, #tpu.memory_space<vmem>> -> memref<1x64x128xf32, #tpu.memory_space<vmem>>
      %dma_wait3A_1468 = tpu.memref_squeeze %dma_wait3A_1467 : memref<1x64x128xf32, #tpu.memory_space<vmem>> -> memref<64x128xf32, #tpu.memory_space<vmem>>
      %dma_wait3A_1469 = tpu.memref_slice %arg5[%mul3A_1462] : memref<6400xi32, #tpu.memory_space<vmem>> -> memref<64xi32, #tpu.memory_space<vmem>>
      %dma_wait3A_1470 = arith.constant 0 : i32
      %dma_wait3A_1471 = arith.constant 0 : i32
      %dma_wait3A_1472 = tpu.memref_slice %arg3[%dma_wait3A_1470, %dma_wait3A_1471] : memref<100000x128xf32, #tpu.memory_space<hbm>> -> memref<100000x128xf32, #tpu.memory_space<hbm>>
      %dma_wait3A_1473 = tpu.memref_slice %arg7[%dma_wait3A_1464] : memref<10x!tpu.dma_semaphore, #tpu.memory_space<semaphore_mem>> -> memref<1x!tpu.dma_semaphore, #tpu.memory_space<semaphore_mem>>
      %dma_wait3A_1474 = tpu.memref_squeeze %dma_wait3A_1473 : memref<1x!tpu.dma_semaphore, #tpu.memory_space<semaphore_mem>> -> memref<!tpu.dma_semaphore, #tpu.memory_space<semaphore_mem>>
      tpu.wait_indirect_dma semaphore(%dma_wait3A_1474 : memref<!tpu.dma_semaphore, #tpu.memory_space<semaphore_mem>>) src(%dma_wait3A_1472 : memref<100000x128xf32, #tpu.memory_space<hbm>>) dst(%dma_wait3A_1468 : memref<64x128xf32, #tpu.memory_space<vmem>>)
      %mul3A_1475 = arith.constant 64 : i32
      %mul3A_1476 = arith.muli %add3A_1460, %mul3A_1475 : i32
      %add3A_1477 = arith.addi %mul3A_2, %mul3A_1476 : i32
      %dma_start3A_1478 = arith.constant 3 : i32
      %dma_start3A_1479 = arith.constant 3 : i32
      %dma_start3A_1480 = arith.constant 0 : i32
      %dma_start3A_1481 = arith.constant 0 : i32
      %dma_start3A_1482 = tpu.memref_slice %arg6[%dma_start3A_1478, %dma_start3A_1480, %dma_start3A_1481] : memref<10x64x128xf32, #tpu.memory_space<vmem>> -> memref<1x64x128xf32, #tpu.memory_space<vmem>>
      %dma_start3A_1483 = tpu.memref_squeeze %dma_start3A_1482 : memref<1x64x128xf32, #tpu.memory_space<vmem>> -> memref<64x128xf32, #tpu.memory_space<vmem>>
      %dma_start3A_1484 = arith.constant 0 : i32
      %dma_start3A_1485 = tpu.memref_slice %arg4[%add3A_1477, %dma_start3A_1484] : memref<204800x128xf32, #tpu.memory_space<hbm>> -> memref<64x128xf32, #tpu.memory_space<hbm>>
      %dma_start3A_1486 = tpu.memref_slice %arg8[%dma_start3A_1479] : memref<10x!tpu.dma_semaphore, #tpu.memory_space<semaphore_mem>> -> memref<1x!tpu.dma_semaphore, #tpu.memory_space<semaphore_mem>>
      %dma_start3A_1487 = tpu.memref_squeeze %dma_start3A_1486 : memref<1x!tpu.dma_semaphore, #tpu.memory_space<semaphore_mem>> -> memref<!tpu.dma_semaphore, #tpu.memory_space<semaphore_mem>>
      %dma_start3A_1488 = arith.constant 0 : i32
      %dma_start3A_1489 = tpu.memref_slice %arg4[%add3A_1477, %dma_start3A_1488] : memref<204800x128xf32, #tpu.memory_space<hbm>> -> memref<64x128xf32, #tpu.memory_space<hbm>>
      %dma_start3A_1490 = arith.constant 0 : i32
      %dma_start3A_1491 = arith.constant 0 : i32
      %dma_start3A_1492 = tpu.memref_slice %arg6[%dma_start3A_1478, %dma_start3A_1490, %dma_start3A_1491] : memref<10x64x128xf32, #tpu.memory_space<vmem>> -> memref<1x64x128xf32, #tpu.memory_space<vmem>>
      %dma_start3A_1493 = tpu.memref_squeeze %dma_start3A_1492 : memref<1x64x128xf32, #tpu.memory_space<vmem>> -> memref<64x128xf32, #tpu.memory_space<vmem>>
      tpu.enqueue_dma source(%dma_start3A_1493 : memref<64x128xf32, #tpu.memory_space<vmem>>) target(%dma_start3A_1489 : memref<64x128xf32, #tpu.memory_space<hbm>>) target_semaphore(%dma_start3A_1487 : memref<!tpu.dma_semaphore, #tpu.memory_space<semaphore_mem>>)
      %mul3A_1494 = arith.constant 64 : i32
      %mul3A_1495 = arith.muli %add3A_1460, %mul3A_1494 : i32
      %add3A_1496 = arith.addi %mul3A_2, %mul3A_1495 : i32
      %dma_wait3A_1497 = arith.constant 1 : i32
      %dma_wait3A_1498 = arith.constant 1 : i32
      %dma_wait3A_1499 = arith.constant 0 : i32
      %dma_wait3A_1500 = arith.constant 0 : i32
      %dma_wait3A_1501 = tpu.memref_slice %arg6[%dma_wait3A_1497, %dma_wait3A_1499, %dma_wait3A_1500] : memref<10x64x128xf32, #tpu.memory_space<vmem>> -> memref<1x64x128xf32, #tpu.memory_space<vmem>>
      %dma_wait3A_1502 = tpu.memref_squeeze %dma_wait3A_1501 : memref<1x64x128xf32, #tpu.memory_space<vmem>> -> memref<64x128xf32, #tpu.memory_space<vmem>>
      %dma_wait3A_1503 = arith.constant 0 : i32
      %dma_wait3A_1504 = tpu.memref_slice %arg4[%add3A_1496, %dma_wait3A_1503] : memref<204800x128xf32, #tpu.memory_space<hbm>> -> memref<64x128xf32, #tpu.memory_space<hbm>>
      %dma_wait3A_1505 = tpu.memref_slice %arg8[%dma_wait3A_1498] : memref<10x!tpu.dma_semaphore, #tpu.memory_space<semaphore_mem>> -> memref<1x!tpu.dma_semaphore, #tpu.memory_space<semaphore_mem>>
      %dma_wait3A_1506 = tpu.memref_squeeze %dma_wait3A_1505 : memref<1x!tpu.dma_semaphore, #tpu.memory_space<semaphore_mem>> -> memref<!tpu.dma_semaphore, #tpu.memory_space<semaphore_mem>>
      %dma_wait3A_1507 = arith.constant 0 : i32
      %dma_wait3A_1508 = tpu.memref_slice %arg4[%add3A_1496, %dma_wait3A_1507] : memref<204800x128xf32, #tpu.memory_space<hbm>> -> memref<64x128xf32, #tpu.memory_space<hbm>>
      %dma_wait3A_1509 = arith.constant 0 : i32
      %dma_wait3A_1510 = arith.constant 0 : i32
      %dma_wait3A_1511 = tpu.memref_slice %arg6[%dma_wait3A_1497, %dma_wait3A_1509, %dma_wait3A_1510] : memref<10x64x128xf32, #tpu.memory_space<vmem>> -> memref<1x64x128xf32, #tpu.memory_space<vmem>>
      %dma_wait3A_1512 = tpu.memref_squeeze %dma_wait3A_1511 : memref<1x64x128xf32, #tpu.memory_space<vmem>> -> memref<64x128xf32, #tpu.memory_space<vmem>>
      tpu.wait_dma2 semaphore(%dma_wait3A_1506 : memref<!tpu.dma_semaphore, #tpu.memory_space<semaphore_mem>>) src(%dma_wait3A_1512 : memref<64x128xf32, #tpu.memory_space<vmem>>) dst(%dma_wait3A_1508 : memref<64x128xf32, #tpu.memory_space<hbm>>)
      %add3A_1513 = arith.constant 8 : i32
      %add3A_1514 = arith.addi %add3A_1460, %add3A_1513 : i32
      %mul3A_1515 = arith.constant 64 : i32
      %mul3A_1516 = arith.muli %add3A_1514, %mul3A_1515 : i32
      %dma_start3A_1517 = arith.constant 1 : i32
      %dma_start3A_1518 = arith.constant 1 : i32
      %dma_start3A_1519 = arith.constant 0 : i32
      %dma_start3A_1520 = arith.constant 0 : i32
      %dma_start3A_1521 = tpu.memref_slice %arg6[%dma_start3A_1517, %dma_start3A_1519, %dma_start3A_1520] : memref<10x64x128xf32, #tpu.memory_space<vmem>> -> memref<1x64x128xf32, #tpu.memory_space<vmem>>
      %dma_start3A_1522 = tpu.memref_squeeze %dma_start3A_1521 : memref<1x64x128xf32, #tpu.memory_space<vmem>> -> memref<64x128xf32, #tpu.memory_space<vmem>>
      %dma_start3A_1523 = tpu.memref_slice %arg5[%mul3A_1516] : memref<6400xi32, #tpu.memory_space<vmem>> -> memref<64xi32, #tpu.memory_space<vmem>>
      %dma_start3A_1524 = arith.constant 0 : i32
      %dma_start3A_1525 = arith.constant 0 : i32
      %dma_start3A_1526 = tpu.memref_slice %arg3[%dma_start3A_1524, %dma_start3A_1525] : memref<100000x128xf32, #tpu.memory_space<hbm>> -> memref<100000x128xf32, #tpu.memory_space<hbm>>
      %dma_start3A_1527 = tpu.memref_slice %arg7[%dma_start3A_1518] : memref<10x!tpu.dma_semaphore, #tpu.memory_space<semaphore_mem>> -> memref<1x!tpu.dma_semaphore, #tpu.memory_space<semaphore_mem>>
      %dma_start3A_1528 = tpu.memref_squeeze %dma_start3A_1527 : memref<1x!tpu.dma_semaphore, #tpu.memory_space<semaphore_mem>> -> memref<!tpu.dma_semaphore, #tpu.memory_space<semaphore_mem>>
      tpu.enqueue_indirect_dma source(%dma_start3A_1526 : memref<100000x128xf32, #tpu.memory_space<hbm>>) target(%dma_start3A_1522 : memref<64x128xf32, #tpu.memory_space<vmem>>) offsets(%dma_start3A_1523 : memref<64xi32, #tpu.memory_space<vmem>>) semaphore(%dma_start3A_1528 : memref<!tpu.dma_semaphore, #tpu.memory_space<semaphore_mem>>)
      %add3A_1529 = arith.constant 4 : i32
      %add3A_1530 = arith.addi %mul3A_1248, %add3A_1529 : i32
      %mul3A_1531 = arith.constant 64 : i32
      %mul3A_1532 = arith.muli %add3A_1530, %mul3A_1531 : i32
      %dma_wait3A_1533 = arith.constant 4 : i32
      %dma_wait3A_1534 = arith.constant 4 : i32
      %dma_wait3A_1535 = arith.constant 0 : i32
      %dma_wait3A_1536 = arith.constant 0 : i32
      %dma_wait3A_1537 = tpu.memref_slice %arg6[%dma_wait3A_1533, %dma_wait3A_1535, %dma_wait3A_1536] : memref<10x64x128xf32, #tpu.memory_space<vmem>> -> memref<1x64x128xf32, #tpu.memory_space<vmem>>
      %dma_wait3A_1538 = tpu.memref_squeeze %dma_wait3A_1537 : memref<1x64x128xf32, #tpu.memory_space<vmem>> -> memref<64x128xf32, #tpu.memory_space<vmem>>
      %dma_wait3A_1539 = tpu.memref_slice %arg5[%mul3A_1532] : memref<6400xi32, #tpu.memory_space<vmem>> -> memref<64xi32, #tpu.memory_space<vmem>>
      %dma_wait3A_1540 = arith.constant 0 : i32
      %dma_wait3A_1541 = arith.constant 0 : i32
      %dma_wait3A_1542 = tpu.memref_slice %arg3[%dma_wait3A_1540, %dma_wait3A_1541] : memref<100000x128xf32, #tpu.memory_space<hbm>> -> memref<100000x128xf32, #tpu.memory_space<hbm>>
      %dma_wait3A_1543 = tpu.memref_slice %arg7[%dma_wait3A_1534] : memref<10x!tpu.dma_semaphore, #tpu.memory_space<semaphore_mem>> -> memref<1x!tpu.dma_semaphore, #tpu.memory_space<semaphore_mem>>
      %dma_wait3A_1544 = tpu.memref_squeeze %dma_wait3A_1543 : memref<1x!tpu.dma_semaphore, #tpu.memory_space<semaphore_mem>> -> memref<!tpu.dma_semaphore, #tpu.memory_space<semaphore_mem>>
      tpu.wait_indirect_dma semaphore(%dma_wait3A_1544 : memref<!tpu.dma_semaphore, #tpu.memory_space<semaphore_mem>>) src(%dma_wait3A_1542 : memref<100000x128xf32, #tpu.memory_space<hbm>>) dst(%dma_wait3A_1538 : memref<64x128xf32, #tpu.memory_space<vmem>>)
      %mul3A_1545 = arith.constant 64 : i32
      %mul3A_1546 = arith.muli %add3A_1530, %mul3A_1545 : i32
      %add3A_1547 = arith.addi %mul3A_2, %mul3A_1546 : i32
      %dma_start3A_1548 = arith.constant 4 : i32
      %dma_start3A_1549 = arith.constant 4 : i32
      %dma_start3A_1550 = arith.constant 0 : i32
      %dma_start3A_1551 = arith.constant 0 : i32
      %dma_start3A_1552 = tpu.memref_slice %arg6[%dma_start3A_1548, %dma_start3A_1550, %dma_start3A_1551] : memref<10x64x128xf32, #tpu.memory_space<vmem>> -> memref<1x64x128xf32, #tpu.memory_space<vmem>>
      %dma_start3A_1553 = tpu.memref_squeeze %dma_start3A_1552 : memref<1x64x128xf32, #tpu.memory_space<vmem>> -> memref<64x128xf32, #tpu.memory_space<vmem>>
      %dma_start3A_1554 = arith.constant 0 : i32
      %dma_start3A_1555 = tpu.memref_slice %arg4[%add3A_1547, %dma_start3A_1554] : memref<204800x128xf32, #tpu.memory_space<hbm>> -> memref<64x128xf32, #tpu.memory_space<hbm>>
      %dma_start3A_1556 = tpu.memref_slice %arg8[%dma_start3A_1549] : memref<10x!tpu.dma_semaphore, #tpu.memory_space<semaphore_mem>> -> memref<1x!tpu.dma_semaphore, #tpu.memory_space<semaphore_mem>>
      %dma_start3A_1557 = tpu.memref_squeeze %dma_start3A_1556 : memref<1x!tpu.dma_semaphore, #tpu.memory_space<semaphore_mem>> -> memref<!tpu.dma_semaphore, #tpu.memory_space<semaphore_mem>>
      %dma_start3A_1558 = arith.constant 0 : i32
      %dma_start3A_1559 = tpu.memref_slice %arg4[%add3A_1547, %dma_start3A_1558] : memref<204800x128xf32, #tpu.memory_space<hbm>> -> memref<64x128xf32, #tpu.memory_space<hbm>>
      %dma_start3A_1560 = arith.constant 0 : i32
      %dma_start3A_1561 = arith.constant 0 : i32
      %dma_start3A_1562 = tpu.memref_slice %arg6[%dma_start3A_1548, %dma_start3A_1560, %dma_start3A_1561] : memref<10x64x128xf32, #tpu.memory_space<vmem>> -> memref<1x64x128xf32, #tpu.memory_space<vmem>>
      %dma_start3A_1563 = tpu.memref_squeeze %dma_start3A_1562 : memref<1x64x128xf32, #tpu.memory_space<vmem>> -> memref<64x128xf32, #tpu.memory_space<vmem>>
      tpu.enqueue_dma source(%dma_start3A_1563 : memref<64x128xf32, #tpu.memory_space<vmem>>) target(%dma_start3A_1559 : memref<64x128xf32, #tpu.memory_space<hbm>>) target_semaphore(%dma_start3A_1557 : memref<!tpu.dma_semaphore, #tpu.memory_space<semaphore_mem>>)
      %mul3A_1564 = arith.constant 64 : i32
      %mul3A_1565 = arith.muli %add3A_1530, %mul3A_1564 : i32
      %add3A_1566 = arith.addi %mul3A_2, %mul3A_1565 : i32
      %dma_wait3A_1567 = arith.constant 2 : i32
      %dma_wait3A_1568 = arith.constant 2 : i32
      %dma_wait3A_1569 = arith.constant 0 : i32
      %dma_wait3A_1570 = arith.constant 0 : i32
      %dma_wait3A_1571 = tpu.memref_slice %arg6[%dma_wait3A_1567, %dma_wait3A_1569, %dma_wait3A_1570] : memref<10x64x128xf32, #tpu.memory_space<vmem>> -> memref<1x64x128xf32, #tpu.memory_space<vmem>>
      %dma_wait3A_1572 = tpu.memref_squeeze %dma_wait3A_1571 : memref<1x64x128xf32, #tpu.memory_space<vmem>> -> memref<64x128xf32, #tpu.memory_space<vmem>>
      %dma_wait3A_1573 = arith.constant 0 : i32
      %dma_wait3A_1574 = tpu.memref_slice %arg4[%add3A_1566, %dma_wait3A_1573] : memref<204800x128xf32, #tpu.memory_space<hbm>> -> memref<64x128xf32, #tpu.memory_space<hbm>>
      %dma_wait3A_1575 = tpu.memref_slice %arg8[%dma_wait3A_1568] : memref<10x!tpu.dma_semaphore, #tpu.memory_space<semaphore_mem>> -> memref<1x!tpu.dma_semaphore, #tpu.memory_space<semaphore_mem>>
      %dma_wait3A_1576 = tpu.memref_squeeze %dma_wait3A_1575 : memref<1x!tpu.dma_semaphore, #tpu.memory_space<semaphore_mem>> -> memref<!tpu.dma_semaphore, #tpu.memory_space<semaphore_mem>>
      %dma_wait3A_1577 = arith.constant 0 : i32
      %dma_wait3A_1578 = tpu.memref_slice %arg4[%add3A_1566, %dma_wait3A_1577] : memref<204800x128xf32, #tpu.memory_space<hbm>> -> memref<64x128xf32, #tpu.memory_space<hbm>>
      %dma_wait3A_1579 = arith.constant 0 : i32
      %dma_wait3A_1580 = arith.constant 0 : i32
      %dma_wait3A_1581 = tpu.memref_slice %arg6[%dma_wait3A_1567, %dma_wait3A_1579, %dma_wait3A_1580] : memref<10x64x128xf32, #tpu.memory_space<vmem>> -> memref<1x64x128xf32, #tpu.memory_space<vmem>>
      %dma_wait3A_1582 = tpu.memref_squeeze %dma_wait3A_1581 : memref<1x64x128xf32, #tpu.memory_space<vmem>> -> memref<64x128xf32, #tpu.memory_space<vmem>>
      tpu.wait_dma2 semaphore(%dma_wait3A_1576 : memref<!tpu.dma_semaphore, #tpu.memory_space<semaphore_mem>>) src(%dma_wait3A_1582 : memref<64x128xf32, #tpu.memory_space<vmem>>) dst(%dma_wait3A_1578 : memref<64x128xf32, #tpu.memory_space<hbm>>)
      %add3A_1583 = arith.constant 8 : i32
      %add3A_1584 = arith.addi %add3A_1530, %add3A_1583 : i32
      %mul3A_1585 = arith.constant 64 : i32
      %mul3A_1586 = arith.muli %add3A_1584, %mul3A_1585 : i32
      %dma_start3A_1587 = arith.constant 2 : i32
      %dma_start3A_1588 = arith.constant 2 : i32
      %dma_start3A_1589 = arith.constant 0 : i32
      %dma_start3A_1590 = arith.constant 0 : i32
      %dma_start3A_1591 = tpu.memref_slice %arg6[%dma_start3A_1587, %dma_start3A_1589, %dma_start3A_1590] : memref<10x64x128xf32, #tpu.memory_space<vmem>> -> memref<1x64x128xf32, #tpu.memory_space<vmem>>
      %dma_start3A_1592 = tpu.memref_squeeze %dma_start3A_1591 : memref<1x64x128xf32, #tpu.memory_space<vmem>> -> memref<64x128xf32, #tpu.memory_space<vmem>>
      %dma_start3A_1593 = tpu.memref_slice %arg5[%mul3A_1586] : memref<6400xi32, #tpu.memory_space<vmem>> -> memref<64xi32, #tpu.memory_space<vmem>>
      %dma_start3A_1594 = arith.constant 0 : i32
      %dma_start3A_1595 = arith.constant 0 : i32
      %dma_start3A_1596 = tpu.memref_slice %arg3[%dma_start3A_1594, %dma_start3A_1595] : memref<100000x128xf32, #tpu.memory_space<hbm>> -> memref<100000x128xf32, #tpu.memory_space<hbm>>
      %dma_start3A_1597 = tpu.memref_slice %arg7[%dma_start3A_1588] : memref<10x!tpu.dma_semaphore, #tpu.memory_space<semaphore_mem>> -> memref<1x!tpu.dma_semaphore, #tpu.memory_space<semaphore_mem>>
      %dma_start3A_1598 = tpu.memref_squeeze %dma_start3A_1597 : memref<1x!tpu.dma_semaphore, #tpu.memory_space<semaphore_mem>> -> memref<!tpu.dma_semaphore, #tpu.memory_space<semaphore_mem>>
      tpu.enqueue_indirect_dma source(%dma_start3A_1596 : memref<100000x128xf32, #tpu.memory_space<hbm>>) target(%dma_start3A_1592 : memref<64x128xf32, #tpu.memory_space<vmem>>) offsets(%dma_start3A_1593 : memref<64xi32, #tpu.memory_space<vmem>>) semaphore(%dma_start3A_1598 : memref<!tpu.dma_semaphore, #tpu.memory_space<semaphore_mem>>)
      %add3A_1599 = arith.constant 5 : i32
      %add3A_1600 = arith.addi %mul3A_1248, %add3A_1599 : i32
      %mul3A_1601 = arith.constant 64 : i32
      %mul3A_1602 = arith.muli %add3A_1600, %mul3A_1601 : i32
      %dma_wait3A_1603 = arith.constant 5 : i32
      %dma_wait3A_1604 = arith.constant 5 : i32
      %dma_wait3A_1605 = arith.constant 0 : i32
      %dma_wait3A_1606 = arith.constant 0 : i32
      %dma_wait3A_1607 = tpu.memref_slice %arg6[%dma_wait3A_1603, %dma_wait3A_1605, %dma_wait3A_1606] : memref<10x64x128xf32, #tpu.memory_space<vmem>> -> memref<1x64x128xf32, #tpu.memory_space<vmem>>
      %dma_wait3A_1608 = tpu.memref_squeeze %dma_wait3A_1607 : memref<1x64x128xf32, #tpu.memory_space<vmem>> -> memref<64x128xf32, #tpu.memory_space<vmem>>
      %dma_wait3A_1609 = tpu.memref_slice %arg5[%mul3A_1602] : memref<6400xi32, #tpu.memory_space<vmem>> -> memref<64xi32, #tpu.memory_space<vmem>>
      %dma_wait3A_1610 = arith.constant 0 : i32
      %dma_wait3A_1611 = arith.constant 0 : i32
      %dma_wait3A_1612 = tpu.memref_slice %arg3[%dma_wait3A_1610, %dma_wait3A_1611] : memref<100000x128xf32, #tpu.memory_space<hbm>> -> memref<100000x128xf32, #tpu.memory_space<hbm>>
      %dma_wait3A_1613 = tpu.memref_slice %arg7[%dma_wait3A_1604] : memref<10x!tpu.dma_semaphore, #tpu.memory_space<semaphore_mem>> -> memref<1x!tpu.dma_semaphore, #tpu.memory_space<semaphore_mem>>
      %dma_wait3A_1614 = tpu.memref_squeeze %dma_wait3A_1613 : memref<1x!tpu.dma_semaphore, #tpu.memory_space<semaphore_mem>> -> memref<!tpu.dma_semaphore, #tpu.memory_space<semaphore_mem>>
      tpu.wait_indirect_dma semaphore(%dma_wait3A_1614 : memref<!tpu.dma_semaphore, #tpu.memory_space<semaphore_mem>>) src(%dma_wait3A_1612 : memref<100000x128xf32, #tpu.memory_space<hbm>>) dst(%dma_wait3A_1608 : memref<64x128xf32, #tpu.memory_space<vmem>>)
      %mul3A_1615 = arith.constant 64 : i32
      %mul3A_1616 = arith.muli %add3A_1600, %mul3A_1615 : i32
      %add3A_1617 = arith.addi %mul3A_2, %mul3A_1616 : i32
      %dma_start3A_1618 = arith.constant 5 : i32
      %dma_start3A_1619 = arith.constant 5 : i32
      %dma_start3A_1620 = arith.constant 0 : i32
      %dma_start3A_1621 = arith.constant 0 : i32
      %dma_start3A_1622 = tpu.memref_slice %arg6[%dma_start3A_1618, %dma_start3A_1620, %dma_start3A_1621] : memref<10x64x128xf32, #tpu.memory_space<vmem>> -> memref<1x64x128xf32, #tpu.memory_space<vmem>>
      %dma_start3A_1623 = tpu.memref_squeeze %dma_start3A_1622 : memref<1x64x128xf32, #tpu.memory_space<vmem>> -> memref<64x128xf32, #tpu.memory_space<vmem>>
      %dma_start3A_1624 = arith.constant 0 : i32
      %dma_start3A_1625 = tpu.memref_slice %arg4[%add3A_1617, %dma_start3A_1624] : memref<204800x128xf32, #tpu.memory_space<hbm>> -> memref<64x128xf32, #tpu.memory_space<hbm>>
      %dma_start3A_1626 = tpu.memref_slice %arg8[%dma_start3A_1619] : memref<10x!tpu.dma_semaphore, #tpu.memory_space<semaphore_mem>> -> memref<1x!tpu.dma_semaphore, #tpu.memory_space<semaphore_mem>>
      %dma_start3A_1627 = tpu.memref_squeeze %dma_start3A_1626 : memref<1x!tpu.dma_semaphore, #tpu.memory_space<semaphore_mem>> -> memref<!tpu.dma_semaphore, #tpu.memory_space<semaphore_mem>>
      %dma_start3A_1628 = arith.constant 0 : i32
      %dma_start3A_1629 = tpu.memref_slice %arg4[%add3A_1617, %dma_start3A_1628] : memref<204800x128xf32, #tpu.memory_space<hbm>> -> memref<64x128xf32, #tpu.memory_space<hbm>>
      %dma_start3A_1630 = arith.constant 0 : i32
      %dma_start3A_1631 = arith.constant 0 : i32
      %dma_start3A_1632 = tpu.memref_slice %arg6[%dma_start3A_1618, %dma_start3A_1630, %dma_start3A_1631] : memref<10x64x128xf32, #tpu.memory_space<vmem>> -> memref<1x64x128xf32, #tpu.memory_space<vmem>>
      %dma_start3A_1633 = tpu.memref_squeeze %dma_start3A_1632 : memref<1x64x128xf32, #tpu.memory_space<vmem>> -> memref<64x128xf32, #tpu.memory_space<vmem>>
      tpu.enqueue_dma source(%dma_start3A_1633 : memref<64x128xf32, #tpu.memory_space<vmem>>) target(%dma_start3A_1629 : memref<64x128xf32, #tpu.memory_space<hbm>>) target_semaphore(%dma_start3A_1627 : memref<!tpu.dma_semaphore, #tpu.memory_space<semaphore_mem>>)
      %mul3A_1634 = arith.constant 64 : i32
      %mul3A_1635 = arith.muli %add3A_1600, %mul3A_1634 : i32
      %add3A_1636 = arith.addi %mul3A_2, %mul3A_1635 : i32
      %dma_wait3A_1637 = arith.constant 3 : i32
      %dma_wait3A_1638 = arith.constant 3 : i32
      %dma_wait3A_1639 = arith.constant 0 : i32
      %dma_wait3A_1640 = arith.constant 0 : i32
      %dma_wait3A_1641 = tpu.memref_slice %arg6[%dma_wait3A_1637, %dma_wait3A_1639, %dma_wait3A_1640] : memref<10x64x128xf32, #tpu.memory_space<vmem>> -> memref<1x64x128xf32, #tpu.memory_space<vmem>>
      %dma_wait3A_1642 = tpu.memref_squeeze %dma_wait3A_1641 : memref<1x64x128xf32, #tpu.memory_space<vmem>> -> memref<64x128xf32, #tpu.memory_space<vmem>>
      %dma_wait3A_1643 = arith.constant 0 : i32
      %dma_wait3A_1644 = tpu.memref_slice %arg4[%add3A_1636, %dma_wait3A_1643] : memref<204800x128xf32, #tpu.memory_space<hbm>> -> memref<64x128xf32, #tpu.memory_space<hbm>>
      %dma_wait3A_1645 = tpu.memref_slice %arg8[%dma_wait3A_1638] : memref<10x!tpu.dma_semaphore, #tpu.memory_space<semaphore_mem>> -> memref<1x!tpu.dma_semaphore, #tpu.memory_space<semaphore_mem>>
      %dma_wait3A_1646 = tpu.memref_squeeze %dma_wait3A_1645 : memref<1x!tpu.dma_semaphore, #tpu.memory_space<semaphore_mem>> -> memref<!tpu.dma_semaphore, #tpu.memory_space<semaphore_mem>>
      %dma_wait3A_1647 = arith.constant 0 : i32
      %dma_wait3A_1648 = tpu.memref_slice %arg4[%add3A_1636, %dma_wait3A_1647] : memref<204800x128xf32, #tpu.memory_space<hbm>> -> memref<64x128xf32, #tpu.memory_space<hbm>>
      %dma_wait3A_1649 = arith.constant 0 : i32
      %dma_wait3A_1650 = arith.constant 0 : i32
      %dma_wait3A_1651 = tpu.memref_slice %arg6[%dma_wait3A_1637, %dma_wait3A_1649, %dma_wait3A_1650] : memref<10x64x128xf32, #tpu.memory_space<vmem>> -> memref<1x64x128xf32, #tpu.memory_space<vmem>>
      %dma_wait3A_1652 = tpu.memref_squeeze %dma_wait3A_1651 : memref<1x64x128xf32, #tpu.memory_space<vmem>> -> memref<64x128xf32, #tpu.memory_space<vmem>>
      tpu.wait_dma2 semaphore(%dma_wait3A_1646 : memref<!tpu.dma_semaphore, #tpu.memory_space<semaphore_mem>>) src(%dma_wait3A_1652 : memref<64x128xf32, #tpu.memory_space<vmem>>) dst(%dma_wait3A_1648 : memref<64x128xf32, #tpu.memory_space<hbm>>)
      %add3A_1653 = arith.constant 8 : i32
      %add3A_1654 = arith.addi %add3A_1600, %add3A_1653 : i32
      %mul3A_1655 = arith.constant 64 : i32
      %mul3A_1656 = arith.muli %add3A_1654, %mul3A_1655 : i32
      %dma_start3A_1657 = arith.constant 3 : i32
      %dma_start3A_1658 = arith.constant 3 : i32
      %dma_start3A_1659 = arith.constant 0 : i32
      %dma_start3A_1660 = arith.constant 0 : i32
      %dma_start3A_1661 = tpu.memref_slice %arg6[%dma_start3A_1657, %dma_start3A_1659, %dma_start3A_1660] : memref<10x64x128xf32, #tpu.memory_space<vmem>> -> memref<1x64x128xf32, #tpu.memory_space<vmem>>
      %dma_start3A_1662 = tpu.memref_squeeze %dma_start3A_1661 : memref<1x64x128xf32, #tpu.memory_space<vmem>> -> memref<64x128xf32, #tpu.memory_space<vmem>>
      %dma_start3A_1663 = tpu.memref_slice %arg5[%mul3A_1656] : memref<6400xi32, #tpu.memory_space<vmem>> -> memref<64xi32, #tpu.memory_space<vmem>>
      %dma_start3A_1664 = arith.constant 0 : i32
      %dma_start3A_1665 = arith.constant 0 : i32
      %dma_start3A_1666 = tpu.memref_slice %arg3[%dma_start3A_1664, %dma_start3A_1665] : memref<100000x128xf32, #tpu.memory_space<hbm>> -> memref<100000x128xf32, #tpu.memory_space<hbm>>
      %dma_start3A_1667 = tpu.memref_slice %arg7[%dma_start3A_1658] : memref<10x!tpu.dma_semaphore, #tpu.memory_space<semaphore_mem>> -> memref<1x!tpu.dma_semaphore, #tpu.memory_space<semaphore_mem>>
      %dma_start3A_1668 = tpu.memref_squeeze %dma_start3A_1667 : memref<1x!tpu.dma_semaphore, #tpu.memory_space<semaphore_mem>> -> memref<!tpu.dma_semaphore, #tpu.memory_space<semaphore_mem>>
      tpu.enqueue_indirect_dma source(%dma_start3A_1666 : memref<100000x128xf32, #tpu.memory_space<hbm>>) target(%dma_start3A_1662 : memref<64x128xf32, #tpu.memory_space<vmem>>) offsets(%dma_start3A_1663 : memref<64xi32, #tpu.memory_space<vmem>>) semaphore(%dma_start3A_1668 : memref<!tpu.dma_semaphore, #tpu.memory_space<semaphore_mem>>)
      %add3A_1669 = arith.constant 6 : i32
      %add3A_1670 = arith.addi %mul3A_1248, %add3A_1669 : i32
      %mul3A_1671 = arith.constant 64 : i32
      %mul3A_1672 = arith.muli %add3A_1670, %mul3A_1671 : i32
      %dma_wait3A_1673 = arith.constant 6 : i32
      %dma_wait3A_1674 = arith.constant 6 : i32
      %dma_wait3A_1675 = arith.constant 0 : i32
      %dma_wait3A_1676 = arith.constant 0 : i32
      %dma_wait3A_1677 = tpu.memref_slice %arg6[%dma_wait3A_1673, %dma_wait3A_1675, %dma_wait3A_1676] : memref<10x64x128xf32, #tpu.memory_space<vmem>> -> memref<1x64x128xf32, #tpu.memory_space<vmem>>
      %dma_wait3A_1678 = tpu.memref_squeeze %dma_wait3A_1677 : memref<1x64x128xf32, #tpu.memory_space<vmem>> -> memref<64x128xf32, #tpu.memory_space<vmem>>
      %dma_wait3A_1679 = tpu.memref_slice %arg5[%mul3A_1672] : memref<6400xi32, #tpu.memory_space<vmem>> -> memref<64xi32, #tpu.memory_space<vmem>>
      %dma_wait3A_1680 = arith.constant 0 : i32
      %dma_wait3A_1681 = arith.constant 0 : i32
      %dma_wait3A_1682 = tpu.memref_slice %arg3[%dma_wait3A_1680, %dma_wait3A_1681] : memref<100000x128xf32, #tpu.memory_space<hbm>> -> memref<100000x128xf32, #tpu.memory_space<hbm>>
      %dma_wait3A_1683 = tpu.memref_slice %arg7[%dma_wait3A_1674] : memref<10x!tpu.dma_semaphore, #tpu.memory_space<semaphore_mem>> -> memref<1x!tpu.dma_semaphore, #tpu.memory_space<semaphore_mem>>
      %dma_wait3A_1684 = tpu.memref_squeeze %dma_wait3A_1683 : memref<1x!tpu.dma_semaphore, #tpu.memory_space<semaphore_mem>> -> memref<!tpu.dma_semaphore, #tpu.memory_space<semaphore_mem>>
      tpu.wait_indirect_dma semaphore(%dma_wait3A_1684 : memref<!tpu.dma_semaphore, #tpu.memory_space<semaphore_mem>>) src(%dma_wait3A_1682 : memref<100000x128xf32, #tpu.memory_space<hbm>>) dst(%dma_wait3A_1678 : memref<64x128xf32, #tpu.memory_space<vmem>>)
      %mul3A_1685 = arith.constant 64 : i32
      %mul3A_1686 = arith.muli %add3A_1670, %mul3A_1685 : i32
      %add3A_1687 = arith.addi %mul3A_2, %mul3A_1686 : i32
      %dma_start3A_1688 = arith.constant 6 : i32
      %dma_start3A_1689 = arith.constant 6 : i32
      %dma_start3A_1690 = arith.constant 0 : i32
      %dma_start3A_1691 = arith.constant 0 : i32
      %dma_start3A_1692 = tpu.memref_slice %arg6[%dma_start3A_1688, %dma_start3A_1690, %dma_start3A_1691] : memref<10x64x128xf32, #tpu.memory_space<vmem>> -> memref<1x64x128xf32, #tpu.memory_space<vmem>>
      %dma_start3A_1693 = tpu.memref_squeeze %dma_start3A_1692 : memref<1x64x128xf32, #tpu.memory_space<vmem>> -> memref<64x128xf32, #tpu.memory_space<vmem>>
      %dma_start3A_1694 = arith.constant 0 : i32
      %dma_start3A_1695 = tpu.memref_slice %arg4[%add3A_1687, %dma_start3A_1694] : memref<204800x128xf32, #tpu.memory_space<hbm>> -> memref<64x128xf32, #tpu.memory_space<hbm>>
      %dma_start3A_1696 = tpu.memref_slice %arg8[%dma_start3A_1689] : memref<10x!tpu.dma_semaphore, #tpu.memory_space<semaphore_mem>> -> memref<1x!tpu.dma_semaphore, #tpu.memory_space<semaphore_mem>>
      %dma_start3A_1697 = tpu.memref_squeeze %dma_start3A_1696 : memref<1x!tpu.dma_semaphore, #tpu.memory_space<semaphore_mem>> -> memref<!tpu.dma_semaphore, #tpu.memory_space<semaphore_mem>>
      %dma_start3A_1698 = arith.constant 0 : i32
      %dma_start3A_1699 = tpu.memref_slice %arg4[%add3A_1687, %dma_start3A_1698] : memref<204800x128xf32, #tpu.memory_space<hbm>> -> memref<64x128xf32, #tpu.memory_space<hbm>>
      %dma_start3A_1700 = arith.constant 0 : i32
      %dma_start3A_1701 = arith.constant 0 : i32
      %dma_start3A_1702 = tpu.memref_slice %arg6[%dma_start3A_1688, %dma_start3A_1700, %dma_start3A_1701] : memref<10x64x128xf32, #tpu.memory_space<vmem>> -> memref<1x64x128xf32, #tpu.memory_space<vmem>>
      %dma_start3A_1703 = tpu.memref_squeeze %dma_start3A_1702 : memref<1x64x128xf32, #tpu.memory_space<vmem>> -> memref<64x128xf32, #tpu.memory_space<vmem>>
      tpu.enqueue_dma source(%dma_start3A_1703 : memref<64x128xf32, #tpu.memory_space<vmem>>) target(%dma_start3A_1699 : memref<64x128xf32, #tpu.memory_space<hbm>>) target_semaphore(%dma_start3A_1697 : memref<!tpu.dma_semaphore, #tpu.memory_space<semaphore_mem>>)
      %mul3A_1704 = arith.constant 64 : i32
      %mul3A_1705 = arith.muli %add3A_1670, %mul3A_1704 : i32
      %add3A_1706 = arith.addi %mul3A_2, %mul3A_1705 : i32
      %dma_wait3A_1707 = arith.constant 4 : i32
      %dma_wait3A_1708 = arith.constant 4 : i32
      %dma_wait3A_1709 = arith.constant 0 : i32
      %dma_wait3A_1710 = arith.constant 0 : i32
      %dma_wait3A_1711 = tpu.memref_slice %arg6[%dma_wait3A_1707, %dma_wait3A_1709, %dma_wait3A_1710] : memref<10x64x128xf32, #tpu.memory_space<vmem>> -> memref<1x64x128xf32, #tpu.memory_space<vmem>>
      %dma_wait3A_1712 = tpu.memref_squeeze %dma_wait3A_1711 : memref<1x64x128xf32, #tpu.memory_space<vmem>> -> memref<64x128xf32, #tpu.memory_space<vmem>>
      %dma_wait3A_1713 = arith.constant 0 : i32
      %dma_wait3A_1714 = tpu.memref_slice %arg4[%add3A_1706, %dma_wait3A_1713] : memref<204800x128xf32, #tpu.memory_space<hbm>> -> memref<64x128xf32, #tpu.memory_space<hbm>>
      %dma_wait3A_1715 = tpu.memref_slice %arg8[%dma_wait3A_1708] : memref<10x!tpu.dma_semaphore, #tpu.memory_space<semaphore_mem>> -> memref<1x!tpu.dma_semaphore, #tpu.memory_space<semaphore_mem>>
      %dma_wait3A_1716 = tpu.memref_squeeze %dma_wait3A_1715 : memref<1x!tpu.dma_semaphore, #tpu.memory_space<semaphore_mem>> -> memref<!tpu.dma_semaphore, #tpu.memory_space<semaphore_mem>>
      %dma_wait3A_1717 = arith.constant 0 : i32
      %dma_wait3A_1718 = tpu.memref_slice %arg4[%add3A_1706, %dma_wait3A_1717] : memref<204800x128xf32, #tpu.memory_space<hbm>> -> memref<64x128xf32, #tpu.memory_space<hbm>>
      %dma_wait3A_1719 = arith.constant 0 : i32
      %dma_wait3A_1720 = arith.constant 0 : i32
      %dma_wait3A_1721 = tpu.memref_slice %arg6[%dma_wait3A_1707, %dma_wait3A_1719, %dma_wait3A_1720] : memref<10x64x128xf32, #tpu.memory_space<vmem>> -> memref<1x64x128xf32, #tpu.memory_space<vmem>>
      %dma_wait3A_1722 = tpu.memref_squeeze %dma_wait3A_1721 : memref<1x64x128xf32, #tpu.memory_space<vmem>> -> memref<64x128xf32, #tpu.memory_space<vmem>>
      tpu.wait_dma2 semaphore(%dma_wait3A_1716 : memref<!tpu.dma_semaphore, #tpu.memory_space<semaphore_mem>>) src(%dma_wait3A_1722 : memref<64x128xf32, #tpu.memory_space<vmem>>) dst(%dma_wait3A_1718 : memref<64x128xf32, #tpu.memory_space<hbm>>)
      %add3A_1723 = arith.constant 8 : i32
      %add3A_1724 = arith.addi %add3A_1670, %add3A_1723 : i32
      %mul3A_1725 = arith.constant 64 : i32
      %mul3A_1726 = arith.muli %add3A_1724, %mul3A_1725 : i32
      %dma_start3A_1727 = arith.constant 4 : i32
      %dma_start3A_1728 = arith.constant 4 : i32
      %dma_start3A_1729 = arith.constant 0 : i32
      %dma_start3A_1730 = arith.constant 0 : i32
      %dma_start3A_1731 = tpu.memref_slice %arg6[%dma_start3A_1727, %dma_start3A_1729, %dma_start3A_1730] : memref<10x64x128xf32, #tpu.memory_space<vmem>> -> memref<1x64x128xf32, #tpu.memory_space<vmem>>
      %dma_start3A_1732 = tpu.memref_squeeze %dma_start3A_1731 : memref<1x64x128xf32, #tpu.memory_space<vmem>> -> memref<64x128xf32, #tpu.memory_space<vmem>>
      %dma_start3A_1733 = tpu.memref_slice %arg5[%mul3A_1726] : memref<6400xi32, #tpu.memory_space<vmem>> -> memref<64xi32, #tpu.memory_space<vmem>>
      %dma_start3A_1734 = arith.constant 0 : i32
      %dma_start3A_1735 = arith.constant 0 : i32
      %dma_start3A_1736 = tpu.memref_slice %arg3[%dma_start3A_1734, %dma_start3A_1735] : memref<100000x128xf32, #tpu.memory_space<hbm>> -> memref<100000x128xf32, #tpu.memory_space<hbm>>
      %dma_start3A_1737 = tpu.memref_slice %arg7[%dma_start3A_1728] : memref<10x!tpu.dma_semaphore, #tpu.memory_space<semaphore_mem>> -> memref<1x!tpu.dma_semaphore, #tpu.memory_space<semaphore_mem>>
      %dma_start3A_1738 = tpu.memref_squeeze %dma_start3A_1737 : memref<1x!tpu.dma_semaphore, #tpu.memory_space<semaphore_mem>> -> memref<!tpu.dma_semaphore, #tpu.memory_space<semaphore_mem>>
      tpu.enqueue_indirect_dma source(%dma_start3A_1736 : memref<100000x128xf32, #tpu.memory_space<hbm>>) target(%dma_start3A_1732 : memref<64x128xf32, #tpu.memory_space<vmem>>) offsets(%dma_start3A_1733 : memref<64xi32, #tpu.memory_space<vmem>>) semaphore(%dma_start3A_1738 : memref<!tpu.dma_semaphore, #tpu.memory_space<semaphore_mem>>)
      %add3A_1739 = arith.constant 7 : i32
      %add3A_1740 = arith.addi %mul3A_1248, %add3A_1739 : i32
      %mul3A_1741 = arith.constant 64 : i32
      %mul3A_1742 = arith.muli %add3A_1740, %mul3A_1741 : i32
      %dma_wait3A_1743 = arith.constant 7 : i32
      %dma_wait3A_1744 = arith.constant 7 : i32
      %dma_wait3A_1745 = arith.constant 0 : i32
      %dma_wait3A_1746 = arith.constant 0 : i32
      %dma_wait3A_1747 = tpu.memref_slice %arg6[%dma_wait3A_1743, %dma_wait3A_1745, %dma_wait3A_1746] : memref<10x64x128xf32, #tpu.memory_space<vmem>> -> memref<1x64x128xf32, #tpu.memory_space<vmem>>
      %dma_wait3A_1748 = tpu.memref_squeeze %dma_wait3A_1747 : memref<1x64x128xf32, #tpu.memory_space<vmem>> -> memref<64x128xf32, #tpu.memory_space<vmem>>
      %dma_wait3A_1749 = tpu.memref_slice %arg5[%mul3A_1742] : memref<6400xi32, #tpu.memory_space<vmem>> -> memref<64xi32, #tpu.memory_space<vmem>>
      %dma_wait3A_1750 = arith.constant 0 : i32
      %dma_wait3A_1751 = arith.constant 0 : i32
      %dma_wait3A_1752 = tpu.memref_slice %arg3[%dma_wait3A_1750, %dma_wait3A_1751] : memref<100000x128xf32, #tpu.memory_space<hbm>> -> memref<100000x128xf32, #tpu.memory_space<hbm>>
      %dma_wait3A_1753 = tpu.memref_slice %arg7[%dma_wait3A_1744] : memref<10x!tpu.dma_semaphore, #tpu.memory_space<semaphore_mem>> -> memref<1x!tpu.dma_semaphore, #tpu.memory_space<semaphore_mem>>
      %dma_wait3A_1754 = tpu.memref_squeeze %dma_wait3A_1753 : memref<1x!tpu.dma_semaphore, #tpu.memory_space<semaphore_mem>> -> memref<!tpu.dma_semaphore, #tpu.memory_space<semaphore_mem>>
      tpu.wait_indirect_dma semaphore(%dma_wait3A_1754 : memref<!tpu.dma_semaphore, #tpu.memory_space<semaphore_mem>>) src(%dma_wait3A_1752 : memref<100000x128xf32, #tpu.memory_space<hbm>>) dst(%dma_wait3A_1748 : memref<64x128xf32, #tpu.memory_space<vmem>>)
      %mul3A_1755 = arith.constant 64 : i32
      %mul3A_1756 = arith.muli %add3A_1740, %mul3A_1755 : i32
      %add3A_1757 = arith.addi %mul3A_2, %mul3A_1756 : i32
      %dma_start3A_1758 = arith.constant 7 : i32
      %dma_start3A_1759 = arith.constant 7 : i32
      %dma_start3A_1760 = arith.constant 0 : i32
      %dma_start3A_1761 = arith.constant 0 : i32
      %dma_start3A_1762 = tpu.memref_slice %arg6[%dma_start3A_1758, %dma_start3A_1760, %dma_start3A_1761] : memref<10x64x128xf32, #tpu.memory_space<vmem>> -> memref<1x64x128xf32, #tpu.memory_space<vmem>>
      %dma_start3A_1763 = tpu.memref_squeeze %dma_start3A_1762 : memref<1x64x128xf32, #tpu.memory_space<vmem>> -> memref<64x128xf32, #tpu.memory_space<vmem>>
      %dma_start3A_1764 = arith.constant 0 : i32
      %dma_start3A_1765 = tpu.memref_slice %arg4[%add3A_1757, %dma_start3A_1764] : memref<204800x128xf32, #tpu.memory_space<hbm>> -> memref<64x128xf32, #tpu.memory_space<hbm>>
      %dma_start3A_1766 = tpu.memref_slice %arg8[%dma_start3A_1759] : memref<10x!tpu.dma_semaphore, #tpu.memory_space<semaphore_mem>> -> memref<1x!tpu.dma_semaphore, #tpu.memory_space<semaphore_mem>>
      %dma_start3A_1767 = tpu.memref_squeeze %dma_start3A_1766 : memref<1x!tpu.dma_semaphore, #tpu.memory_space<semaphore_mem>> -> memref<!tpu.dma_semaphore, #tpu.memory_space<semaphore_mem>>
      %dma_start3A_1768 = arith.constant 0 : i32
      %dma_start3A_1769 = tpu.memref_slice %arg4[%add3A_1757, %dma_start3A_1768] : memref<204800x128xf32, #tpu.memory_space<hbm>> -> memref<64x128xf32, #tpu.memory_space<hbm>>
      %dma_start3A_1770 = arith.constant 0 : i32
      %dma_start3A_1771 = arith.constant 0 : i32
      %dma_start3A_1772 = tpu.memref_slice %arg6[%dma_start3A_1758, %dma_start3A_1770, %dma_start3A_1771] : memref<10x64x128xf32, #tpu.memory_space<vmem>> -> memref<1x64x128xf32, #tpu.memory_space<vmem>>
      %dma_start3A_1773 = tpu.memref_squeeze %dma_start3A_1772 : memref<1x64x128xf32, #tpu.memory_space<vmem>> -> memref<64x128xf32, #tpu.memory_space<vmem>>
      tpu.enqueue_dma source(%dma_start3A_1773 : memref<64x128xf32, #tpu.memory_space<vmem>>) target(%dma_start3A_1769 : memref<64x128xf32, #tpu.memory_space<hbm>>) target_semaphore(%dma_start3A_1767 : memref<!tpu.dma_semaphore, #tpu.memory_space<semaphore_mem>>)
      %mul3A_1774 = arith.constant 64 : i32
      %mul3A_1775 = arith.muli %add3A_1740, %mul3A_1774 : i32
      %add3A_1776 = arith.addi %mul3A_2, %mul3A_1775 : i32
      %dma_wait3A_1777 = arith.constant 5 : i32
      %dma_wait3A_1778 = arith.constant 5 : i32
      %dma_wait3A_1779 = arith.constant 0 : i32
      %dma_wait3A_1780 = arith.constant 0 : i32
      %dma_wait3A_1781 = tpu.memref_slice %arg6[%dma_wait3A_1777, %dma_wait3A_1779, %dma_wait3A_1780] : memref<10x64x128xf32, #tpu.memory_space<vmem>> -> memref<1x64x128xf32, #tpu.memory_space<vmem>>
      %dma_wait3A_1782 = tpu.memref_squeeze %dma_wait3A_1781 : memref<1x64x128xf32, #tpu.memory_space<vmem>> -> memref<64x128xf32, #tpu.memory_space<vmem>>
      %dma_wait3A_1783 = arith.constant 0 : i32
      %dma_wait3A_1784 = tpu.memref_slice %arg4[%add3A_1776, %dma_wait3A_1783] : memref<204800x128xf32, #tpu.memory_space<hbm>> -> memref<64x128xf32, #tpu.memory_space<hbm>>
      %dma_wait3A_1785 = tpu.memref_slice %arg8[%dma_wait3A_1778] : memref<10x!tpu.dma_semaphore, #tpu.memory_space<semaphore_mem>> -> memref<1x!tpu.dma_semaphore, #tpu.memory_space<semaphore_mem>>
      %dma_wait3A_1786 = tpu.memref_squeeze %dma_wait3A_1785 : memref<1x!tpu.dma_semaphore, #tpu.memory_space<semaphore_mem>> -> memref<!tpu.dma_semaphore, #tpu.memory_space<semaphore_mem>>
      %dma_wait3A_1787 = arith.constant 0 : i32
      %dma_wait3A_1788 = tpu.memref_slice %arg4[%add3A_1776, %dma_wait3A_1787] : memref<204800x128xf32, #tpu.memory_space<hbm>> -> memref<64x128xf32, #tpu.memory_space<hbm>>
      %dma_wait3A_1789 = arith.constant 0 : i32
      %dma_wait3A_1790 = arith.constant 0 : i32
      %dma_wait3A_1791 = tpu.memref_slice %arg6[%dma_wait3A_1777, %dma_wait3A_1789, %dma_wait3A_1790] : memref<10x64x128xf32, #tpu.memory_space<vmem>> -> memref<1x64x128xf32, #tpu.memory_space<vmem>>
      %dma_wait3A_1792 = tpu.memref_squeeze %dma_wait3A_1791 : memref<1x64x128xf32, #tpu.memory_space<vmem>> -> memref<64x128xf32, #tpu.memory_space<vmem>>
      tpu.wait_dma2 semaphore(%dma_wait3A_1786 : memref<!tpu.dma_semaphore, #tpu.memory_space<semaphore_mem>>) src(%dma_wait3A_1792 : memref<64x128xf32, #tpu.memory_space<vmem>>) dst(%dma_wait3A_1788 : memref<64x128xf32, #tpu.memory_space<hbm>>)
      %add3A_1793 = arith.constant 8 : i32
      %add3A_1794 = arith.addi %add3A_1740, %add3A_1793 : i32
      %mul3A_1795 = arith.constant 64 : i32
      %mul3A_1796 = arith.muli %add3A_1794, %mul3A_1795 : i32
      %dma_start3A_1797 = arith.constant 5 : i32
      %dma_start3A_1798 = arith.constant 5 : i32
      %dma_start3A_1799 = arith.constant 0 : i32
      %dma_start3A_1800 = arith.constant 0 : i32
      %dma_start3A_1801 = tpu.memref_slice %arg6[%dma_start3A_1797, %dma_start3A_1799, %dma_start3A_1800] : memref<10x64x128xf32, #tpu.memory_space<vmem>> -> memref<1x64x128xf32, #tpu.memory_space<vmem>>
      %dma_start3A_1802 = tpu.memref_squeeze %dma_start3A_1801 : memref<1x64x128xf32, #tpu.memory_space<vmem>> -> memref<64x128xf32, #tpu.memory_space<vmem>>
      %dma_start3A_1803 = tpu.memref_slice %arg5[%mul3A_1796] : memref<6400xi32, #tpu.memory_space<vmem>> -> memref<64xi32, #tpu.memory_space<vmem>>
      %dma_start3A_1804 = arith.constant 0 : i32
      %dma_start3A_1805 = arith.constant 0 : i32
      %dma_start3A_1806 = tpu.memref_slice %arg3[%dma_start3A_1804, %dma_start3A_1805] : memref<100000x128xf32, #tpu.memory_space<hbm>> -> memref<100000x128xf32, #tpu.memory_space<hbm>>
      %dma_start3A_1807 = tpu.memref_slice %arg7[%dma_start3A_1798] : memref<10x!tpu.dma_semaphore, #tpu.memory_space<semaphore_mem>> -> memref<1x!tpu.dma_semaphore, #tpu.memory_space<semaphore_mem>>
      %dma_start3A_1808 = tpu.memref_squeeze %dma_start3A_1807 : memref<1x!tpu.dma_semaphore, #tpu.memory_space<semaphore_mem>> -> memref<!tpu.dma_semaphore, #tpu.memory_space<semaphore_mem>>
      tpu.enqueue_indirect_dma source(%dma_start3A_1806 : memref<100000x128xf32, #tpu.memory_space<hbm>>) target(%dma_start3A_1802 : memref<64x128xf32, #tpu.memory_space<vmem>>) offsets(%dma_start3A_1803 : memref<64xi32, #tpu.memory_space<vmem>>) semaphore(%dma_start3A_1808 : memref<!tpu.dma_semaphore, #tpu.memory_space<semaphore_mem>>)
      %add3A_1809 = arith.constant 8 : i32
      %add3A_1810 = arith.addi %mul3A_1248, %add3A_1809 : i32
      %mul3A_1811 = arith.constant 64 : i32
      %mul3A_1812 = arith.muli %add3A_1810, %mul3A_1811 : i32
      %dma_wait3A_1813 = arith.constant 8 : i32
      %dma_wait3A_1814 = arith.constant 8 : i32
      %dma_wait3A_1815 = arith.constant 0 : i32
      %dma_wait3A_1816 = arith.constant 0 : i32
      %dma_wait3A_1817 = tpu.memref_slice %arg6[%dma_wait3A_1813, %dma_wait3A_1815, %dma_wait3A_1816] : memref<10x64x128xf32, #tpu.memory_space<vmem>> -> memref<1x64x128xf32, #tpu.memory_space<vmem>>
      %dma_wait3A_1818 = tpu.memref_squeeze %dma_wait3A_1817 : memref<1x64x128xf32, #tpu.memory_space<vmem>> -> memref<64x128xf32, #tpu.memory_space<vmem>>
      %dma_wait3A_1819 = tpu.memref_slice %arg5[%mul3A_1812] : memref<6400xi32, #tpu.memory_space<vmem>> -> memref<64xi32, #tpu.memory_space<vmem>>
      %dma_wait3A_1820 = arith.constant 0 : i32
      %dma_wait3A_1821 = arith.constant 0 : i32
      %dma_wait3A_1822 = tpu.memref_slice %arg3[%dma_wait3A_1820, %dma_wait3A_1821] : memref<100000x128xf32, #tpu.memory_space<hbm>> -> memref<100000x128xf32, #tpu.memory_space<hbm>>
      %dma_wait3A_1823 = tpu.memref_slice %arg7[%dma_wait3A_1814] : memref<10x!tpu.dma_semaphore, #tpu.memory_space<semaphore_mem>> -> memref<1x!tpu.dma_semaphore, #tpu.memory_space<semaphore_mem>>
      %dma_wait3A_1824 = tpu.memref_squeeze %dma_wait3A_1823 : memref<1x!tpu.dma_semaphore, #tpu.memory_space<semaphore_mem>> -> memref<!tpu.dma_semaphore, #tpu.memory_space<semaphore_mem>>
      tpu.wait_indirect_dma semaphore(%dma_wait3A_1824 : memref<!tpu.dma_semaphore, #tpu.memory_space<semaphore_mem>>) src(%dma_wait3A_1822 : memref<100000x128xf32, #tpu.memory_space<hbm>>) dst(%dma_wait3A_1818 : memref<64x128xf32, #tpu.memory_space<vmem>>)
      %mul3A_1825 = arith.constant 64 : i32
      %mul3A_1826 = arith.muli %add3A_1810, %mul3A_1825 : i32
      %add3A_1827 = arith.addi %mul3A_2, %mul3A_1826 : i32
      %dma_start3A_1828 = arith.constant 8 : i32
      %dma_start3A_1829 = arith.constant 8 : i32
      %dma_start3A_1830 = arith.constant 0 : i32
      %dma_start3A_1831 = arith.constant 0 : i32
      %dma_start3A_1832 = tpu.memref_slice %arg6[%dma_start3A_1828, %dma_start3A_1830, %dma_start3A_1831] : memref<10x64x128xf32, #tpu.memory_space<vmem>> -> memref<1x64x128xf32, #tpu.memory_space<vmem>>
      %dma_start3A_1833 = tpu.memref_squeeze %dma_start3A_1832 : memref<1x64x128xf32, #tpu.memory_space<vmem>> -> memref<64x128xf32, #tpu.memory_space<vmem>>
      %dma_start3A_1834 = arith.constant 0 : i32
      %dma_start3A_1835 = tpu.memref_slice %arg4[%add3A_1827, %dma_start3A_1834] : memref<204800x128xf32, #tpu.memory_space<hbm>> -> memref<64x128xf32, #tpu.memory_space<hbm>>
      %dma_start3A_1836 = tpu.memref_slice %arg8[%dma_start3A_1829] : memref<10x!tpu.dma_semaphore, #tpu.memory_space<semaphore_mem>> -> memref<1x!tpu.dma_semaphore, #tpu.memory_space<semaphore_mem>>
      %dma_start3A_1837 = tpu.memref_squeeze %dma_start3A_1836 : memref<1x!tpu.dma_semaphore, #tpu.memory_space<semaphore_mem>> -> memref<!tpu.dma_semaphore, #tpu.memory_space<semaphore_mem>>
      %dma_start3A_1838 = arith.constant 0 : i32
      %dma_start3A_1839 = tpu.memref_slice %arg4[%add3A_1827, %dma_start3A_1838] : memref<204800x128xf32, #tpu.memory_space<hbm>> -> memref<64x128xf32, #tpu.memory_space<hbm>>
      %dma_start3A_1840 = arith.constant 0 : i32
      %dma_start3A_1841 = arith.constant 0 : i32
      %dma_start3A_1842 = tpu.memref_slice %arg6[%dma_start3A_1828, %dma_start3A_1840, %dma_start3A_1841] : memref<10x64x128xf32, #tpu.memory_space<vmem>> -> memref<1x64x128xf32, #tpu.memory_space<vmem>>
      %dma_start3A_1843 = tpu.memref_squeeze %dma_start3A_1842 : memref<1x64x128xf32, #tpu.memory_space<vmem>> -> memref<64x128xf32, #tpu.memory_space<vmem>>
      tpu.enqueue_dma source(%dma_start3A_1843 : memref<64x128xf32, #tpu.memory_space<vmem>>) target(%dma_start3A_1839 : memref<64x128xf32, #tpu.memory_space<hbm>>) target_semaphore(%dma_start3A_1837 : memref<!tpu.dma_semaphore, #tpu.memory_space<semaphore_mem>>)
      %mul3A_1844 = arith.constant 64 : i32
      %mul3A_1845 = arith.muli %add3A_1810, %mul3A_1844 : i32
      %add3A_1846 = arith.addi %mul3A_2, %mul3A_1845 : i32
      %dma_wait3A_1847 = arith.constant 6 : i32
      %dma_wait3A_1848 = arith.constant 6 : i32
      %dma_wait3A_1849 = arith.constant 0 : i32
      %dma_wait3A_1850 = arith.constant 0 : i32
      %dma_wait3A_1851 = tpu.memref_slice %arg6[%dma_wait3A_1847, %dma_wait3A_1849, %dma_wait3A_1850] : memref<10x64x128xf32, #tpu.memory_space<vmem>> -> memref<1x64x128xf32, #tpu.memory_space<vmem>>
      %dma_wait3A_1852 = tpu.memref_squeeze %dma_wait3A_1851 : memref<1x64x128xf32, #tpu.memory_space<vmem>> -> memref<64x128xf32, #tpu.memory_space<vmem>>
      %dma_wait3A_1853 = arith.constant 0 : i32
      %dma_wait3A_1854 = tpu.memref_slice %arg4[%add3A_1846, %dma_wait3A_1853] : memref<204800x128xf32, #tpu.memory_space<hbm>> -> memref<64x128xf32, #tpu.memory_space<hbm>>
      %dma_wait3A_1855 = tpu.memref_slice %arg8[%dma_wait3A_1848] : memref<10x!tpu.dma_semaphore, #tpu.memory_space<semaphore_mem>> -> memref<1x!tpu.dma_semaphore, #tpu.memory_space<semaphore_mem>>
      %dma_wait3A_1856 = tpu.memref_squeeze %dma_wait3A_1855 : memref<1x!tpu.dma_semaphore, #tpu.memory_space<semaphore_mem>> -> memref<!tpu.dma_semaphore, #tpu.memory_space<semaphore_mem>>
      %dma_wait3A_1857 = arith.constant 0 : i32
      %dma_wait3A_1858 = tpu.memref_slice %arg4[%add3A_1846, %dma_wait3A_1857] : memref<204800x128xf32, #tpu.memory_space<hbm>> -> memref<64x128xf32, #tpu.memory_space<hbm>>
      %dma_wait3A_1859 = arith.constant 0 : i32
      %dma_wait3A_1860 = arith.constant 0 : i32
      %dma_wait3A_1861 = tpu.memref_slice %arg6[%dma_wait3A_1847, %dma_wait3A_1859, %dma_wait3A_1860] : memref<10x64x128xf32, #tpu.memory_space<vmem>> -> memref<1x64x128xf32, #tpu.memory_space<vmem>>
      %dma_wait3A_1862 = tpu.memref_squeeze %dma_wait3A_1861 : memref<1x64x128xf32, #tpu.memory_space<vmem>> -> memref<64x128xf32, #tpu.memory_space<vmem>>
      tpu.wait_dma2 semaphore(%dma_wait3A_1856 : memref<!tpu.dma_semaphore, #tpu.memory_space<semaphore_mem>>) src(%dma_wait3A_1862 : memref<64x128xf32, #tpu.memory_space<vmem>>) dst(%dma_wait3A_1858 : memref<64x128xf32, #tpu.memory_space<hbm>>)
      %add3A_1863 = arith.constant 8 : i32
      %add3A_1864 = arith.addi %add3A_1810, %add3A_1863 : i32
      %mul3A_1865 = arith.constant 64 : i32
      %mul3A_1866 = arith.muli %add3A_1864, %mul3A_1865 : i32
      %dma_start3A_1867 = arith.constant 6 : i32
      %dma_start3A_1868 = arith.constant 6 : i32
      %dma_start3A_1869 = arith.constant 0 : i32
      %dma_start3A_1870 = arith.constant 0 : i32
      %dma_start3A_1871 = tpu.memref_slice %arg6[%dma_start3A_1867, %dma_start3A_1869, %dma_start3A_1870] : memref<10x64x128xf32, #tpu.memory_space<vmem>> -> memref<1x64x128xf32, #tpu.memory_space<vmem>>
      %dma_start3A_1872 = tpu.memref_squeeze %dma_start3A_1871 : memref<1x64x128xf32, #tpu.memory_space<vmem>> -> memref<64x128xf32, #tpu.memory_space<vmem>>
      %dma_start3A_1873 = tpu.memref_slice %arg5[%mul3A_1866] : memref<6400xi32, #tpu.memory_space<vmem>> -> memref<64xi32, #tpu.memory_space<vmem>>
      %dma_start3A_1874 = arith.constant 0 : i32
      %dma_start3A_1875 = arith.constant 0 : i32
      %dma_start3A_1876 = tpu.memref_slice %arg3[%dma_start3A_1874, %dma_start3A_1875] : memref<100000x128xf32, #tpu.memory_space<hbm>> -> memref<100000x128xf32, #tpu.memory_space<hbm>>
      %dma_start3A_1877 = tpu.memref_slice %arg7[%dma_start3A_1868] : memref<10x!tpu.dma_semaphore, #tpu.memory_space<semaphore_mem>> -> memref<1x!tpu.dma_semaphore, #tpu.memory_space<semaphore_mem>>
      %dma_start3A_1878 = tpu.memref_squeeze %dma_start3A_1877 : memref<1x!tpu.dma_semaphore, #tpu.memory_space<semaphore_mem>> -> memref<!tpu.dma_semaphore, #tpu.memory_space<semaphore_mem>>
      tpu.enqueue_indirect_dma source(%dma_start3A_1876 : memref<100000x128xf32, #tpu.memory_space<hbm>>) target(%dma_start3A_1872 : memref<64x128xf32, #tpu.memory_space<vmem>>) offsets(%dma_start3A_1873 : memref<64xi32, #tpu.memory_space<vmem>>) semaphore(%dma_start3A_1878 : memref<!tpu.dma_semaphore, #tpu.memory_space<semaphore_mem>>)
      %add3A_1879 = arith.constant 9 : i32
      %add3A_1880 = arith.addi %mul3A_1248, %add3A_1879 : i32
      %mul3A_1881 = arith.constant 64 : i32
      %mul3A_1882 = arith.muli %add3A_1880, %mul3A_1881 : i32
      %dma_wait3A_1883 = arith.constant 9 : i32
      %dma_wait3A_1884 = arith.constant 9 : i32
      %dma_wait3A_1885 = arith.constant 0 : i32
      %dma_wait3A_1886 = arith.constant 0 : i32
      %dma_wait3A_1887 = tpu.memref_slice %arg6[%dma_wait3A_1883, %dma_wait3A_1885, %dma_wait3A_1886] : memref<10x64x128xf32, #tpu.memory_space<vmem>> -> memref<1x64x128xf32, #tpu.memory_space<vmem>>
      %dma_wait3A_1888 = tpu.memref_squeeze %dma_wait3A_1887 : memref<1x64x128xf32, #tpu.memory_space<vmem>> -> memref<64x128xf32, #tpu.memory_space<vmem>>
      %dma_wait3A_1889 = tpu.memref_slice %arg5[%mul3A_1882] : memref<6400xi32, #tpu.memory_space<vmem>> -> memref<64xi32, #tpu.memory_space<vmem>>
      %dma_wait3A_1890 = arith.constant 0 : i32
      %dma_wait3A_1891 = arith.constant 0 : i32
      %dma_wait3A_1892 = tpu.memref_slice %arg3[%dma_wait3A_1890, %dma_wait3A_1891] : memref<100000x128xf32, #tpu.memory_space<hbm>> -> memref<100000x128xf32, #tpu.memory_space<hbm>>
      %dma_wait3A_1893 = tpu.memref_slice %arg7[%dma_wait3A_1884] : memref<10x!tpu.dma_semaphore, #tpu.memory_space<semaphore_mem>> -> memref<1x!tpu.dma_semaphore, #tpu.memory_space<semaphore_mem>>
      %dma_wait3A_1894 = tpu.memref_squeeze %dma_wait3A_1893 : memref<1x!tpu.dma_semaphore, #tpu.memory_space<semaphore_mem>> -> memref<!tpu.dma_semaphore, #tpu.memory_space<semaphore_mem>>
      tpu.wait_indirect_dma semaphore(%dma_wait3A_1894 : memref<!tpu.dma_semaphore, #tpu.memory_space<semaphore_mem>>) src(%dma_wait3A_1892 : memref<100000x128xf32, #tpu.memory_space<hbm>>) dst(%dma_wait3A_1888 : memref<64x128xf32, #tpu.memory_space<vmem>>)
      %mul3A_1895 = arith.constant 64 : i32
      %mul3A_1896 = arith.muli %add3A_1880, %mul3A_1895 : i32
      %add3A_1897 = arith.addi %mul3A_2, %mul3A_1896 : i32
      %dma_start3A_1898 = arith.constant 9 : i32
      %dma_start3A_1899 = arith.constant 9 : i32
      %dma_start3A_1900 = arith.constant 0 : i32
      %dma_start3A_1901 = arith.constant 0 : i32
      %dma_start3A_1902 = tpu.memref_slice %arg6[%dma_start3A_1898, %dma_start3A_1900, %dma_start3A_1901] : memref<10x64x128xf32, #tpu.memory_space<vmem>> -> memref<1x64x128xf32, #tpu.memory_space<vmem>>
      %dma_start3A_1903 = tpu.memref_squeeze %dma_start3A_1902 : memref<1x64x128xf32, #tpu.memory_space<vmem>> -> memref<64x128xf32, #tpu.memory_space<vmem>>
      %dma_start3A_1904 = arith.constant 0 : i32
      %dma_start3A_1905 = tpu.memref_slice %arg4[%add3A_1897, %dma_start3A_1904] : memref<204800x128xf32, #tpu.memory_space<hbm>> -> memref<64x128xf32, #tpu.memory_space<hbm>>
      %dma_start3A_1906 = tpu.memref_slice %arg8[%dma_start3A_1899] : memref<10x!tpu.dma_semaphore, #tpu.memory_space<semaphore_mem>> -> memref<1x!tpu.dma_semaphore, #tpu.memory_space<semaphore_mem>>
      %dma_start3A_1907 = tpu.memref_squeeze %dma_start3A_1906 : memref<1x!tpu.dma_semaphore, #tpu.memory_space<semaphore_mem>> -> memref<!tpu.dma_semaphore, #tpu.memory_space<semaphore_mem>>
      %dma_start3A_1908 = arith.constant 0 : i32
      %dma_start3A_1909 = tpu.memref_slice %arg4[%add3A_1897, %dma_start3A_1908] : memref<204800x128xf32, #tpu.memory_space<hbm>> -> memref<64x128xf32, #tpu.memory_space<hbm>>
      %dma_start3A_1910 = arith.constant 0 : i32
      %dma_start3A_1911 = arith.constant 0 : i32
      %dma_start3A_1912 = tpu.memref_slice %arg6[%dma_start3A_1898, %dma_start3A_1910, %dma_start3A_1911] : memref<10x64x128xf32, #tpu.memory_space<vmem>> -> memref<1x64x128xf32, #tpu.memory_space<vmem>>
      %dma_start3A_1913 = tpu.memref_squeeze %dma_start3A_1912 : memref<1x64x128xf32, #tpu.memory_space<vmem>> -> memref<64x128xf32, #tpu.memory_space<vmem>>
      tpu.enqueue_dma source(%dma_start3A_1913 : memref<64x128xf32, #tpu.memory_space<vmem>>) target(%dma_start3A_1909 : memref<64x128xf32, #tpu.memory_space<hbm>>) target_semaphore(%dma_start3A_1907 : memref<!tpu.dma_semaphore, #tpu.memory_space<semaphore_mem>>)
      %mul3A_1914 = arith.constant 64 : i32
      %mul3A_1915 = arith.muli %add3A_1880, %mul3A_1914 : i32
      %add3A_1916 = arith.addi %mul3A_2, %mul3A_1915 : i32
      %dma_wait3A_1917 = arith.constant 7 : i32
      %dma_wait3A_1918 = arith.constant 7 : i32
      %dma_wait3A_1919 = arith.constant 0 : i32
      %dma_wait3A_1920 = arith.constant 0 : i32
      %dma_wait3A_1921 = tpu.memref_slice %arg6[%dma_wait3A_1917, %dma_wait3A_1919, %dma_wait3A_1920] : memref<10x64x128xf32, #tpu.memory_space<vmem>> -> memref<1x64x128xf32, #tpu.memory_space<vmem>>
      %dma_wait3A_1922 = tpu.memref_squeeze %dma_wait3A_1921 : memref<1x64x128xf32, #tpu.memory_space<vmem>> -> memref<64x128xf32, #tpu.memory_space<vmem>>
      %dma_wait3A_1923 = arith.constant 0 : i32
      %dma_wait3A_1924 = tpu.memref_slice %arg4[%add3A_1916, %dma_wait3A_1923] : memref<204800x128xf32, #tpu.memory_space<hbm>> -> memref<64x128xf32, #tpu.memory_space<hbm>>
      %dma_wait3A_1925 = tpu.memref_slice %arg8[%dma_wait3A_1918] : memref<10x!tpu.dma_semaphore, #tpu.memory_space<semaphore_mem>> -> memref<1x!tpu.dma_semaphore, #tpu.memory_space<semaphore_mem>>
      %dma_wait3A_1926 = tpu.memref_squeeze %dma_wait3A_1925 : memref<1x!tpu.dma_semaphore, #tpu.memory_space<semaphore_mem>> -> memref<!tpu.dma_semaphore, #tpu.memory_space<semaphore_mem>>
      %dma_wait3A_1927 = arith.constant 0 : i32
      %dma_wait3A_1928 = tpu.memref_slice %arg4[%add3A_1916, %dma_wait3A_1927] : memref<204800x128xf32, #tpu.memory_space<hbm>> -> memref<64x128xf32, #tpu.memory_space<hbm>>
      %dma_wait3A_1929 = arith.constant 0 : i32
      %dma_wait3A_1930 = arith.constant 0 : i32
      %dma_wait3A_1931 = tpu.memref_slice %arg6[%dma_wait3A_1917, %dma_wait3A_1929, %dma_wait3A_1930] : memref<10x64x128xf32, #tpu.memory_space<vmem>> -> memref<1x64x128xf32, #tpu.memory_space<vmem>>
      %dma_wait3A_1932 = tpu.memref_squeeze %dma_wait3A_1931 : memref<1x64x128xf32, #tpu.memory_space<vmem>> -> memref<64x128xf32, #tpu.memory_space<vmem>>
      tpu.wait_dma2 semaphore(%dma_wait3A_1926 : memref<!tpu.dma_semaphore, #tpu.memory_space<semaphore_mem>>) src(%dma_wait3A_1932 : memref<64x128xf32, #tpu.memory_space<vmem>>) dst(%dma_wait3A_1928 : memref<64x128xf32, #tpu.memory_space<hbm>>)
      %add3A_1933 = arith.constant 8 : i32
      %add3A_1934 = arith.addi %add3A_1880, %add3A_1933 : i32
      %mul3A_1935 = arith.constant 64 : i32
      %mul3A_1936 = arith.muli %add3A_1934, %mul3A_1935 : i32
      %dma_start3A_1937 = arith.constant 7 : i32
      %dma_start3A_1938 = arith.constant 7 : i32
      %dma_start3A_1939 = arith.constant 0 : i32
      %dma_start3A_1940 = arith.constant 0 : i32
      %dma_start3A_1941 = tpu.memref_slice %arg6[%dma_start3A_1937, %dma_start3A_1939, %dma_start3A_1940] : memref<10x64x128xf32, #tpu.memory_space<vmem>> -> memref<1x64x128xf32, #tpu.memory_space<vmem>>
      %dma_start3A_1942 = tpu.memref_squeeze %dma_start3A_1941 : memref<1x64x128xf32, #tpu.memory_space<vmem>> -> memref<64x128xf32, #tpu.memory_space<vmem>>
      %dma_start3A_1943 = tpu.memref_slice %arg5[%mul3A_1936] : memref<6400xi32, #tpu.memory_space<vmem>> -> memref<64xi32, #tpu.memory_space<vmem>>
      %dma_start3A_1944 = arith.constant 0 : i32
      %dma_start3A_1945 = arith.constant 0 : i32
      %dma_start3A_1946 = tpu.memref_slice %arg3[%dma_start3A_1944, %dma_start3A_1945] : memref<100000x128xf32, #tpu.memory_space<hbm>> -> memref<100000x128xf32, #tpu.memory_space<hbm>>
      %dma_start3A_1947 = tpu.memref_slice %arg7[%dma_start3A_1938] : memref<10x!tpu.dma_semaphore, #tpu.memory_space<semaphore_mem>> -> memref<1x!tpu.dma_semaphore, #tpu.memory_space<semaphore_mem>>
      %dma_start3A_1948 = tpu.memref_squeeze %dma_start3A_1947 : memref<1x!tpu.dma_semaphore, #tpu.memory_space<semaphore_mem>> -> memref<!tpu.dma_semaphore, #tpu.memory_space<semaphore_mem>>
      tpu.enqueue_indirect_dma source(%dma_start3A_1946 : memref<100000x128xf32, #tpu.memory_space<hbm>>) target(%dma_start3A_1942 : memref<64x128xf32, #tpu.memory_space<vmem>>) offsets(%dma_start3A_1943 : memref<64xi32, #tpu.memory_space<vmem>>) semaphore(%dma_start3A_1948 : memref<!tpu.dma_semaphore, #tpu.memory_space<semaphore_mem>>)
    }
    %scan3A_693 = arith.constant 8 : i32
    %dma_wait3A_694 = arith.constant 0 : i32
    %dma_wait3A_695 = arith.constant 0 : i32
    %dma_wait3A_696 = arith.constant 0 : i32
    %dma_wait3A_697 = arith.constant 0 : i32
    %dma_wait3A_698 = tpu.memref_slice %arg6[%dma_wait3A_694, %dma_wait3A_696, %dma_wait3A_697] : memref<10x64x128xf32, #tpu.memory_space<vmem>> -> memref<1x64x128xf32, #tpu.memory_space<vmem>>
    %dma_wait3A_699 = tpu.memref_squeeze %dma_wait3A_698 : memref<1x64x128xf32, #tpu.memory_space<vmem>> -> memref<64x128xf32, #tpu.memory_space<vmem>>
    %dma_wait3A_700 = arith.constant 5760 : i32
    %dma_wait3A_701 = tpu.memref_slice %arg5[%dma_wait3A_700] : memref<6400xi32, #tpu.memory_space<vmem>> -> memref<64xi32, #tpu.memory_space<vmem>>
    %dma_wait3A_702 = arith.constant 0 : i32
    %dma_wait3A_703 = arith.constant 0 : i32
    %dma_wait3A_704 = tpu.memref_slice %arg3[%dma_wait3A_702, %dma_wait3A_703] : memref<100000x128xf32, #tpu.memory_space<hbm>> -> memref<100000x128xf32, #tpu.memory_space<hbm>>
    %dma_wait3A_705 = tpu.memref_slice %arg7[%dma_wait3A_695] : memref<10x!tpu.dma_semaphore, #tpu.memory_space<semaphore_mem>> -> memref<1x!tpu.dma_semaphore, #tpu.memory_space<semaphore_mem>>
    %dma_wait3A_706 = tpu.memref_squeeze %dma_wait3A_705 : memref<1x!tpu.dma_semaphore, #tpu.memory_space<semaphore_mem>> -> memref<!tpu.dma_semaphore, #tpu.memory_space<semaphore_mem>>
    tpu.wait_indirect_dma semaphore(%dma_wait3A_706 : memref<!tpu.dma_semaphore, #tpu.memory_space<semaphore_mem>>) src(%dma_wait3A_704 : memref<100000x128xf32, #tpu.memory_space<hbm>>) dst(%dma_wait3A_699 : memref<64x128xf32, #tpu.memory_space<vmem>>)
    %add3A_707 = arith.constant 5760 : i32
    %add3A_708 = arith.addi %mul3A_2, %add3A_707 : i32
    %dma_start3A_709 = arith.constant 0 : i32
    %dma_start3A_710 = arith.constant 0 : i32
    %dma_start3A_711 = arith.constant 0 : i32
    %dma_start3A_712 = arith.constant 0 : i32
    %dma_start3A_713 = tpu.memref_slice %arg6[%dma_start3A_709, %dma_start3A_711, %dma_start3A_712] : memref<10x64x128xf32, #tpu.memory_space<vmem>> -> memref<1x64x128xf32, #tpu.memory_space<vmem>>
    %dma_start3A_714 = tpu.memref_squeeze %dma_start3A_713 : memref<1x64x128xf32, #tpu.memory_space<vmem>> -> memref<64x128xf32, #tpu.memory_space<vmem>>
    %dma_start3A_715 = arith.constant 0 : i32
    %dma_start3A_716 = tpu.memref_slice %arg4[%add3A_708, %dma_start3A_715] : memref<204800x128xf32, #tpu.memory_space<hbm>> -> memref<64x128xf32, #tpu.memory_space<hbm>>
    %dma_start3A_717 = tpu.memref_slice %arg8[%dma_start3A_710] : memref<10x!tpu.dma_semaphore, #tpu.memory_space<semaphore_mem>> -> memref<1x!tpu.dma_semaphore, #tpu.memory_space<semaphore_mem>>
    %dma_start3A_718 = tpu.memref_squeeze %dma_start3A_717 : memref<1x!tpu.dma_semaphore, #tpu.memory_space<semaphore_mem>> -> memref<!tpu.dma_semaphore, #tpu.memory_space<semaphore_mem>>
    %dma_start3A_719 = arith.constant 0 : i32
    %dma_start3A_720 = tpu.memref_slice %arg4[%add3A_708, %dma_start3A_719] : memref<204800x128xf32, #tpu.memory_space<hbm>> -> memref<64x128xf32, #tpu.memory_space<hbm>>
    %dma_start3A_721 = arith.constant 0 : i32
    %dma_start3A_722 = arith.constant 0 : i32
    %dma_start3A_723 = tpu.memref_slice %arg6[%dma_start3A_709, %dma_start3A_721, %dma_start3A_722] : memref<10x64x128xf32, #tpu.memory_space<vmem>> -> memref<1x64x128xf32, #tpu.memory_space<vmem>>
    %dma_start3A_724 = tpu.memref_squeeze %dma_start3A_723 : memref<1x64x128xf32, #tpu.memory_space<vmem>> -> memref<64x128xf32, #tpu.memory_space<vmem>>
    tpu.enqueue_dma source(%dma_start3A_724 : memref<64x128xf32, #tpu.memory_space<vmem>>) target(%dma_start3A_720 : memref<64x128xf32, #tpu.memory_space<hbm>>) target_semaphore(%dma_start3A_718 : memref<!tpu.dma_semaphore, #tpu.memory_space<semaphore_mem>>)
    %add3A_725 = arith.constant 5760 : i32
    %add3A_726 = arith.addi %mul3A_2, %add3A_725 : i32
    %dma_wait3A_727 = arith.constant 8 : i32
    %dma_wait3A_728 = arith.constant 8 : i32
    %dma_wait3A_729 = arith.constant 0 : i32
    %dma_wait3A_730 = arith.constant 0 : i32
    %dma_wait3A_731 = tpu.memref_slice %arg6[%dma_wait3A_727, %dma_wait3A_729, %dma_wait3A_730] : memref<10x64x128xf32, #tpu.memory_space<vmem>> -> memref<1x64x128xf32, #tpu.memory_space<vmem>>
    %dma_wait3A_732 = tpu.memref_squeeze %dma_wait3A_731 : memref<1x64x128xf32, #tpu.memory_space<vmem>> -> memref<64x128xf32, #tpu.memory_space<vmem>>
    %dma_wait3A_733 = arith.constant 0 : i32
    %dma_wait3A_734 = tpu.memref_slice %arg4[%add3A_726, %dma_wait3A_733] : memref<204800x128xf32, #tpu.memory_space<hbm>> -> memref<64x128xf32, #tpu.memory_space<hbm>>
    %dma_wait3A_735 = tpu.memref_slice %arg8[%dma_wait3A_728] : memref<10x!tpu.dma_semaphore, #tpu.memory_space<semaphore_mem>> -> memref<1x!tpu.dma_semaphore, #tpu.memory_space<semaphore_mem>>
    %dma_wait3A_736 = tpu.memref_squeeze %dma_wait3A_735 : memref<1x!tpu.dma_semaphore, #tpu.memory_space<semaphore_mem>> -> memref<!tpu.dma_semaphore, #tpu.memory_space<semaphore_mem>>
    %dma_wait3A_737 = arith.constant 0 : i32
    %dma_wait3A_738 = tpu.memref_slice %arg4[%add3A_726, %dma_wait3A_737] : memref<204800x128xf32, #tpu.memory_space<hbm>> -> memref<64x128xf32, #tpu.memory_space<hbm>>
    %dma_wait3A_739 = arith.constant 0 : i32
    %dma_wait3A_740 = arith.constant 0 : i32
    %dma_wait3A_741 = tpu.memref_slice %arg6[%dma_wait3A_727, %dma_wait3A_739, %dma_wait3A_740] : memref<10x64x128xf32, #tpu.memory_space<vmem>> -> memref<1x64x128xf32, #tpu.memory_space<vmem>>
    %dma_wait3A_742 = tpu.memref_squeeze %dma_wait3A_741 : memref<1x64x128xf32, #tpu.memory_space<vmem>> -> memref<64x128xf32, #tpu.memory_space<vmem>>
    tpu.wait_dma2 semaphore(%dma_wait3A_736 : memref<!tpu.dma_semaphore, #tpu.memory_space<semaphore_mem>>) src(%dma_wait3A_742 : memref<64x128xf32, #tpu.memory_space<vmem>>) dst(%dma_wait3A_738 : memref<64x128xf32, #tpu.memory_space<hbm>>)
    %dma_start3A_743 = arith.constant 8 : i32
    %dma_start3A_744 = arith.constant 8 : i32
    %dma_start3A_745 = arith.constant 0 : i32
    %dma_start3A_746 = arith.constant 0 : i32
    %dma_start3A_747 = tpu.memref_slice %arg6[%dma_start3A_743, %dma_start3A_745, %dma_start3A_746] : memref<10x64x128xf32, #tpu.memory_space<vmem>> -> memref<1x64x128xf32, #tpu.memory_space<vmem>>
    %dma_start3A_748 = tpu.memref_squeeze %dma_start3A_747 : memref<1x64x128xf32, #tpu.memory_space<vmem>> -> memref<64x128xf32, #tpu.memory_space<vmem>>
    %dma_start3A_749 = arith.constant 6272 : i32
    %dma_start3A_750 = tpu.memref_slice %arg5[%dma_start3A_749] : memref<6400xi32, #tpu.memory_space<vmem>> -> memref<64xi32, #tpu.memory_space<vmem>>
    %dma_start3A_751 = arith.constant 0 : i32
    %dma_start3A_752 = arith.constant 0 : i32
    %dma_start3A_753 = tpu.memref_slice %arg3[%dma_start3A_751, %dma_start3A_752] : memref<100000x128xf32, #tpu.memory_space<hbm>> -> memref<100000x128xf32, #tpu.memory_space<hbm>>
    %dma_start3A_754 = tpu.memref_slice %arg7[%dma_start3A_744] : memref<10x!tpu.dma_semaphore, #tpu.memory_space<semaphore_mem>> -> memref<1x!tpu.dma_semaphore, #tpu.memory_space<semaphore_mem>>
    %dma_start3A_755 = tpu.memref_squeeze %dma_start3A_754 : memref<1x!tpu.dma_semaphore, #tpu.memory_space<semaphore_mem>> -> memref<!tpu.dma_semaphore, #tpu.memory_space<semaphore_mem>>
    tpu.enqueue_indirect_dma source(%dma_start3A_753 : memref<100000x128xf32, #tpu.memory_space<hbm>>) target(%dma_start3A_748 : memref<64x128xf32, #tpu.memory_space<vmem>>) offsets(%dma_start3A_750 : memref<64xi32, #tpu.memory_space<vmem>>) semaphore(%dma_start3A_755 : memref<!tpu.dma_semaphore, #tpu.memory_space<semaphore_mem>>)
    %dma_wait3A_756 = arith.constant 1 : i32
    %dma_wait3A_757 = arith.constant 1 : i32
    %dma_wait3A_758 = arith.constant 0 : i32
    %dma_wait3A_759 = arith.constant 0 : i32
    %dma_wait3A_760 = tpu.memref_slice %arg6[%dma_wait3A_756, %dma_wait3A_758, %dma_wait3A_759] : memref<10x64x128xf32, #tpu.memory_space<vmem>> -> memref<1x64x128xf32, #tpu.memory_space<vmem>>
    %dma_wait3A_761 = tpu.memref_squeeze %dma_wait3A_760 : memref<1x64x128xf32, #tpu.memory_space<vmem>> -> memref<64x128xf32, #tpu.memory_space<vmem>>
    %dma_wait3A_762 = arith.constant 5824 : i32
    %dma_wait3A_763 = tpu.memref_slice %arg5[%dma_wait3A_762] : memref<6400xi32, #tpu.memory_space<vmem>> -> memref<64xi32, #tpu.memory_space<vmem>>
    %dma_wait3A_764 = arith.constant 0 : i32
    %dma_wait3A_765 = arith.constant 0 : i32
    %dma_wait3A_766 = tpu.memref_slice %arg3[%dma_wait3A_764, %dma_wait3A_765] : memref<100000x128xf32, #tpu.memory_space<hbm>> -> memref<100000x128xf32, #tpu.memory_space<hbm>>
    %dma_wait3A_767 = tpu.memref_slice %arg7[%dma_wait3A_757] : memref<10x!tpu.dma_semaphore, #tpu.memory_space<semaphore_mem>> -> memref<1x!tpu.dma_semaphore, #tpu.memory_space<semaphore_mem>>
    %dma_wait3A_768 = tpu.memref_squeeze %dma_wait3A_767 : memref<1x!tpu.dma_semaphore, #tpu.memory_space<semaphore_mem>> -> memref<!tpu.dma_semaphore, #tpu.memory_space<semaphore_mem>>
    tpu.wait_indirect_dma semaphore(%dma_wait3A_768 : memref<!tpu.dma_semaphore, #tpu.memory_space<semaphore_mem>>) src(%dma_wait3A_766 : memref<100000x128xf32, #tpu.memory_space<hbm>>) dst(%dma_wait3A_761 : memref<64x128xf32, #tpu.memory_space<vmem>>)
    %add3A_769 = arith.constant 5824 : i32
    %add3A_770 = arith.addi %mul3A_2, %add3A_769 : i32
    %dma_start3A_771 = arith.constant 1 : i32
    %dma_start3A_772 = arith.constant 1 : i32
    %dma_start3A_773 = arith.constant 0 : i32
    %dma_start3A_774 = arith.constant 0 : i32
    %dma_start3A_775 = tpu.memref_slice %arg6[%dma_start3A_771, %dma_start3A_773, %dma_start3A_774] : memref<10x64x128xf32, #tpu.memory_space<vmem>> -> memref<1x64x128xf32, #tpu.memory_space<vmem>>
    %dma_start3A_776 = tpu.memref_squeeze %dma_start3A_775 : memref<1x64x128xf32, #tpu.memory_space<vmem>> -> memref<64x128xf32, #tpu.memory_space<vmem>>
    %dma_start3A_777 = arith.constant 0 : i32
    %dma_start3A_778 = tpu.memref_slice %arg4[%add3A_770, %dma_start3A_777] : memref<204800x128xf32, #tpu.memory_space<hbm>> -> memref<64x128xf32, #tpu.memory_space<hbm>>
    %dma_start3A_779 = tpu.memref_slice %arg8[%dma_start3A_772] : memref<10x!tpu.dma_semaphore, #tpu.memory_space<semaphore_mem>> -> memref<1x!tpu.dma_semaphore, #tpu.memory_space<semaphore_mem>>
    %dma_start3A_780 = tpu.memref_squeeze %dma_start3A_779 : memref<1x!tpu.dma_semaphore, #tpu.memory_space<semaphore_mem>> -> memref<!tpu.dma_semaphore, #tpu.memory_space<semaphore_mem>>
    %dma_start3A_781 = arith.constant 0 : i32
    %dma_start3A_782 = tpu.memref_slice %arg4[%add3A_770, %dma_start3A_781] : memref<204800x128xf32, #tpu.memory_space<hbm>> -> memref<64x128xf32, #tpu.memory_space<hbm>>
    %dma_start3A_783 = arith.constant 0 : i32
    %dma_start3A_784 = arith.constant 0 : i32
    %dma_start3A_785 = tpu.memref_slice %arg6[%dma_start3A_771, %dma_start3A_783, %dma_start3A_784] : memref<10x64x128xf32, #tpu.memory_space<vmem>> -> memref<1x64x128xf32, #tpu.memory_space<vmem>>
    %dma_start3A_786 = tpu.memref_squeeze %dma_start3A_785 : memref<1x64x128xf32, #tpu.memory_space<vmem>> -> memref<64x128xf32, #tpu.memory_space<vmem>>
    tpu.enqueue_dma source(%dma_start3A_786 : memref<64x128xf32, #tpu.memory_space<vmem>>) target(%dma_start3A_782 : memref<64x128xf32, #tpu.memory_space<hbm>>) target_semaphore(%dma_start3A_780 : memref<!tpu.dma_semaphore, #tpu.memory_space<semaphore_mem>>)
    %add3A_787 = arith.constant 5824 : i32
    %add3A_788 = arith.addi %mul3A_2, %add3A_787 : i32
    %dma_wait3A_789 = arith.constant 9 : i32
    %dma_wait3A_790 = arith.constant 9 : i32
    %dma_wait3A_791 = arith.constant 0 : i32
    %dma_wait3A_792 = arith.constant 0 : i32
    %dma_wait3A_793 = tpu.memref_slice %arg6[%dma_wait3A_789, %dma_wait3A_791, %dma_wait3A_792] : memref<10x64x128xf32, #tpu.memory_space<vmem>> -> memref<1x64x128xf32, #tpu.memory_space<vmem>>
    %dma_wait3A_794 = tpu.memref_squeeze %dma_wait3A_793 : memref<1x64x128xf32, #tpu.memory_space<vmem>> -> memref<64x128xf32, #tpu.memory_space<vmem>>
    %dma_wait3A_795 = arith.constant 0 : i32
    %dma_wait3A_796 = tpu.memref_slice %arg4[%add3A_788, %dma_wait3A_795] : memref<204800x128xf32, #tpu.memory_space<hbm>> -> memref<64x128xf32, #tpu.memory_space<hbm>>
    %dma_wait3A_797 = tpu.memref_slice %arg8[%dma_wait3A_790] : memref<10x!tpu.dma_semaphore, #tpu.memory_space<semaphore_mem>> -> memref<1x!tpu.dma_semaphore, #tpu.memory_space<semaphore_mem>>
    %dma_wait3A_798 = tpu.memref_squeeze %dma_wait3A_797 : memref<1x!tpu.dma_semaphore, #tpu.memory_space<semaphore_mem>> -> memref<!tpu.dma_semaphore, #tpu.memory_space<semaphore_mem>>
    %dma_wait3A_799 = arith.constant 0 : i32
    %dma_wait3A_800 = tpu.memref_slice %arg4[%add3A_788, %dma_wait3A_799] : memref<204800x128xf32, #tpu.memory_space<hbm>> -> memref<64x128xf32, #tpu.memory_space<hbm>>
    %dma_wait3A_801 = arith.constant 0 : i32
    %dma_wait3A_802 = arith.constant 0 : i32
    %dma_wait3A_803 = tpu.memref_slice %arg6[%dma_wait3A_789, %dma_wait3A_801, %dma_wait3A_802] : memref<10x64x128xf32, #tpu.memory_space<vmem>> -> memref<1x64x128xf32, #tpu.memory_space<vmem>>
    %dma_wait3A_804 = tpu.memref_squeeze %dma_wait3A_803 : memref<1x64x128xf32, #tpu.memory_space<vmem>> -> memref<64x128xf32, #tpu.memory_space<vmem>>
    tpu.wait_dma2 semaphore(%dma_wait3A_798 : memref<!tpu.dma_semaphore, #tpu.memory_space<semaphore_mem>>) src(%dma_wait3A_804 : memref<64x128xf32, #tpu.memory_space<vmem>>) dst(%dma_wait3A_800 : memref<64x128xf32, #tpu.memory_space<hbm>>)
    %dma_start3A_805 = arith.constant 9 : i32
    %dma_start3A_806 = arith.constant 9 : i32
    %dma_start3A_807 = arith.constant 0 : i32
    %dma_start3A_808 = arith.constant 0 : i32
    %dma_start3A_809 = tpu.memref_slice %arg6[%dma_start3A_805, %dma_start3A_807, %dma_start3A_808] : memref<10x64x128xf32, #tpu.memory_space<vmem>> -> memref<1x64x128xf32, #tpu.memory_space<vmem>>
    %dma_start3A_810 = tpu.memref_squeeze %dma_start3A_809 : memref<1x64x128xf32, #tpu.memory_space<vmem>> -> memref<64x128xf32, #tpu.memory_space<vmem>>
    %dma_start3A_811 = arith.constant 6336 : i32
    %dma_start3A_812 = tpu.memref_slice %arg5[%dma_start3A_811] : memref<6400xi32, #tpu.memory_space<vmem>> -> memref<64xi32, #tpu.memory_space<vmem>>
    %dma_start3A_813 = arith.constant 0 : i32
    %dma_start3A_814 = arith.constant 0 : i32
    %dma_start3A_815 = tpu.memref_slice %arg3[%dma_start3A_813, %dma_start3A_814] : memref<100000x128xf32, #tpu.memory_space<hbm>> -> memref<100000x128xf32, #tpu.memory_space<hbm>>
    %dma_start3A_816 = tpu.memref_slice %arg7[%dma_start3A_806] : memref<10x!tpu.dma_semaphore, #tpu.memory_space<semaphore_mem>> -> memref<1x!tpu.dma_semaphore, #tpu.memory_space<semaphore_mem>>
    %dma_start3A_817 = tpu.memref_squeeze %dma_start3A_816 : memref<1x!tpu.dma_semaphore, #tpu.memory_space<semaphore_mem>> -> memref<!tpu.dma_semaphore, #tpu.memory_space<semaphore_mem>>
    tpu.enqueue_indirect_dma source(%dma_start3A_815 : memref<100000x128xf32, #tpu.memory_space<hbm>>) target(%dma_start3A_810 : memref<64x128xf32, #tpu.memory_space<vmem>>) offsets(%dma_start3A_812 : memref<64xi32, #tpu.memory_space<vmem>>) semaphore(%dma_start3A_817 : memref<!tpu.dma_semaphore, #tpu.memory_space<semaphore_mem>>)
    %dma_wait3A_818 = arith.constant 2 : i32
    %dma_wait3A_819 = arith.constant 2 : i32
    %dma_wait3A_820 = arith.constant 0 : i32
    %dma_wait3A_821 = arith.constant 0 : i32
    %dma_wait3A_822 = tpu.memref_slice %arg6[%dma_wait3A_818, %dma_wait3A_820, %dma_wait3A_821] : memref<10x64x128xf32, #tpu.memory_space<vmem>> -> memref<1x64x128xf32, #tpu.memory_space<vmem>>
    %dma_wait3A_823 = tpu.memref_squeeze %dma_wait3A_822 : memref<1x64x128xf32, #tpu.memory_space<vmem>> -> memref<64x128xf32, #tpu.memory_space<vmem>>
    %dma_wait3A_824 = arith.constant 5888 : i32
    %dma_wait3A_825 = tpu.memref_slice %arg5[%dma_wait3A_824] : memref<6400xi32, #tpu.memory_space<vmem>> -> memref<64xi32, #tpu.memory_space<vmem>>
    %dma_wait3A_826 = arith.constant 0 : i32
    %dma_wait3A_827 = arith.constant 0 : i32
    %dma_wait3A_828 = tpu.memref_slice %arg3[%dma_wait3A_826, %dma_wait3A_827] : memref<100000x128xf32, #tpu.memory_space<hbm>> -> memref<100000x128xf32, #tpu.memory_space<hbm>>
    %dma_wait3A_829 = tpu.memref_slice %arg7[%dma_wait3A_819] : memref<10x!tpu.dma_semaphore, #tpu.memory_space<semaphore_mem>> -> memref<1x!tpu.dma_semaphore, #tpu.memory_space<semaphore_mem>>
    %dma_wait3A_830 = tpu.memref_squeeze %dma_wait3A_829 : memref<1x!tpu.dma_semaphore, #tpu.memory_space<semaphore_mem>> -> memref<!tpu.dma_semaphore, #tpu.memory_space<semaphore_mem>>
    tpu.wait_indirect_dma semaphore(%dma_wait3A_830 : memref<!tpu.dma_semaphore, #tpu.memory_space<semaphore_mem>>) src(%dma_wait3A_828 : memref<100000x128xf32, #tpu.memory_space<hbm>>) dst(%dma_wait3A_823 : memref<64x128xf32, #tpu.memory_space<vmem>>)
    %add3A_831 = arith.constant 5888 : i32
    %add3A_832 = arith.addi %mul3A_2, %add3A_831 : i32
    %dma_start3A_833 = arith.constant 2 : i32
    %dma_start3A_834 = arith.constant 2 : i32
    %dma_start3A_835 = arith.constant 0 : i32
    %dma_start3A_836 = arith.constant 0 : i32
    %dma_start3A_837 = tpu.memref_slice %arg6[%dma_start3A_833, %dma_start3A_835, %dma_start3A_836] : memref<10x64x128xf32, #tpu.memory_space<vmem>> -> memref<1x64x128xf32, #tpu.memory_space<vmem>>
    %dma_start3A_838 = tpu.memref_squeeze %dma_start3A_837 : memref<1x64x128xf32, #tpu.memory_space<vmem>> -> memref<64x128xf32, #tpu.memory_space<vmem>>
    %dma_start3A_839 = arith.constant 0 : i32
    %dma_start3A_840 = tpu.memref_slice %arg4[%add3A_832, %dma_start3A_839] : memref<204800x128xf32, #tpu.memory_space<hbm>> -> memref<64x128xf32, #tpu.memory_space<hbm>>
    %dma_start3A_841 = tpu.memref_slice %arg8[%dma_start3A_834] : memref<10x!tpu.dma_semaphore, #tpu.memory_space<semaphore_mem>> -> memref<1x!tpu.dma_semaphore, #tpu.memory_space<semaphore_mem>>
    %dma_start3A_842 = tpu.memref_squeeze %dma_start3A_841 : memref<1x!tpu.dma_semaphore, #tpu.memory_space<semaphore_mem>> -> memref<!tpu.dma_semaphore, #tpu.memory_space<semaphore_mem>>
    %dma_start3A_843 = arith.constant 0 : i32
    %dma_start3A_844 = tpu.memref_slice %arg4[%add3A_832, %dma_start3A_843] : memref<204800x128xf32, #tpu.memory_space<hbm>> -> memref<64x128xf32, #tpu.memory_space<hbm>>
    %dma_start3A_845 = arith.constant 0 : i32
    %dma_start3A_846 = arith.constant 0 : i32
    %dma_start3A_847 = tpu.memref_slice %arg6[%dma_start3A_833, %dma_start3A_845, %dma_start3A_846] : memref<10x64x128xf32, #tpu.memory_space<vmem>> -> memref<1x64x128xf32, #tpu.memory_space<vmem>>
    %dma_start3A_848 = tpu.memref_squeeze %dma_start3A_847 : memref<1x64x128xf32, #tpu.memory_space<vmem>> -> memref<64x128xf32, #tpu.memory_space<vmem>>
    tpu.enqueue_dma source(%dma_start3A_848 : memref<64x128xf32, #tpu.memory_space<vmem>>) target(%dma_start3A_844 : memref<64x128xf32, #tpu.memory_space<hbm>>) target_semaphore(%dma_start3A_842 : memref<!tpu.dma_semaphore, #tpu.memory_space<semaphore_mem>>)
    %dma_wait3A_849 = arith.constant 3 : i32
    %dma_wait3A_850 = arith.constant 3 : i32
    %dma_wait3A_851 = arith.constant 0 : i32
    %dma_wait3A_852 = arith.constant 0 : i32
    %dma_wait3A_853 = tpu.memref_slice %arg6[%dma_wait3A_849, %dma_wait3A_851, %dma_wait3A_852] : memref<10x64x128xf32, #tpu.memory_space<vmem>> -> memref<1x64x128xf32, #tpu.memory_space<vmem>>
    %dma_wait3A_854 = tpu.memref_squeeze %dma_wait3A_853 : memref<1x64x128xf32, #tpu.memory_space<vmem>> -> memref<64x128xf32, #tpu.memory_space<vmem>>
    %dma_wait3A_855 = arith.constant 5952 : i32
    %dma_wait3A_856 = tpu.memref_slice %arg5[%dma_wait3A_855] : memref<6400xi32, #tpu.memory_space<vmem>> -> memref<64xi32, #tpu.memory_space<vmem>>
    %dma_wait3A_857 = arith.constant 0 : i32
    %dma_wait3A_858 = arith.constant 0 : i32
    %dma_wait3A_859 = tpu.memref_slice %arg3[%dma_wait3A_857, %dma_wait3A_858] : memref<100000x128xf32, #tpu.memory_space<hbm>> -> memref<100000x128xf32, #tpu.memory_space<hbm>>
    %dma_wait3A_860 = tpu.memref_slice %arg7[%dma_wait3A_850] : memref<10x!tpu.dma_semaphore, #tpu.memory_space<semaphore_mem>> -> memref<1x!tpu.dma_semaphore, #tpu.memory_space<semaphore_mem>>
    %dma_wait3A_861 = tpu.memref_squeeze %dma_wait3A_860 : memref<1x!tpu.dma_semaphore, #tpu.memory_space<semaphore_mem>> -> memref<!tpu.dma_semaphore, #tpu.memory_space<semaphore_mem>>
    tpu.wait_indirect_dma semaphore(%dma_wait3A_861 : memref<!tpu.dma_semaphore, #tpu.memory_space<semaphore_mem>>) src(%dma_wait3A_859 : memref<100000x128xf32, #tpu.memory_space<hbm>>) dst(%dma_wait3A_854 : memref<64x128xf32, #tpu.memory_space<vmem>>)
    %add3A_862 = arith.constant 5952 : i32
    %add3A_863 = arith.addi %mul3A_2, %add3A_862 : i32
    %dma_start3A_864 = arith.constant 3 : i32
    %dma_start3A_865 = arith.constant 3 : i32
    %dma_start3A_866 = arith.constant 0 : i32
    %dma_start3A_867 = arith.constant 0 : i32
    %dma_start3A_868 = tpu.memref_slice %arg6[%dma_start3A_864, %dma_start3A_866, %dma_start3A_867] : memref<10x64x128xf32, #tpu.memory_space<vmem>> -> memref<1x64x128xf32, #tpu.memory_space<vmem>>
    %dma_start3A_869 = tpu.memref_squeeze %dma_start3A_868 : memref<1x64x128xf32, #tpu.memory_space<vmem>> -> memref<64x128xf32, #tpu.memory_space<vmem>>
    %dma_start3A_870 = arith.constant 0 : i32
    %dma_start3A_871 = tpu.memref_slice %arg4[%add3A_863, %dma_start3A_870] : memref<204800x128xf32, #tpu.memory_space<hbm>> -> memref<64x128xf32, #tpu.memory_space<hbm>>
    %dma_start3A_872 = tpu.memref_slice %arg8[%dma_start3A_865] : memref<10x!tpu.dma_semaphore, #tpu.memory_space<semaphore_mem>> -> memref<1x!tpu.dma_semaphore, #tpu.memory_space<semaphore_mem>>
    %dma_start3A_873 = tpu.memref_squeeze %dma_start3A_872 : memref<1x!tpu.dma_semaphore, #tpu.memory_space<semaphore_mem>> -> memref<!tpu.dma_semaphore, #tpu.memory_space<semaphore_mem>>
    %dma_start3A_874 = arith.constant 0 : i32
    %dma_start3A_875 = tpu.memref_slice %arg4[%add3A_863, %dma_start3A_874] : memref<204800x128xf32, #tpu.memory_space<hbm>> -> memref<64x128xf32, #tpu.memory_space<hbm>>
    %dma_start3A_876 = arith.constant 0 : i32
    %dma_start3A_877 = arith.constant 0 : i32
    %dma_start3A_878 = tpu.memref_slice %arg6[%dma_start3A_864, %dma_start3A_876, %dma_start3A_877] : memref<10x64x128xf32, #tpu.memory_space<vmem>> -> memref<1x64x128xf32, #tpu.memory_space<vmem>>
    %dma_start3A_879 = tpu.memref_squeeze %dma_start3A_878 : memref<1x64x128xf32, #tpu.memory_space<vmem>> -> memref<64x128xf32, #tpu.memory_space<vmem>>
    tpu.enqueue_dma source(%dma_start3A_879 : memref<64x128xf32, #tpu.memory_space<vmem>>) target(%dma_start3A_875 : memref<64x128xf32, #tpu.memory_space<hbm>>) target_semaphore(%dma_start3A_873 : memref<!tpu.dma_semaphore, #tpu.memory_space<semaphore_mem>>)
    %dma_wait3A_880 = arith.constant 4 : i32
    %dma_wait3A_881 = arith.constant 4 : i32
    %dma_wait3A_882 = arith.constant 0 : i32
    %dma_wait3A_883 = arith.constant 0 : i32
    %dma_wait3A_884 = tpu.memref_slice %arg6[%dma_wait3A_880, %dma_wait3A_882, %dma_wait3A_883] : memref<10x64x128xf32, #tpu.memory_space<vmem>> -> memref<1x64x128xf32, #tpu.memory_space<vmem>>
    %dma_wait3A_885 = tpu.memref_squeeze %dma_wait3A_884 : memref<1x64x128xf32, #tpu.memory_space<vmem>> -> memref<64x128xf32, #tpu.memory_space<vmem>>
    %dma_wait3A_886 = arith.constant 6016 : i32
    %dma_wait3A_887 = tpu.memref_slice %arg5[%dma_wait3A_886] : memref<6400xi32, #tpu.memory_space<vmem>> -> memref<64xi32, #tpu.memory_space<vmem>>
    %dma_wait3A_888 = arith.constant 0 : i32
    %dma_wait3A_889 = arith.constant 0 : i32
    %dma_wait3A_890 = tpu.memref_slice %arg3[%dma_wait3A_888, %dma_wait3A_889] : memref<100000x128xf32, #tpu.memory_space<hbm>> -> memref<100000x128xf32, #tpu.memory_space<hbm>>
    %dma_wait3A_891 = tpu.memref_slice %arg7[%dma_wait3A_881] : memref<10x!tpu.dma_semaphore, #tpu.memory_space<semaphore_mem>> -> memref<1x!tpu.dma_semaphore, #tpu.memory_space<semaphore_mem>>
    %dma_wait3A_892 = tpu.memref_squeeze %dma_wait3A_891 : memref<1x!tpu.dma_semaphore, #tpu.memory_space<semaphore_mem>> -> memref<!tpu.dma_semaphore, #tpu.memory_space<semaphore_mem>>
    tpu.wait_indirect_dma semaphore(%dma_wait3A_892 : memref<!tpu.dma_semaphore, #tpu.memory_space<semaphore_mem>>) src(%dma_wait3A_890 : memref<100000x128xf32, #tpu.memory_space<hbm>>) dst(%dma_wait3A_885 : memref<64x128xf32, #tpu.memory_space<vmem>>)
    %add3A_893 = arith.constant 6016 : i32
    %add3A_894 = arith.addi %mul3A_2, %add3A_893 : i32
    %dma_start3A_895 = arith.constant 4 : i32
    %dma_start3A_896 = arith.constant 4 : i32
    %dma_start3A_897 = arith.constant 0 : i32
    %dma_start3A_898 = arith.constant 0 : i32
    %dma_start3A_899 = tpu.memref_slice %arg6[%dma_start3A_895, %dma_start3A_897, %dma_start3A_898] : memref<10x64x128xf32, #tpu.memory_space<vmem>> -> memref<1x64x128xf32, #tpu.memory_space<vmem>>
    %dma_start3A_900 = tpu.memref_squeeze %dma_start3A_899 : memref<1x64x128xf32, #tpu.memory_space<vmem>> -> memref<64x128xf32, #tpu.memory_space<vmem>>
    %dma_start3A_901 = arith.constant 0 : i32
    %dma_start3A_902 = tpu.memref_slice %arg4[%add3A_894, %dma_start3A_901] : memref<204800x128xf32, #tpu.memory_space<hbm>> -> memref<64x128xf32, #tpu.memory_space<hbm>>
    %dma_start3A_903 = tpu.memref_slice %arg8[%dma_start3A_896] : memref<10x!tpu.dma_semaphore, #tpu.memory_space<semaphore_mem>> -> memref<1x!tpu.dma_semaphore, #tpu.memory_space<semaphore_mem>>
    %dma_start3A_904 = tpu.memref_squeeze %dma_start3A_903 : memref<1x!tpu.dma_semaphore, #tpu.memory_space<semaphore_mem>> -> memref<!tpu.dma_semaphore, #tpu.memory_space<semaphore_mem>>
    %dma_start3A_905 = arith.constant 0 : i32
    %dma_start3A_906 = tpu.memref_slice %arg4[%add3A_894, %dma_start3A_905] : memref<204800x128xf32, #tpu.memory_space<hbm>> -> memref<64x128xf32, #tpu.memory_space<hbm>>
    %dma_start3A_907 = arith.constant 0 : i32
    %dma_start3A_908 = arith.constant 0 : i32
    %dma_start3A_909 = tpu.memref_slice %arg6[%dma_start3A_895, %dma_start3A_907, %dma_start3A_908] : memref<10x64x128xf32, #tpu.memory_space<vmem>> -> memref<1x64x128xf32, #tpu.memory_space<vmem>>
    %dma_start3A_910 = tpu.memref_squeeze %dma_start3A_909 : memref<1x64x128xf32, #tpu.memory_space<vmem>> -> memref<64x128xf32, #tpu.memory_space<vmem>>
    tpu.enqueue_dma source(%dma_start3A_910 : memref<64x128xf32, #tpu.memory_space<vmem>>) target(%dma_start3A_906 : memref<64x128xf32, #tpu.memory_space<hbm>>) target_semaphore(%dma_start3A_904 : memref<!tpu.dma_semaphore, #tpu.memory_space<semaphore_mem>>)
    %dma_wait3A_911 = arith.constant 5 : i32
    %dma_wait3A_912 = arith.constant 5 : i32
    %dma_wait3A_913 = arith.constant 0 : i32
    %dma_wait3A_914 = arith.constant 0 : i32
    %dma_wait3A_915 = tpu.memref_slice %arg6[%dma_wait3A_911, %dma_wait3A_913, %dma_wait3A_914] : memref<10x64x128xf32, #tpu.memory_space<vmem>> -> memref<1x64x128xf32, #tpu.memory_space<vmem>>
    %dma_wait3A_916 = tpu.memref_squeeze %dma_wait3A_915 : memref<1x64x128xf32, #tpu.memory_space<vmem>> -> memref<64x128xf32, #tpu.memory_space<vmem>>
    %dma_wait3A_917 = arith.constant 6080 : i32
    %dma_wait3A_918 = tpu.memref_slice %arg5[%dma_wait3A_917] : memref<6400xi32, #tpu.memory_space<vmem>> -> memref<64xi32, #tpu.memory_space<vmem>>
    %dma_wait3A_919 = arith.constant 0 : i32
    %dma_wait3A_920 = arith.constant 0 : i32
    %dma_wait3A_921 = tpu.memref_slice %arg3[%dma_wait3A_919, %dma_wait3A_920] : memref<100000x128xf32, #tpu.memory_space<hbm>> -> memref<100000x128xf32, #tpu.memory_space<hbm>>
    %dma_wait3A_922 = tpu.memref_slice %arg7[%dma_wait3A_912] : memref<10x!tpu.dma_semaphore, #tpu.memory_space<semaphore_mem>> -> memref<1x!tpu.dma_semaphore, #tpu.memory_space<semaphore_mem>>
    %dma_wait3A_923 = tpu.memref_squeeze %dma_wait3A_922 : memref<1x!tpu.dma_semaphore, #tpu.memory_space<semaphore_mem>> -> memref<!tpu.dma_semaphore, #tpu.memory_space<semaphore_mem>>
    tpu.wait_indirect_dma semaphore(%dma_wait3A_923 : memref<!tpu.dma_semaphore, #tpu.memory_space<semaphore_mem>>) src(%dma_wait3A_921 : memref<100000x128xf32, #tpu.memory_space<hbm>>) dst(%dma_wait3A_916 : memref<64x128xf32, #tpu.memory_space<vmem>>)
    %add3A_924 = arith.constant 6080 : i32
    %add3A_925 = arith.addi %mul3A_2, %add3A_924 : i32
    %dma_start3A_926 = arith.constant 5 : i32
    %dma_start3A_927 = arith.constant 5 : i32
    %dma_start3A_928 = arith.constant 0 : i32
    %dma_start3A_929 = arith.constant 0 : i32
    %dma_start3A_930 = tpu.memref_slice %arg6[%dma_start3A_926, %dma_start3A_928, %dma_start3A_929] : memref<10x64x128xf32, #tpu.memory_space<vmem>> -> memref<1x64x128xf32, #tpu.memory_space<vmem>>
    %dma_start3A_931 = tpu.memref_squeeze %dma_start3A_930 : memref<1x64x128xf32, #tpu.memory_space<vmem>> -> memref<64x128xf32, #tpu.memory_space<vmem>>
    %dma_start3A_932 = arith.constant 0 : i32
    %dma_start3A_933 = tpu.memref_slice %arg4[%add3A_925, %dma_start3A_932] : memref<204800x128xf32, #tpu.memory_space<hbm>> -> memref<64x128xf32, #tpu.memory_space<hbm>>
    %dma_start3A_934 = tpu.memref_slice %arg8[%dma_start3A_927] : memref<10x!tpu.dma_semaphore, #tpu.memory_space<semaphore_mem>> -> memref<1x!tpu.dma_semaphore, #tpu.memory_space<semaphore_mem>>
    %dma_start3A_935 = tpu.memref_squeeze %dma_start3A_934 : memref<1x!tpu.dma_semaphore, #tpu.memory_space<semaphore_mem>> -> memref<!tpu.dma_semaphore, #tpu.memory_space<semaphore_mem>>
    %dma_start3A_936 = arith.constant 0 : i32
    %dma_start3A_937 = tpu.memref_slice %arg4[%add3A_925, %dma_start3A_936] : memref<204800x128xf32, #tpu.memory_space<hbm>> -> memref<64x128xf32, #tpu.memory_space<hbm>>
    %dma_start3A_938 = arith.constant 0 : i32
    %dma_start3A_939 = arith.constant 0 : i32
    %dma_start3A_940 = tpu.memref_slice %arg6[%dma_start3A_926, %dma_start3A_938, %dma_start3A_939] : memref<10x64x128xf32, #tpu.memory_space<vmem>> -> memref<1x64x128xf32, #tpu.memory_space<vmem>>
    %dma_start3A_941 = tpu.memref_squeeze %dma_start3A_940 : memref<1x64x128xf32, #tpu.memory_space<vmem>> -> memref<64x128xf32, #tpu.memory_space<vmem>>
    tpu.enqueue_dma source(%dma_start3A_941 : memref<64x128xf32, #tpu.memory_space<vmem>>) target(%dma_start3A_937 : memref<64x128xf32, #tpu.memory_space<hbm>>) target_semaphore(%dma_start3A_935 : memref<!tpu.dma_semaphore, #tpu.memory_space<semaphore_mem>>)
    %dma_wait3A_942 = arith.constant 6 : i32
    %dma_wait3A_943 = arith.constant 6 : i32
    %dma_wait3A_944 = arith.constant 0 : i32
    %dma_wait3A_945 = arith.constant 0 : i32
    %dma_wait3A_946 = tpu.memref_slice %arg6[%dma_wait3A_942, %dma_wait3A_944, %dma_wait3A_945] : memref<10x64x128xf32, #tpu.memory_space<vmem>> -> memref<1x64x128xf32, #tpu.memory_space<vmem>>
    %dma_wait3A_947 = tpu.memref_squeeze %dma_wait3A_946 : memref<1x64x128xf32, #tpu.memory_space<vmem>> -> memref<64x128xf32, #tpu.memory_space<vmem>>
    %dma_wait3A_948 = arith.constant 6144 : i32
    %dma_wait3A_949 = tpu.memref_slice %arg5[%dma_wait3A_948] : memref<6400xi32, #tpu.memory_space<vmem>> -> memref<64xi32, #tpu.memory_space<vmem>>
    %dma_wait3A_950 = arith.constant 0 : i32
    %dma_wait3A_951 = arith.constant 0 : i32
    %dma_wait3A_952 = tpu.memref_slice %arg3[%dma_wait3A_950, %dma_wait3A_951] : memref<100000x128xf32, #tpu.memory_space<hbm>> -> memref<100000x128xf32, #tpu.memory_space<hbm>>
    %dma_wait3A_953 = tpu.memref_slice %arg7[%dma_wait3A_943] : memref<10x!tpu.dma_semaphore, #tpu.memory_space<semaphore_mem>> -> memref<1x!tpu.dma_semaphore, #tpu.memory_space<semaphore_mem>>
    %dma_wait3A_954 = tpu.memref_squeeze %dma_wait3A_953 : memref<1x!tpu.dma_semaphore, #tpu.memory_space<semaphore_mem>> -> memref<!tpu.dma_semaphore, #tpu.memory_space<semaphore_mem>>
    tpu.wait_indirect_dma semaphore(%dma_wait3A_954 : memref<!tpu.dma_semaphore, #tpu.memory_space<semaphore_mem>>) src(%dma_wait3A_952 : memref<100000x128xf32, #tpu.memory_space<hbm>>) dst(%dma_wait3A_947 : memref<64x128xf32, #tpu.memory_space<vmem>>)
    %add3A_955 = arith.constant 6144 : i32
    %add3A_956 = arith.addi %mul3A_2, %add3A_955 : i32
    %dma_start3A_957 = arith.constant 6 : i32
    %dma_start3A_958 = arith.constant 6 : i32
    %dma_start3A_959 = arith.constant 0 : i32
    %dma_start3A_960 = arith.constant 0 : i32
    %dma_start3A_961 = tpu.memref_slice %arg6[%dma_start3A_957, %dma_start3A_959, %dma_start3A_960] : memref<10x64x128xf32, #tpu.memory_space<vmem>> -> memref<1x64x128xf32, #tpu.memory_space<vmem>>
    %dma_start3A_962 = tpu.memref_squeeze %dma_start3A_961 : memref<1x64x128xf32, #tpu.memory_space<vmem>> -> memref<64x128xf32, #tpu.memory_space<vmem>>
    %dma_start3A_963 = arith.constant 0 : i32
    %dma_start3A_964 = tpu.memref_slice %arg4[%add3A_956, %dma_start3A_963] : memref<204800x128xf32, #tpu.memory_space<hbm>> -> memref<64x128xf32, #tpu.memory_space<hbm>>
    %dma_start3A_965 = tpu.memref_slice %arg8[%dma_start3A_958] : memref<10x!tpu.dma_semaphore, #tpu.memory_space<semaphore_mem>> -> memref<1x!tpu.dma_semaphore, #tpu.memory_space<semaphore_mem>>
    %dma_start3A_966 = tpu.memref_squeeze %dma_start3A_965 : memref<1x!tpu.dma_semaphore, #tpu.memory_space<semaphore_mem>> -> memref<!tpu.dma_semaphore, #tpu.memory_space<semaphore_mem>>
    %dma_start3A_967 = arith.constant 0 : i32
    %dma_start3A_968 = tpu.memref_slice %arg4[%add3A_956, %dma_start3A_967] : memref<204800x128xf32, #tpu.memory_space<hbm>> -> memref<64x128xf32, #tpu.memory_space<hbm>>
    %dma_start3A_969 = arith.constant 0 : i32
    %dma_start3A_970 = arith.constant 0 : i32
    %dma_start3A_971 = tpu.memref_slice %arg6[%dma_start3A_957, %dma_start3A_969, %dma_start3A_970] : memref<10x64x128xf32, #tpu.memory_space<vmem>> -> memref<1x64x128xf32, #tpu.memory_space<vmem>>
    %dma_start3A_972 = tpu.memref_squeeze %dma_start3A_971 : memref<1x64x128xf32, #tpu.memory_space<vmem>> -> memref<64x128xf32, #tpu.memory_space<vmem>>
    tpu.enqueue_dma source(%dma_start3A_972 : memref<64x128xf32, #tpu.memory_space<vmem>>) target(%dma_start3A_968 : memref<64x128xf32, #tpu.memory_space<hbm>>) target_semaphore(%dma_start3A_966 : memref<!tpu.dma_semaphore, #tpu.memory_space<semaphore_mem>>)
    %dma_wait3A_973 = arith.constant 7 : i32
    %dma_wait3A_974 = arith.constant 7 : i32
    %dma_wait3A_975 = arith.constant 0 : i32
    %dma_wait3A_976 = arith.constant 0 : i32
    %dma_wait3A_977 = tpu.memref_slice %arg6[%dma_wait3A_973, %dma_wait3A_975, %dma_wait3A_976] : memref<10x64x128xf32, #tpu.memory_space<vmem>> -> memref<1x64x128xf32, #tpu.memory_space<vmem>>
    %dma_wait3A_978 = tpu.memref_squeeze %dma_wait3A_977 : memref<1x64x128xf32, #tpu.memory_space<vmem>> -> memref<64x128xf32, #tpu.memory_space<vmem>>
    %dma_wait3A_979 = arith.constant 6208 : i32
    %dma_wait3A_980 = tpu.memref_slice %arg5[%dma_wait3A_979] : memref<6400xi32, #tpu.memory_space<vmem>> -> memref<64xi32, #tpu.memory_space<vmem>>
    %dma_wait3A_981 = arith.constant 0 : i32
    %dma_wait3A_982 = arith.constant 0 : i32
    %dma_wait3A_983 = tpu.memref_slice %arg3[%dma_wait3A_981, %dma_wait3A_982] : memref<100000x128xf32, #tpu.memory_space<hbm>> -> memref<100000x128xf32, #tpu.memory_space<hbm>>
    %dma_wait3A_984 = tpu.memref_slice %arg7[%dma_wait3A_974] : memref<10x!tpu.dma_semaphore, #tpu.memory_space<semaphore_mem>> -> memref<1x!tpu.dma_semaphore, #tpu.memory_space<semaphore_mem>>
    %dma_wait3A_985 = tpu.memref_squeeze %dma_wait3A_984 : memref<1x!tpu.dma_semaphore, #tpu.memory_space<semaphore_mem>> -> memref<!tpu.dma_semaphore, #tpu.memory_space<semaphore_mem>>
    tpu.wait_indirect_dma semaphore(%dma_wait3A_985 : memref<!tpu.dma_semaphore, #tpu.memory_space<semaphore_mem>>) src(%dma_wait3A_983 : memref<100000x128xf32, #tpu.memory_space<hbm>>) dst(%dma_wait3A_978 : memref<64x128xf32, #tpu.memory_space<vmem>>)
    %add3A_986 = arith.constant 6208 : i32
    %add3A_987 = arith.addi %mul3A_2, %add3A_986 : i32
    %dma_start3A_988 = arith.constant 7 : i32
    %dma_start3A_989 = arith.constant 7 : i32
    %dma_start3A_990 = arith.constant 0 : i32
    %dma_start3A_991 = arith.constant 0 : i32
    %dma_start3A_992 = tpu.memref_slice %arg6[%dma_start3A_988, %dma_start3A_990, %dma_start3A_991] : memref<10x64x128xf32, #tpu.memory_space<vmem>> -> memref<1x64x128xf32, #tpu.memory_space<vmem>>
    %dma_start3A_993 = tpu.memref_squeeze %dma_start3A_992 : memref<1x64x128xf32, #tpu.memory_space<vmem>> -> memref<64x128xf32, #tpu.memory_space<vmem>>
    %dma_start3A_994 = arith.constant 0 : i32
    %dma_start3A_995 = tpu.memref_slice %arg4[%add3A_987, %dma_start3A_994] : memref<204800x128xf32, #tpu.memory_space<hbm>> -> memref<64x128xf32, #tpu.memory_space<hbm>>
    %dma_start3A_996 = tpu.memref_slice %arg8[%dma_start3A_989] : memref<10x!tpu.dma_semaphore, #tpu.memory_space<semaphore_mem>> -> memref<1x!tpu.dma_semaphore, #tpu.memory_space<semaphore_mem>>
    %dma_start3A_997 = tpu.memref_squeeze %dma_start3A_996 : memref<1x!tpu.dma_semaphore, #tpu.memory_space<semaphore_mem>> -> memref<!tpu.dma_semaphore, #tpu.memory_space<semaphore_mem>>
    %dma_start3A_998 = arith.constant 0 : i32
    %dma_start3A_999 = tpu.memref_slice %arg4[%add3A_987, %dma_start3A_998] : memref<204800x128xf32, #tpu.memory_space<hbm>> -> memref<64x128xf32, #tpu.memory_space<hbm>>
    %dma_start3A_1000 = arith.constant 0 : i32
    %dma_start3A_1001 = arith.constant 0 : i32
    %dma_start3A_1002 = tpu.memref_slice %arg6[%dma_start3A_988, %dma_start3A_1000, %dma_start3A_1001] : memref<10x64x128xf32, #tpu.memory_space<vmem>> -> memref<1x64x128xf32, #tpu.memory_space<vmem>>
    %dma_start3A_1003 = tpu.memref_squeeze %dma_start3A_1002 : memref<1x64x128xf32, #tpu.memory_space<vmem>> -> memref<64x128xf32, #tpu.memory_space<vmem>>
    tpu.enqueue_dma source(%dma_start3A_1003 : memref<64x128xf32, #tpu.memory_space<vmem>>) target(%dma_start3A_999 : memref<64x128xf32, #tpu.memory_space<hbm>>) target_semaphore(%dma_start3A_997 : memref<!tpu.dma_semaphore, #tpu.memory_space<semaphore_mem>>)
    %dma_wait3A_1004 = arith.constant 8 : i32
    %dma_wait3A_1005 = arith.constant 8 : i32
    %dma_wait3A_1006 = arith.constant 0 : i32
    %dma_wait3A_1007 = arith.constant 0 : i32
    %dma_wait3A_1008 = tpu.memref_slice %arg6[%dma_wait3A_1004, %dma_wait3A_1006, %dma_wait3A_1007] : memref<10x64x128xf32, #tpu.memory_space<vmem>> -> memref<1x64x128xf32, #tpu.memory_space<vmem>>
    %dma_wait3A_1009 = tpu.memref_squeeze %dma_wait3A_1008 : memref<1x64x128xf32, #tpu.memory_space<vmem>> -> memref<64x128xf32, #tpu.memory_space<vmem>>
    %dma_wait3A_1010 = arith.constant 6272 : i32
    %dma_wait3A_1011 = tpu.memref_slice %arg5[%dma_wait3A_1010] : memref<6400xi32, #tpu.memory_space<vmem>> -> memref<64xi32, #tpu.memory_space<vmem>>
    %dma_wait3A_1012 = arith.constant 0 : i32
    %dma_wait3A_1013 = arith.constant 0 : i32
    %dma_wait3A_1014 = tpu.memref_slice %arg3[%dma_wait3A_1012, %dma_wait3A_1013] : memref<100000x128xf32, #tpu.memory_space<hbm>> -> memref<100000x128xf32, #tpu.memory_space<hbm>>
    %dma_wait3A_1015 = tpu.memref_slice %arg7[%dma_wait3A_1005] : memref<10x!tpu.dma_semaphore, #tpu.memory_space<semaphore_mem>> -> memref<1x!tpu.dma_semaphore, #tpu.memory_space<semaphore_mem>>
    %dma_wait3A_1016 = tpu.memref_squeeze %dma_wait3A_1015 : memref<1x!tpu.dma_semaphore, #tpu.memory_space<semaphore_mem>> -> memref<!tpu.dma_semaphore, #tpu.memory_space<semaphore_mem>>
    tpu.wait_indirect_dma semaphore(%dma_wait3A_1016 : memref<!tpu.dma_semaphore, #tpu.memory_space<semaphore_mem>>) src(%dma_wait3A_1014 : memref<100000x128xf32, #tpu.memory_space<hbm>>) dst(%dma_wait3A_1009 : memref<64x128xf32, #tpu.memory_space<vmem>>)
    %add3A_1017 = arith.constant 6272 : i32
    %add3A_1018 = arith.addi %mul3A_2, %add3A_1017 : i32
    %dma_start3A_1019 = arith.constant 8 : i32
    %dma_start3A_1020 = arith.constant 8 : i32
    %dma_start3A_1021 = arith.constant 0 : i32
    %dma_start3A_1022 = arith.constant 0 : i32
    %dma_start3A_1023 = tpu.memref_slice %arg6[%dma_start3A_1019, %dma_start3A_1021, %dma_start3A_1022] : memref<10x64x128xf32, #tpu.memory_space<vmem>> -> memref<1x64x128xf32, #tpu.memory_space<vmem>>
    %dma_start3A_1024 = tpu.memref_squeeze %dma_start3A_1023 : memref<1x64x128xf32, #tpu.memory_space<vmem>> -> memref<64x128xf32, #tpu.memory_space<vmem>>
    %dma_start3A_1025 = arith.constant 0 : i32
    %dma_start3A_1026 = tpu.memref_slice %arg4[%add3A_1018, %dma_start3A_1025] : memref<204800x128xf32, #tpu.memory_space<hbm>> -> memref<64x128xf32, #tpu.memory_space<hbm>>
    %dma_start3A_1027 = tpu.memref_slice %arg8[%dma_start3A_1020] : memref<10x!tpu.dma_semaphore, #tpu.memory_space<semaphore_mem>> -> memref<1x!tpu.dma_semaphore, #tpu.memory_space<semaphore_mem>>
    %dma_start3A_1028 = tpu.memref_squeeze %dma_start3A_1027 : memref<1x!tpu.dma_semaphore, #tpu.memory_space<semaphore_mem>> -> memref<!tpu.dma_semaphore, #tpu.memory_space<semaphore_mem>>
    %dma_start3A_1029 = arith.constant 0 : i32
    %dma_start3A_1030 = tpu.memref_slice %arg4[%add3A_1018, %dma_start3A_1029] : memref<204800x128xf32, #tpu.memory_space<hbm>> -> memref<64x128xf32, #tpu.memory_space<hbm>>
    %dma_start3A_1031 = arith.constant 0 : i32
    %dma_start3A_1032 = arith.constant 0 : i32
    %dma_start3A_1033 = tpu.memref_slice %arg6[%dma_start3A_1019, %dma_start3A_1031, %dma_start3A_1032] : memref<10x64x128xf32, #tpu.memory_space<vmem>> -> memref<1x64x128xf32, #tpu.memory_space<vmem>>
    %dma_start3A_1034 = tpu.memref_squeeze %dma_start3A_1033 : memref<1x64x128xf32, #tpu.memory_space<vmem>> -> memref<64x128xf32, #tpu.memory_space<vmem>>
    tpu.enqueue_dma source(%dma_start3A_1034 : memref<64x128xf32, #tpu.memory_space<vmem>>) target(%dma_start3A_1030 : memref<64x128xf32, #tpu.memory_space<hbm>>) target_semaphore(%dma_start3A_1028 : memref<!tpu.dma_semaphore, #tpu.memory_space<semaphore_mem>>)
    %dma_wait3A_1035 = arith.constant 9 : i32
    %dma_wait3A_1036 = arith.constant 9 : i32
    %dma_wait3A_1037 = arith.constant 0 : i32
    %dma_wait3A_1038 = arith.constant 0 : i32
    %dma_wait3A_1039 = tpu.memref_slice %arg6[%dma_wait3A_1035, %dma_wait3A_1037, %dma_wait3A_1038] : memref<10x64x128xf32, #tpu.memory_space<vmem>> -> memref<1x64x128xf32, #tpu.memory_space<vmem>>
    %dma_wait3A_1040 = tpu.memref_squeeze %dma_wait3A_1039 : memref<1x64x128xf32, #tpu.memory_space<vmem>> -> memref<64x128xf32, #tpu.memory_space<vmem>>
    %dma_wait3A_1041 = arith.constant 6336 : i32
    %dma_wait3A_1042 = tpu.memref_slice %arg5[%dma_wait3A_1041] : memref<6400xi32, #tpu.memory_space<vmem>> -> memref<64xi32, #tpu.memory_space<vmem>>
    %dma_wait3A_1043 = arith.constant 0 : i32
    %dma_wait3A_1044 = arith.constant 0 : i32
    %dma_wait3A_1045 = tpu.memref_slice %arg3[%dma_wait3A_1043, %dma_wait3A_1044] : memref<100000x128xf32, #tpu.memory_space<hbm>> -> memref<100000x128xf32, #tpu.memory_space<hbm>>
    %dma_wait3A_1046 = tpu.memref_slice %arg7[%dma_wait3A_1036] : memref<10x!tpu.dma_semaphore, #tpu.memory_space<semaphore_mem>> -> memref<1x!tpu.dma_semaphore, #tpu.memory_space<semaphore_mem>>
    %dma_wait3A_1047 = tpu.memref_squeeze %dma_wait3A_1046 : memref<1x!tpu.dma_semaphore, #tpu.memory_space<semaphore_mem>> -> memref<!tpu.dma_semaphore, #tpu.memory_space<semaphore_mem>>
    tpu.wait_indirect_dma semaphore(%dma_wait3A_1047 : memref<!tpu.dma_semaphore, #tpu.memory_space<semaphore_mem>>) src(%dma_wait3A_1045 : memref<100000x128xf32, #tpu.memory_space<hbm>>) dst(%dma_wait3A_1040 : memref<64x128xf32, #tpu.memory_space<vmem>>)
    %add3A_1048 = arith.constant 6336 : i32
    %add3A_1049 = arith.addi %mul3A_2, %add3A_1048 : i32
    %dma_start3A_1050 = arith.constant 9 : i32
    %dma_start3A_1051 = arith.constant 9 : i32
    %dma_start3A_1052 = arith.constant 0 : i32
    %dma_start3A_1053 = arith.constant 0 : i32
    %dma_start3A_1054 = tpu.memref_slice %arg6[%dma_start3A_1050, %dma_start3A_1052, %dma_start3A_1053] : memref<10x64x128xf32, #tpu.memory_space<vmem>> -> memref<1x64x128xf32, #tpu.memory_space<vmem>>
    %dma_start3A_1055 = tpu.memref_squeeze %dma_start3A_1054 : memref<1x64x128xf32, #tpu.memory_space<vmem>> -> memref<64x128xf32, #tpu.memory_space<vmem>>
    %dma_start3A_1056 = arith.constant 0 : i32
    %dma_start3A_1057 = tpu.memref_slice %arg4[%add3A_1049, %dma_start3A_1056] : memref<204800x128xf32, #tpu.memory_space<hbm>> -> memref<64x128xf32, #tpu.memory_space<hbm>>
    %dma_start3A_1058 = tpu.memref_slice %arg8[%dma_start3A_1051] : memref<10x!tpu.dma_semaphore, #tpu.memory_space<semaphore_mem>> -> memref<1x!tpu.dma_semaphore, #tpu.memory_space<semaphore_mem>>
    %dma_start3A_1059 = tpu.memref_squeeze %dma_start3A_1058 : memref<1x!tpu.dma_semaphore, #tpu.memory_space<semaphore_mem>> -> memref<!tpu.dma_semaphore, #tpu.memory_space<semaphore_mem>>
    %dma_start3A_1060 = arith.constant 0 : i32
    %dma_start3A_1061 = tpu.memref_slice %arg4[%add3A_1049, %dma_start3A_1060] : memref<204800x128xf32, #tpu.memory_space<hbm>> -> memref<64x128xf32, #tpu.memory_space<hbm>>
    %dma_start3A_1062 = arith.constant 0 : i32
    %dma_start3A_1063 = arith.constant 0 : i32
    %dma_start3A_1064 = tpu.memref_slice %arg6[%dma_start3A_1050, %dma_start3A_1062, %dma_start3A_1063] : memref<10x64x128xf32, #tpu.memory_space<vmem>> -> memref<1x64x128xf32, #tpu.memory_space<vmem>>
    %dma_start3A_1065 = tpu.memref_squeeze %dma_start3A_1064 : memref<1x64x128xf32, #tpu.memory_space<vmem>> -> memref<64x128xf32, #tpu.memory_space<vmem>>
    tpu.enqueue_dma source(%dma_start3A_1065 : memref<64x128xf32, #tpu.memory_space<vmem>>) target(%dma_start3A_1061 : memref<64x128xf32, #tpu.memory_space<hbm>>) target_semaphore(%dma_start3A_1059 : memref<!tpu.dma_semaphore, #tpu.memory_space<semaphore_mem>>)
    %add3A_1066 = arith.constant 5760 : i32
    %add3A_1067 = arith.addi %mul3A_2, %add3A_1066 : i32
    %dma_wait3A_1068 = arith.constant 0 : i32
    %dma_wait3A_1069 = arith.constant 0 : i32
    %dma_wait3A_1070 = arith.constant 0 : i32
    %dma_wait3A_1071 = arith.constant 0 : i32
    %dma_wait3A_1072 = tpu.memref_slice %arg6[%dma_wait3A_1068, %dma_wait3A_1070, %dma_wait3A_1071] : memref<10x64x128xf32, #tpu.memory_space<vmem>> -> memref<1x64x128xf32, #tpu.memory_space<vmem>>
    %dma_wait3A_1073 = tpu.memref_squeeze %dma_wait3A_1072 : memref<1x64x128xf32, #tpu.memory_space<vmem>> -> memref<64x128xf32, #tpu.memory_space<vmem>>
    %dma_wait3A_1074 = arith.constant 0 : i32
    %dma_wait3A_1075 = tpu.memref_slice %arg4[%add3A_1067, %dma_wait3A_1074] : memref<204800x128xf32, #tpu.memory_space<hbm>> -> memref<64x128xf32, #tpu.memory_space<hbm>>
    %dma_wait3A_1076 = tpu.memref_slice %arg8[%dma_wait3A_1069] : memref<10x!tpu.dma_semaphore, #tpu.memory_space<semaphore_mem>> -> memref<1x!tpu.dma_semaphore, #tpu.memory_space<semaphore_mem>>
    %dma_wait3A_1077 = tpu.memref_squeeze %dma_wait3A_1076 : memref<1x!tpu.dma_semaphore, #tpu.memory_space<semaphore_mem>> -> memref<!tpu.dma_semaphore, #tpu.memory_space<semaphore_mem>>
    %dma_wait3A_1078 = arith.constant 0 : i32
    %dma_wait3A_1079 = tpu.memref_slice %arg4[%add3A_1067, %dma_wait3A_1078] : memref<204800x128xf32, #tpu.memory_space<hbm>> -> memref<64x128xf32, #tpu.memory_space<hbm>>
    %dma_wait3A_1080 = arith.constant 0 : i32
    %dma_wait3A_1081 = arith.constant 0 : i32
    %dma_wait3A_1082 = tpu.memref_slice %arg6[%dma_wait3A_1068, %dma_wait3A_1080, %dma_wait3A_1081] : memref<10x64x128xf32, #tpu.memory_space<vmem>> -> memref<1x64x128xf32, #tpu.memory_space<vmem>>
    %dma_wait3A_1083 = tpu.memref_squeeze %dma_wait3A_1082 : memref<1x64x128xf32, #tpu.memory_space<vmem>> -> memref<64x128xf32, #tpu.memory_space<vmem>>
    tpu.wait_dma2 semaphore(%dma_wait3A_1077 : memref<!tpu.dma_semaphore, #tpu.memory_space<semaphore_mem>>) src(%dma_wait3A_1083 : memref<64x128xf32, #tpu.memory_space<vmem>>) dst(%dma_wait3A_1079 : memref<64x128xf32, #tpu.memory_space<hbm>>)
    %add3A_1084 = arith.constant 5824 : i32
    %add3A_1085 = arith.addi %mul3A_2, %add3A_1084 : i32
    %dma_wait3A_1086 = arith.constant 1 : i32
    %dma_wait3A_1087 = arith.constant 1 : i32
    %dma_wait3A_1088 = arith.constant 0 : i32
    %dma_wait3A_1089 = arith.constant 0 : i32
    %dma_wait3A_1090 = tpu.memref_slice %arg6[%dma_wait3A_1086, %dma_wait3A_1088, %dma_wait3A_1089] : memref<10x64x128xf32, #tpu.memory_space<vmem>> -> memref<1x64x128xf32, #tpu.memory_space<vmem>>
    %dma_wait3A_1091 = tpu.memref_squeeze %dma_wait3A_1090 : memref<1x64x128xf32, #tpu.memory_space<vmem>> -> memref<64x128xf32, #tpu.memory_space<vmem>>
    %dma_wait3A_1092 = arith.constant 0 : i32
    %dma_wait3A_1093 = tpu.memref_slice %arg4[%add3A_1085, %dma_wait3A_1092] : memref<204800x128xf32, #tpu.memory_space<hbm>> -> memref<64x128xf32, #tpu.memory_space<hbm>>
    %dma_wait3A_1094 = tpu.memref_slice %arg8[%dma_wait3A_1087] : memref<10x!tpu.dma_semaphore, #tpu.memory_space<semaphore_mem>> -> memref<1x!tpu.dma_semaphore, #tpu.memory_space<semaphore_mem>>
    %dma_wait3A_1095 = tpu.memref_squeeze %dma_wait3A_1094 : memref<1x!tpu.dma_semaphore, #tpu.memory_space<semaphore_mem>> -> memref<!tpu.dma_semaphore, #tpu.memory_space<semaphore_mem>>
    %dma_wait3A_1096 = arith.constant 0 : i32
    %dma_wait3A_1097 = tpu.memref_slice %arg4[%add3A_1085, %dma_wait3A_1096] : memref<204800x128xf32, #tpu.memory_space<hbm>> -> memref<64x128xf32, #tpu.memory_space<hbm>>
    %dma_wait3A_1098 = arith.constant 0 : i32
    %dma_wait3A_1099 = arith.constant 0 : i32
    %dma_wait3A_1100 = tpu.memref_slice %arg6[%dma_wait3A_1086, %dma_wait3A_1098, %dma_wait3A_1099] : memref<10x64x128xf32, #tpu.memory_space<vmem>> -> memref<1x64x128xf32, #tpu.memory_space<vmem>>
    %dma_wait3A_1101 = tpu.memref_squeeze %dma_wait3A_1100 : memref<1x64x128xf32, #tpu.memory_space<vmem>> -> memref<64x128xf32, #tpu.memory_space<vmem>>
    tpu.wait_dma2 semaphore(%dma_wait3A_1095 : memref<!tpu.dma_semaphore, #tpu.memory_space<semaphore_mem>>) src(%dma_wait3A_1101 : memref<64x128xf32, #tpu.memory_space<vmem>>) dst(%dma_wait3A_1097 : memref<64x128xf32, #tpu.memory_space<hbm>>)
    %add3A_1102 = arith.constant 5888 : i32
    %add3A_1103 = arith.addi %mul3A_2, %add3A_1102 : i32
    %dma_wait3A_1104 = arith.constant 2 : i32
    %dma_wait3A_1105 = arith.constant 2 : i32
    %dma_wait3A_1106 = arith.constant 0 : i32
    %dma_wait3A_1107 = arith.constant 0 : i32
    %dma_wait3A_1108 = tpu.memref_slice %arg6[%dma_wait3A_1104, %dma_wait3A_1106, %dma_wait3A_1107] : memref<10x64x128xf32, #tpu.memory_space<vmem>> -> memref<1x64x128xf32, #tpu.memory_space<vmem>>
    %dma_wait3A_1109 = tpu.memref_squeeze %dma_wait3A_1108 : memref<1x64x128xf32, #tpu.memory_space<vmem>> -> memref<64x128xf32, #tpu.memory_space<vmem>>
    %dma_wait3A_1110 = arith.constant 0 : i32
    %dma_wait3A_1111 = tpu.memref_slice %arg4[%add3A_1103, %dma_wait3A_1110] : memref<204800x128xf32, #tpu.memory_space<hbm>> -> memref<64x128xf32, #tpu.memory_space<hbm>>
    %dma_wait3A_1112 = tpu.memref_slice %arg8[%dma_wait3A_1105] : memref<10x!tpu.dma_semaphore, #tpu.memory_space<semaphore_mem>> -> memref<1x!tpu.dma_semaphore, #tpu.memory_space<semaphore_mem>>
    %dma_wait3A_1113 = tpu.memref_squeeze %dma_wait3A_1112 : memref<1x!tpu.dma_semaphore, #tpu.memory_space<semaphore_mem>> -> memref<!tpu.dma_semaphore, #tpu.memory_space<semaphore_mem>>
    %dma_wait3A_1114 = arith.constant 0 : i32
    %dma_wait3A_1115 = tpu.memref_slice %arg4[%add3A_1103, %dma_wait3A_1114] : memref<204800x128xf32, #tpu.memory_space<hbm>> -> memref<64x128xf32, #tpu.memory_space<hbm>>
    %dma_wait3A_1116 = arith.constant 0 : i32
    %dma_wait3A_1117 = arith.constant 0 : i32
    %dma_wait3A_1118 = tpu.memref_slice %arg6[%dma_wait3A_1104, %dma_wait3A_1116, %dma_wait3A_1117] : memref<10x64x128xf32, #tpu.memory_space<vmem>> -> memref<1x64x128xf32, #tpu.memory_space<vmem>>
    %dma_wait3A_1119 = tpu.memref_squeeze %dma_wait3A_1118 : memref<1x64x128xf32, #tpu.memory_space<vmem>> -> memref<64x128xf32, #tpu.memory_space<vmem>>
    tpu.wait_dma2 semaphore(%dma_wait3A_1113 : memref<!tpu.dma_semaphore, #tpu.memory_space<semaphore_mem>>) src(%dma_wait3A_1119 : memref<64x128xf32, #tpu.memory_space<vmem>>) dst(%dma_wait3A_1115 : memref<64x128xf32, #tpu.memory_space<hbm>>)
    %add3A_1120 = arith.constant 5952 : i32
    %add3A_1121 = arith.addi %mul3A_2, %add3A_1120 : i32
    %dma_wait3A_1122 = arith.constant 3 : i32
    %dma_wait3A_1123 = arith.constant 3 : i32
    %dma_wait3A_1124 = arith.constant 0 : i32
    %dma_wait3A_1125 = arith.constant 0 : i32
    %dma_wait3A_1126 = tpu.memref_slice %arg6[%dma_wait3A_1122, %dma_wait3A_1124, %dma_wait3A_1125] : memref<10x64x128xf32, #tpu.memory_space<vmem>> -> memref<1x64x128xf32, #tpu.memory_space<vmem>>
    %dma_wait3A_1127 = tpu.memref_squeeze %dma_wait3A_1126 : memref<1x64x128xf32, #tpu.memory_space<vmem>> -> memref<64x128xf32, #tpu.memory_space<vmem>>
    %dma_wait3A_1128 = arith.constant 0 : i32
    %dma_wait3A_1129 = tpu.memref_slice %arg4[%add3A_1121, %dma_wait3A_1128] : memref<204800x128xf32, #tpu.memory_space<hbm>> -> memref<64x128xf32, #tpu.memory_space<hbm>>
    %dma_wait3A_1130 = tpu.memref_slice %arg8[%dma_wait3A_1123] : memref<10x!tpu.dma_semaphore, #tpu.memory_space<semaphore_mem>> -> memref<1x!tpu.dma_semaphore, #tpu.memory_space<semaphore_mem>>
    %dma_wait3A_1131 = tpu.memref_squeeze %dma_wait3A_1130 : memref<1x!tpu.dma_semaphore, #tpu.memory_space<semaphore_mem>> -> memref<!tpu.dma_semaphore, #tpu.memory_space<semaphore_mem>>
    %dma_wait3A_1132 = arith.constant 0 : i32
    %dma_wait3A_1133 = tpu.memref_slice %arg4[%add3A_1121, %dma_wait3A_1132] : memref<204800x128xf32, #tpu.memory_space<hbm>> -> memref<64x128xf32, #tpu.memory_space<hbm>>
    %dma_wait3A_1134 = arith.constant 0 : i32
    %dma_wait3A_1135 = arith.constant 0 : i32
    %dma_wait3A_1136 = tpu.memref_slice %arg6[%dma_wait3A_1122, %dma_wait3A_1134, %dma_wait3A_1135] : memref<10x64x128xf32, #tpu.memory_space<vmem>> -> memref<1x64x128xf32, #tpu.memory_space<vmem>>
    %dma_wait3A_1137 = tpu.memref_squeeze %dma_wait3A_1136 : memref<1x64x128xf32, #tpu.memory_space<vmem>> -> memref<64x128xf32, #tpu.memory_space<vmem>>
    tpu.wait_dma2 semaphore(%dma_wait3A_1131 : memref<!tpu.dma_semaphore, #tpu.memory_space<semaphore_mem>>) src(%dma_wait3A_1137 : memref<64x128xf32, #tpu.memory_space<vmem>>) dst(%dma_wait3A_1133 : memref<64x128xf32, #tpu.memory_space<hbm>>)
    %add3A_1138 = arith.constant 6016 : i32
    %add3A_1139 = arith.addi %mul3A_2, %add3A_1138 : i32
    %dma_wait3A_1140 = arith.constant 4 : i32
    %dma_wait3A_1141 = arith.constant 4 : i32
    %dma_wait3A_1142 = arith.constant 0 : i32
    %dma_wait3A_1143 = arith.constant 0 : i32
    %dma_wait3A_1144 = tpu.memref_slice %arg6[%dma_wait3A_1140, %dma_wait3A_1142, %dma_wait3A_1143] : memref<10x64x128xf32, #tpu.memory_space<vmem>> -> memref<1x64x128xf32, #tpu.memory_space<vmem>>
    %dma_wait3A_1145 = tpu.memref_squeeze %dma_wait3A_1144 : memref<1x64x128xf32, #tpu.memory_space<vmem>> -> memref<64x128xf32, #tpu.memory_space<vmem>>
    %dma_wait3A_1146 = arith.constant 0 : i32
    %dma_wait3A_1147 = tpu.memref_slice %arg4[%add3A_1139, %dma_wait3A_1146] : memref<204800x128xf32, #tpu.memory_space<hbm>> -> memref<64x128xf32, #tpu.memory_space<hbm>>
    %dma_wait3A_1148 = tpu.memref_slice %arg8[%dma_wait3A_1141] : memref<10x!tpu.dma_semaphore, #tpu.memory_space<semaphore_mem>> -> memref<1x!tpu.dma_semaphore, #tpu.memory_space<semaphore_mem>>
    %dma_wait3A_1149 = tpu.memref_squeeze %dma_wait3A_1148 : memref<1x!tpu.dma_semaphore, #tpu.memory_space<semaphore_mem>> -> memref<!tpu.dma_semaphore, #tpu.memory_space<semaphore_mem>>
    %dma_wait3A_1150 = arith.constant 0 : i32
    %dma_wait3A_1151 = tpu.memref_slice %arg4[%add3A_1139, %dma_wait3A_1150] : memref<204800x128xf32, #tpu.memory_space<hbm>> -> memref<64x128xf32, #tpu.memory_space<hbm>>
    %dma_wait3A_1152 = arith.constant 0 : i32
    %dma_wait3A_1153 = arith.constant 0 : i32
    %dma_wait3A_1154 = tpu.memref_slice %arg6[%dma_wait3A_1140, %dma_wait3A_1152, %dma_wait3A_1153] : memref<10x64x128xf32, #tpu.memory_space<vmem>> -> memref<1x64x128xf32, #tpu.memory_space<vmem>>
    %dma_wait3A_1155 = tpu.memref_squeeze %dma_wait3A_1154 : memref<1x64x128xf32, #tpu.memory_space<vmem>> -> memref<64x128xf32, #tpu.memory_space<vmem>>
    tpu.wait_dma2 semaphore(%dma_wait3A_1149 : memref<!tpu.dma_semaphore, #tpu.memory_space<semaphore_mem>>) src(%dma_wait3A_1155 : memref<64x128xf32, #tpu.memory_space<vmem>>) dst(%dma_wait3A_1151 : memref<64x128xf32, #tpu.memory_space<hbm>>)
    %add3A_1156 = arith.constant 6080 : i32
    %add3A_1157 = arith.addi %mul3A_2, %add3A_1156 : i32
    %dma_wait3A_1158 = arith.constant 5 : i32
    %dma_wait3A_1159 = arith.constant 5 : i32
    %dma_wait3A_1160 = arith.constant 0 : i32
    %dma_wait3A_1161 = arith.constant 0 : i32
    %dma_wait3A_1162 = tpu.memref_slice %arg6[%dma_wait3A_1158, %dma_wait3A_1160, %dma_wait3A_1161] : memref<10x64x128xf32, #tpu.memory_space<vmem>> -> memref<1x64x128xf32, #tpu.memory_space<vmem>>
    %dma_wait3A_1163 = tpu.memref_squeeze %dma_wait3A_1162 : memref<1x64x128xf32, #tpu.memory_space<vmem>> -> memref<64x128xf32, #tpu.memory_space<vmem>>
    %dma_wait3A_1164 = arith.constant 0 : i32
    %dma_wait3A_1165 = tpu.memref_slice %arg4[%add3A_1157, %dma_wait3A_1164] : memref<204800x128xf32, #tpu.memory_space<hbm>> -> memref<64x128xf32, #tpu.memory_space<hbm>>
    %dma_wait3A_1166 = tpu.memref_slice %arg8[%dma_wait3A_1159] : memref<10x!tpu.dma_semaphore, #tpu.memory_space<semaphore_mem>> -> memref<1x!tpu.dma_semaphore, #tpu.memory_space<semaphore_mem>>
    %dma_wait3A_1167 = tpu.memref_squeeze %dma_wait3A_1166 : memref<1x!tpu.dma_semaphore, #tpu.memory_space<semaphore_mem>> -> memref<!tpu.dma_semaphore, #tpu.memory_space<semaphore_mem>>
    %dma_wait3A_1168 = arith.constant 0 : i32
    %dma_wait3A_1169 = tpu.memref_slice %arg4[%add3A_1157, %dma_wait3A_1168] : memref<204800x128xf32, #tpu.memory_space<hbm>> -> memref<64x128xf32, #tpu.memory_space<hbm>>
    %dma_wait3A_1170 = arith.constant 0 : i32
    %dma_wait3A_1171 = arith.constant 0 : i32
    %dma_wait3A_1172 = tpu.memref_slice %arg6[%dma_wait3A_1158, %dma_wait3A_1170, %dma_wait3A_1171] : memref<10x64x128xf32, #tpu.memory_space<vmem>> -> memref<1x64x128xf32, #tpu.memory_space<vmem>>
    %dma_wait3A_1173 = tpu.memref_squeeze %dma_wait3A_1172 : memref<1x64x128xf32, #tpu.memory_space<vmem>> -> memref<64x128xf32, #tpu.memory_space<vmem>>
    tpu.wait_dma2 semaphore(%dma_wait3A_1167 : memref<!tpu.dma_semaphore, #tpu.memory_space<semaphore_mem>>) src(%dma_wait3A_1173 : memref<64x128xf32, #tpu.memory_space<vmem>>) dst(%dma_wait3A_1169 : memref<64x128xf32, #tpu.memory_space<hbm>>)
    %add3A_1174 = arith.constant 6144 : i32
    %add3A_1175 = arith.addi %mul3A_2, %add3A_1174 : i32
    %dma_wait3A_1176 = arith.constant 6 : i32
    %dma_wait3A_1177 = arith.constant 6 : i32
    %dma_wait3A_1178 = arith.constant 0 : i32
    %dma_wait3A_1179 = arith.constant 0 : i32
    %dma_wait3A_1180 = tpu.memref_slice %arg6[%dma_wait3A_1176, %dma_wait3A_1178, %dma_wait3A_1179] : memref<10x64x128xf32, #tpu.memory_space<vmem>> -> memref<1x64x128xf32, #tpu.memory_space<vmem>>
    %dma_wait3A_1181 = tpu.memref_squeeze %dma_wait3A_1180 : memref<1x64x128xf32, #tpu.memory_space<vmem>> -> memref<64x128xf32, #tpu.memory_space<vmem>>
    %dma_wait3A_1182 = arith.constant 0 : i32
    %dma_wait3A_1183 = tpu.memref_slice %arg4[%add3A_1175, %dma_wait3A_1182] : memref<204800x128xf32, #tpu.memory_space<hbm>> -> memref<64x128xf32, #tpu.memory_space<hbm>>
    %dma_wait3A_1184 = tpu.memref_slice %arg8[%dma_wait3A_1177] : memref<10x!tpu.dma_semaphore, #tpu.memory_space<semaphore_mem>> -> memref<1x!tpu.dma_semaphore, #tpu.memory_space<semaphore_mem>>
    %dma_wait3A_1185 = tpu.memref_squeeze %dma_wait3A_1184 : memref<1x!tpu.dma_semaphore, #tpu.memory_space<semaphore_mem>> -> memref<!tpu.dma_semaphore, #tpu.memory_space<semaphore_mem>>
    %dma_wait3A_1186 = arith.constant 0 : i32
    %dma_wait3A_1187 = tpu.memref_slice %arg4[%add3A_1175, %dma_wait3A_1186] : memref<204800x128xf32, #tpu.memory_space<hbm>> -> memref<64x128xf32, #tpu.memory_space<hbm>>
    %dma_wait3A_1188 = arith.constant 0 : i32
    %dma_wait3A_1189 = arith.constant 0 : i32
    %dma_wait3A_1190 = tpu.memref_slice %arg6[%dma_wait3A_1176, %dma_wait3A_1188, %dma_wait3A_1189] : memref<10x64x128xf32, #tpu.memory_space<vmem>> -> memref<1x64x128xf32, #tpu.memory_space<vmem>>
    %dma_wait3A_1191 = tpu.memref_squeeze %dma_wait3A_1190 : memref<1x64x128xf32, #tpu.memory_space<vmem>> -> memref<64x128xf32, #tpu.memory_space<vmem>>
    tpu.wait_dma2 semaphore(%dma_wait3A_1185 : memref<!tpu.dma_semaphore, #tpu.memory_space<semaphore_mem>>) src(%dma_wait3A_1191 : memref<64x128xf32, #tpu.memory_space<vmem>>) dst(%dma_wait3A_1187 : memref<64x128xf32, #tpu.memory_space<hbm>>)
    %add3A_1192 = arith.constant 6208 : i32
    %add3A_1193 = arith.addi %mul3A_2, %add3A_1192 : i32
    %dma_wait3A_1194 = arith.constant 7 : i32
    %dma_wait3A_1195 = arith.constant 7 : i32
    %dma_wait3A_1196 = arith.constant 0 : i32
    %dma_wait3A_1197 = arith.constant 0 : i32
    %dma_wait3A_1198 = tpu.memref_slice %arg6[%dma_wait3A_1194, %dma_wait3A_1196, %dma_wait3A_1197] : memref<10x64x128xf32, #tpu.memory_space<vmem>> -> memref<1x64x128xf32, #tpu.memory_space<vmem>>
    %dma_wait3A_1199 = tpu.memref_squeeze %dma_wait3A_1198 : memref<1x64x128xf32, #tpu.memory_space<vmem>> -> memref<64x128xf32, #tpu.memory_space<vmem>>
    %dma_wait3A_1200 = arith.constant 0 : i32
    %dma_wait3A_1201 = tpu.memref_slice %arg4[%add3A_1193, %dma_wait3A_1200] : memref<204800x128xf32, #tpu.memory_space<hbm>> -> memref<64x128xf32, #tpu.memory_space<hbm>>
    %dma_wait3A_1202 = tpu.memref_slice %arg8[%dma_wait3A_1195] : memref<10x!tpu.dma_semaphore, #tpu.memory_space<semaphore_mem>> -> memref<1x!tpu.dma_semaphore, #tpu.memory_space<semaphore_mem>>
    %dma_wait3A_1203 = tpu.memref_squeeze %dma_wait3A_1202 : memref<1x!tpu.dma_semaphore, #tpu.memory_space<semaphore_mem>> -> memref<!tpu.dma_semaphore, #tpu.memory_space<semaphore_mem>>
    %dma_wait3A_1204 = arith.constant 0 : i32
    %dma_wait3A_1205 = tpu.memref_slice %arg4[%add3A_1193, %dma_wait3A_1204] : memref<204800x128xf32, #tpu.memory_space<hbm>> -> memref<64x128xf32, #tpu.memory_space<hbm>>
    %dma_wait3A_1206 = arith.constant 0 : i32
    %dma_wait3A_1207 = arith.constant 0 : i32
    %dma_wait3A_1208 = tpu.memref_slice %arg6[%dma_wait3A_1194, %dma_wait3A_1206, %dma_wait3A_1207] : memref<10x64x128xf32, #tpu.memory_space<vmem>> -> memref<1x64x128xf32, #tpu.memory_space<vmem>>
    %dma_wait3A_1209 = tpu.memref_squeeze %dma_wait3A_1208 : memref<1x64x128xf32, #tpu.memory_space<vmem>> -> memref<64x128xf32, #tpu.memory_space<vmem>>
    tpu.wait_dma2 semaphore(%dma_wait3A_1203 : memref<!tpu.dma_semaphore, #tpu.memory_space<semaphore_mem>>) src(%dma_wait3A_1209 : memref<64x128xf32, #tpu.memory_space<vmem>>) dst(%dma_wait3A_1205 : memref<64x128xf32, #tpu.memory_space<hbm>>)
    %add3A_1210 = arith.constant 6272 : i32
    %add3A_1211 = arith.addi %mul3A_2, %add3A_1210 : i32
    %dma_wait3A_1212 = arith.constant 8 : i32
    %dma_wait3A_1213 = arith.constant 8 : i32
    %dma_wait3A_1214 = arith.constant 0 : i32
    %dma_wait3A_1215 = arith.constant 0 : i32
    %dma_wait3A_1216 = tpu.memref_slice %arg6[%dma_wait3A_1212, %dma_wait3A_1214, %dma_wait3A_1215] : memref<10x64x128xf32, #tpu.memory_space<vmem>> -> memref<1x64x128xf32, #tpu.memory_space<vmem>>
    %dma_wait3A_1217 = tpu.memref_squeeze %dma_wait3A_1216 : memref<1x64x128xf32, #tpu.memory_space<vmem>> -> memref<64x128xf32, #tpu.memory_space<vmem>>
    %dma_wait3A_1218 = arith.constant 0 : i32
    %dma_wait3A_1219 = tpu.memref_slice %arg4[%add3A_1211, %dma_wait3A_1218] : memref<204800x128xf32, #tpu.memory_space<hbm>> -> memref<64x128xf32, #tpu.memory_space<hbm>>
    %dma_wait3A_1220 = tpu.memref_slice %arg8[%dma_wait3A_1213] : memref<10x!tpu.dma_semaphore, #tpu.memory_space<semaphore_mem>> -> memref<1x!tpu.dma_semaphore, #tpu.memory_space<semaphore_mem>>
    %dma_wait3A_1221 = tpu.memref_squeeze %dma_wait3A_1220 : memref<1x!tpu.dma_semaphore, #tpu.memory_space<semaphore_mem>> -> memref<!tpu.dma_semaphore, #tpu.memory_space<semaphore_mem>>
    %dma_wait3A_1222 = arith.constant 0 : i32
    %dma_wait3A_1223 = tpu.memref_slice %arg4[%add3A_1211, %dma_wait3A_1222] : memref<204800x128xf32, #tpu.memory_space<hbm>> -> memref<64x128xf32, #tpu.memory_space<hbm>>
    %dma_wait3A_1224 = arith.constant 0 : i32
    %dma_wait3A_1225 = arith.constant 0 : i32
    %dma_wait3A_1226 = tpu.memref_slice %arg6[%dma_wait3A_1212, %dma_wait3A_1224, %dma_wait3A_1225] : memref<10x64x128xf32, #tpu.memory_space<vmem>> -> memref<1x64x128xf32, #tpu.memory_space<vmem>>
    %dma_wait3A_1227 = tpu.memref_squeeze %dma_wait3A_1226 : memref<1x64x128xf32, #tpu.memory_space<vmem>> -> memref<64x128xf32, #tpu.memory_space<vmem>>
    tpu.wait_dma2 semaphore(%dma_wait3A_1221 : memref<!tpu.dma_semaphore, #tpu.memory_space<semaphore_mem>>) src(%dma_wait3A_1227 : memref<64x128xf32, #tpu.memory_space<vmem>>) dst(%dma_wait3A_1223 : memref<64x128xf32, #tpu.memory_space<hbm>>)
    %add3A_1228 = arith.constant 6336 : i32
    %add3A_1229 = arith.addi %mul3A_2, %add3A_1228 : i32
    %dma_wait3A_1230 = arith.constant 9 : i32
    %dma_wait3A_1231 = arith.constant 9 : i32
    %dma_wait3A_1232 = arith.constant 0 : i32
    %dma_wait3A_1233 = arith.constant 0 : i32
    %dma_wait3A_1234 = tpu.memref_slice %arg6[%dma_wait3A_1230, %dma_wait3A_1232, %dma_wait3A_1233] : memref<10x64x128xf32, #tpu.memory_space<vmem>> -> memref<1x64x128xf32, #tpu.memory_space<vmem>>
    %dma_wait3A_1235 = tpu.memref_squeeze %dma_wait3A_1234 : memref<1x64x128xf32, #tpu.memory_space<vmem>> -> memref<64x128xf32, #tpu.memory_space<vmem>>
    %dma_wait3A_1236 = arith.constant 0 : i32
    %dma_wait3A_1237 = tpu.memref_slice %arg4[%add3A_1229, %dma_wait3A_1236] : memref<204800x128xf32, #tpu.memory_space<hbm>> -> memref<64x128xf32, #tpu.memory_space<hbm>>
    %dma_wait3A_1238 = tpu.memref_slice %arg8[%dma_wait3A_1231] : memref<10x!tpu.dma_semaphore, #tpu.memory_space<semaphore_mem>> -> memref<1x!tpu.dma_semaphore, #tpu.memory_space<semaphore_mem>>
    %dma_wait3A_1239 = tpu.memref_squeeze %dma_wait3A_1238 : memref<1x!tpu.dma_semaphore, #tpu.memory_space<semaphore_mem>> -> memref<!tpu.dma_semaphore, #tpu.memory_space<semaphore_mem>>
    %dma_wait3A_1240 = arith.constant 0 : i32
    %dma_wait3A_1241 = tpu.memref_slice %arg4[%add3A_1229, %dma_wait3A_1240] : memref<204800x128xf32, #tpu.memory_space<hbm>> -> memref<64x128xf32, #tpu.memory_space<hbm>>
    %dma_wait3A_1242 = arith.constant 0 : i32
    %dma_wait3A_1243 = arith.constant 0 : i32
    %dma_wait3A_1244 = tpu.memref_slice %arg6[%dma_wait3A_1230, %dma_wait3A_1242, %dma_wait3A_1243] : memref<10x64x128xf32, #tpu.memory_space<vmem>> -> memref<1x64x128xf32, #tpu.memory_space<vmem>>
    %dma_wait3A_1245 = tpu.memref_squeeze %dma_wait3A_1244 : memref<1x64x128xf32, #tpu.memory_space<vmem>> -> memref<64x128xf32, #tpu.memory_space<vmem>>
    tpu.wait_dma2 semaphore(%dma_wait3A_1239 : memref<!tpu.dma_semaphore, #tpu.memory_space<semaphore_mem>>) src(%dma_wait3A_1245 : memref<64x128xf32, #tpu.memory_space<vmem>>) dst(%dma_wait3A_1241 : memref<64x128xf32, #tpu.memory_space<hbm>>)
    return
  }
}

</mosaic_0001>

<sc_bundles>
// kernel: kernel.3.cloned.1.call-start
scs
__scs_entry_jumppad:
0x0: {  	(pc) =	sbr.rel $0x88, $3  }
0x1: {  	(tag) =	ssettag $0x0;
	lr =	simm.s32 $0x1  }
0x2: {  	[smem:$0x3F9F] =	sst lr;
	_ =	strace $0xD0000000  }
0x3: {  	_ = 	snop  }
0x4: {  	_ = 	snop  }
0x5: {  	_ = 	snop  }
0x6: {  	_ = 	snop  }
0x7: {  	_ = 	snop  }
__scs_overlays_trampoline_lowered:
0x8: {  	[smem:$0x3FAE] =	sst s0  }
0x9: {  	[smem:$0x3FAF] =	sst s1  }
0xa: {  	[smem:$0x3FB0] =	sst s2  }
0xb: {  	[smem:$0x3FB1] =	sst s3  }
0xc: {  	[smem:$0x3FB2] =	sst s4  }
0xd: {  	[smem:$0x3FB3] =	sst s5  }
0xe: {  	[smem:$0x3FB4] =	sst s6  }
0xf: {  	[smem:$0x3FB5] =	sst s7  }
0x10: {  	[smem:$0x3FB6] =	sst s8  }
0x11: {  	[smem:$0x3FB7] =	sst s9;
	s0 =	simm.s32 @!p0 $0x0  }
0x12: {  	s1 =	sld [smem:$0x3F9D];
	s0 =	simm.s32 @p0 $0x1  }
0x13: {  	[smem:$0x3FB8] =	sst s0;
	s0 =	simm.s32 @!p1 $0x0  }
0x14: {  	s2 =	sld [smem:$0x3F9C];
	s0 =	simm.s32 @p1 $0x1  }
0x15: {  	[smem:$0x3FB9] =	sst s0;
	s0 =	simm.s32 @!p2 $0x0  }
0x16: {  	s3 =	sld [smem:$0x3FDB];
	s0 =	simm.s32 @p2 $0x1  }
0x17: {  	s4 =	simm.s32 $0x1BF5;
	[smem:$0x3FBB] =	sst s0  }
0x18: {  	s0 =	sld [smem:$0x3F9E];
	_ =	swait.ge [sflag:s4], $0x0  }
0x19: {  	s7 =	sld [smem:$0x3F9F]  }
0x1a: {  	s8 =	sadd.s32 $0xFFFFE003, lr  }
0x1b: {  	s9 =	sadd.s32 $0xFFFFFEF7, lr;
	s5 =	simm.s32 $0xFFFFFFFF;
	p2 =	slt.u32 s8, $0xFFFFF086  }
0x1c: {  	p1 =	slt.u32 s9, $0xF7A;
	s5 =	simm.s32 @!p2 $0x0  }
0x1d: {  	s5 =	simm.s32 @p1 $0x1;
	p0 =	seq.s32 s7, s2  }
0x1e: {  	s7 =	smul.u32 @!p0 $0xF7A, s2;
	p2 =	seq.s32 @!p0 s5, $0x0  }
0x1f: {  	s9 =	smul.u32 $0xF7A, s1;
	s8 =	simm.s32 @!p0 $0x1BF5;
	p2 =	por !p2, p0  }
0x20: {  	[sflag:s8] =	ssyncset.s32 @!p0 $0xFFFFF086;
	s6 =	sadd.s32 @!p0 s3, s7;
	s7 =	simm.s32 @!p0 $0x108  }
0x21: {  	s3 =	sadd.s32 s3, s9;
	s6 =	sadd.s32 @!p0 $0x88, s6;
	s7 =	simm.s32 @p2 $0x1082  }
0x22: {  	[simem:s7], [sflag:s8] =	dma.local @!p0 [hbm:s6], $0xF7A  }
0x23: {  	s9 =	sor.u32 $0xD0000000, s2;
	s6 =	simm.s32 $0x108;
	_ =	swait.ge @!p0 [sflag:s8], $0x0  }
0x24: {  	s3 =	sadd.s32 $0x88, s3;
	s6 =	simm.s32 @!p1 $0x1082;
	[sflag:s4] =	ssyncset.s32 $0xFFFFF086  }
0x25: {  	[simem:s6], [sflag:s4] =	dma.local [hbm:s3], $0xF7A  }
0x26: {  	[smem:$0x3F9F] =	sst s1;
	(tag) =	ssettag s2;
	_ =	strace s9  }
0x27: {  	s1 =	sld [smem:$0x3FAF]  }
0x28: {  	s2 =	sld [smem:$0x3FB0]  }
0x29: {  	s4 =	sld [smem:$0x3FB2]  }
0x2a: {  	p0 =	seq.s32 s5, $0x0;
	s5 =	sld [smem:$0x3FB3]  }
0x2b: {  	s6 =	sld [smem:$0x3FB4]  }
0x2c: {  	s7 =	sld [smem:$0x3FB5]  }
0x2d: {  	s3 =	simm.s32 $0x108;
	s8 =	sld [smem:$0x3FB6]  }
0x2e: {  	s3 =	simm.s32 @!p0 $0x1082;
	s9 =	sld [smem:$0x3FB7]  }
0x2f: {  	lr =	sadd.s32 s0, s3;
	s0 =	sld [smem:$0x3FAE]  }
0x30: {  	s3 =	sld [smem:$0x3FB1]  }
0x31: {  	[smem:$0x3FBA] =	sst s10  }
0x32: {  	s10 =	sld [smem:$0x3FB8];
	_ =	sdelay $0x3  }
0x33: {  	p0 =	seq.s32 s10, $0x1;
	s10 =	sld [smem:$0x3FBA];
	_ =	sdelay $0x3  }
0x34: {  	[smem:$0x3FBA] =	sst s10  }
0x35: {  	s10 =	sld [smem:$0x3FB9];
	_ =	sdelay $0x3  }
0x36: {  	p1 =	seq.s32 s10, $0x1;
	s10 =	sld [smem:$0x3FBA];
	_ =	sdelay $0x3  }
0x37: {  	[smem:$0x3FBA] =	sst s10  }
0x38: {  	s10 =	sld [smem:$0x3FBB]  }
0x39: {  	_ = 	snop;
	(pc) =	sbr.ind lr, $3  }
0x3a: {  	_ = 	snop  }
0x3b: {  	_ = 	snop  }
0x3c: {  	p2 =	seq.s32 s10, $0x1;
	s10 =	sld [smem:$0x3FBA]  }
0x3d: {  	_ =	shalt  }
0x3e: {  	_ =	shalt  }
0x3f: {  	_ =	shalt  }
0x40: {  	_ =	shalt  }
0x41: {  	_ =	shalt  }
0x42: {  	_ =	shalt  }
0x43: {  	_ =	shalt  }
0x44: {  	_ =	shalt  }
0x45: {  	_ =	shalt  }
0x46: {  	_ =	shalt  }
0x47: {  	_ =	shalt  }
0x48: {  	_ =	shalt  }
0x49: {  	_ =	shalt  }
0x4a: {  	_ =	shalt  }
0x4b: {  	_ =	shalt  }
0x4c: {  	_ =	shalt  }
0x4d: {  	_ =	shalt  }
0x4e: {  	_ =	shalt  }
0x4f: {  	_ =	shalt  }
0x50: {  	_ =	shalt  }
0x51: {  	_ =	shalt  }
0x52: {  	_ =	shalt  }
0x53: {  	_ =	shalt  }
0x54: {  	_ =	shalt  }
0x55: {  	_ =	shalt  }
0x56: {  	_ =	shalt  }
0x57: {  	_ =	shalt  }
0x58: {  	_ =	shalt  }
0x59: {  	_ =	shalt  }
0x5a: {  	_ =	shalt  }
0x5b: {  	_ =	shalt  }
0x5c: {  	_ =	shalt  }
0x5d: {  	_ =	shalt  }
0x5e: {  	_ =	shalt  }
0x5f: {  	_ =	shalt  }
0x60: {  	_ =	shalt  }
0x61: {  	_ =	shalt  }
0x62: {  	_ =	shalt  }
0x63: {  	_ =	shalt  }
0x64: {  	_ =	shalt  }
0x65: {  	_ =	shalt  }
0x66: {  	_ =	shalt  }
0x67: {  	_ =	shalt  }
0x68: {  	_ =	shalt  }
0x69: {  	_ =	shalt  }
0x6a: {  	_ =	shalt  }
0x6b: {  	_ =	shalt  }
0x6c: {  	_ =	shalt  }
0x6d: {  	_ =	shalt  }
0x6e: {  	_ =	shalt  }
0x6f: {  	_ =	shalt  }
0x70: {  	_ =	shalt  }
0x71: {  	_ =	shalt  }
0x72: {  	_ =	shalt  }
0x73: {  	_ =	shalt  }
0x74: {  	_ =	shalt  }
0x75: {  	_ =	shalt  }
0x76: {  	_ =	shalt  }
0x77: {  	_ =	shalt  }
0x78: {  	_ =	shalt  }
0x79: {  	_ =	shalt  }
0x7a: {  	_ =	shalt  }
0x7b: {  	_ =	shalt  }
0x7c: {  	_ =	shalt  }
0x7d: {  	_ =	shalt  }
0x7e: {  	_ =	shalt  }
0x7f: {  	_ =	shalt  }
0x80: {  	_ =	shalt  }
0x81: {  	_ =	shalt  }
0x82: {  	_ =	shalt  }
0x83: {  	_ =	shalt  }
0x84: {  	_ =	shalt  }
0x85: {  	_ =	shalt  }
0x86: {  	_ =	shalt  }
0x87: {  	_ =	shalt  }
.Lfunc_end0:
.L_simem_size_0:
called_computation.1_lowered:
.L_overlay_start_0:
0x88: {  	s2 =	sld [smem:$0x3FD9]  }
0x89: {  	s3 =	sld [smem:$0x3FFE];
	_ =	sdelay $0x1  }
0x8a: {  	s1 =	srdreg.scid  }
0x8b: {  	s0 =	sand.u32 $0x1, s1  }
0x8c: {  	s17 =	sshll.u32 s0, $0xA;
	s2 =	sadd.s32 s3, s2  }
0x8d: {  	s2 =	sadd.s32 s2, s17  }
0x8e: {  	[smem:$0x3FC6] =	sst s2  }
0x8f: {  	_ = 	snop  }
0x90: {  	s2 =	sld [smem:$0x3FC8]  }
0x91: {  	s18 =	sld [smem:$0x3FD0];
	(tm) =	ssettm $0x1  }
0x92: {  	s4 =	sld [smem:$0x3FFB];
	_ =	sdelay $0x3  }
0x93: {  	_ =	strace s4  }
0x94: {  	s4 =	sld [smem:$0x3FFC];
	_ =	sdelay $0x3  }
0x95: {  	_ =	strace s4  }
0x96: {  	s4 =	sld [smem:$0x3FFD];
	_ =	sdelay $0x3  }
0x97: {  	_ =	strace s4  }
0x98: {  	_ =	strace $0x8FFFFFFF  }
0x99: {  	s19 =	sld [smem:$0x3FDB];
	_ =	sdelay $0x1  }
0x9a: {  	s5 =	simm.s32 $_scs_section_size  }
0x9b: {  	s6 =	simm.s32 $_size__tile_overlayer_lowered;
	s7 =	simm.s32 $_tile_overlayer_lowered  }
0x9c: {  	s22 =	simm.s32 $0x1BFF;
	s21 =	sshll.u32 s7, $0x1;
	s4 =	sadd.s32 s5, s19  }
0x9d: {  	s8 =	simm.s32 $0x0;
	s20 =	sshll.u32 s6, $0x1;
	s6 =	sadd.s32 s21, s4  }
0x9e: {  	[timem:s8], [sflag:s22] =	dma.local [hbm:s6], s20  }
0x9f: {  	_ =	swait.ge [sflag:s22], s20  }
0xa0: {  	s5 =	ssub.s32 $0x0, s20;
	[sflag:s22] =	ssyncset.done $0x0  }
0xa1: {  	[sflag:s22] =	ssyncadd.s32 s5;
	_ =	sdelay $0x1  }
0xa2: {  	s23 =	simm.s32 $0x1B8B  }
0xa3: {  	_ =	swait.ge [sflag:s23], $0x1  }
0xa4: {  	[sflag:s23] =	ssyncset.done $0x0  }
0xa5: {  	s25 =	simm.s32 $0x1B8E;
	s24 =	sld [smem:$0x3FFE];
	[sflag:s23] =	ssyncadd.s32 $0xFFFFFFFF  }
0xa6: {  	s26 =	simm.s32 $execute0_lowered;
	[smem:$0x3FD2] =	sst s25  }
0xa7: {  	s6 =	sshll.u32 s26, $0x1;
	_ =	strace $0x80000046;
	[dreg:$0x1] =	wrdreg $0xFFFFFFFF  }
0xa8: {  	s28 =	simm.s32 $_size_execute0_lowered;
	s4 =	sadd.s32 s4, s6;
	[dreg:$0x0] =	wrdreg $0x0  }
0xa9: {  	s6 =	sshll.u32 s28, $0x1;
	[dreg:$0x2] =	wrdreg s4  }
0xaa: {  	[dreg:$0x3] =	wrdreg s6  }
0xab: {  	[dreg:$0x4] =	wrdreg $0xC0  }
0xac: {  	_ =	task [dreg:s8], $0x5FFFF  }
0xad: {  	[dreg:$0x1] =	wrdreg $0xFFFFFFFF  }
0xae: {  	[dreg:$0x0] =	wrdreg $0x60  }
0xaf: {  	[dreg:$0x2] =	wrdreg s24  }
0xb0: {  	[dreg:$0x3] =	wrdreg s2  }
0xb1: {  	[dreg:$0x4] =	wrdreg s18  }
0xb2: {  	[dreg:$0x5] =	wrdreg $0x9  }
0xb3: {  	_ =	task.clear_ibuf [dreg:s8], $0x6FFFF;
	_ =	strace $0x90000046  }
0xb4: {  	s29 =	simm.s32 $0x9;
	_ =	strace $0x80000048  }
0xb5: {  	_ =	swait.ge [sflag:s29], $0x1  }
0xb6: {  	[sflag:s29] =	ssyncadd.s32 $0xFFFFFFFF  }
0xb7: {  	_ =	strace $0x90000048  }
0xb8: {  	_ =	sfence  }
0xb9: {  	s30 =	sld [smem:$0x0];
	_ =	sdelay $0x2  }
0xba: {  	s31 =	sshll.u32 s1, $0xD;
	s1 =	sshrl.u32 s1, $0x2  }
0xbb: {  	s3 =	sand.u32 $0x4000, s31;
	s1 =	sadd.s32 s1, s30  }
0xbc: {  	s0 =	sor.u32 s3, s0;
	s1 =	sshll.u32 s1, $0x11  }
0xbd: {  	s0 =	sor.u32 s1, s0  }
0xbe: {  	s0 =	sadd.s32 $0x8F2B, s0  }
0xbf: {  	[sflag:s0] =	ssyncadd.remote.s32 $0x1  }
0xc0: {  	_ =	sfence.sel $0xFFFF  }
0xc1: {  	[dreg:$0x0] =	wrdreg $0xFFFFFFFF;
	(pc) =	sbr.abs _section_cstart, $3  }
0xc2: {  	[dreg:$0x1] =	wrdreg $0xFFFFFFFF  }
0xc3: {  	_ =	task.clear_ibuf [dreg:s8], $0x2FFFF;
	_ =	strace $0x9FFFFFFF  }
0xc4: {  	(tm) =	ssettm $0x7FFFFFFF  }
0xc5: {  	_ =	shalt  }
tec
execute0_lowered:
.L_overlay_start_1:
0x0: {  	(tag) =	ssettag $0x1  }
0x1: {  	s1 =	srdreg.scid;
	s9 =	stileid.u32  }
0x2: {  	s1 =	sand.u32 $0x1, s1;
	s3 =	sshll.u32 s9, $0x1  }
0x3: {  	s0 =	rddreg [dreg:$0x0];
	s5 =	sor.u32 s1, s3  }
0x4: {  	s2 =	rddreg [dreg:$0x1];
	s6 =	smul.u32 $0x1900, s5  }
0x5: {  	s4 =	rddreg [dreg:$0x2];
	s3 =	simm.s32 $0x0;
	s7 =	smul.u32 $0x19000, s5  }
0x6: {  	s8 =	ssub.s32 $0x2, s1;
	[smem:$0x7FF] =	sst s3;
	s5 =	smul.u32 $0xC8000, s5  }
0x7: {  	_ =	strace $0x80000047;
	s6 =	sshrl.u32 s6, $0x3;
	s7 =	sadd.s32 s4, s7  }
0x8: {  	s5 =	sshrl.u32 s5, $0x3;
	s23 =	sadd.s32 $0x400, s7;
	[dreg:$0x4] =	wrdreg s7  }
0x9: {  	s0 =	sadd.s32 s6, s0;
	s25 =	sadd.s32 $0x800, s7;
	[dreg:$0x6] =	wrdreg s23  }
0xa: {  	s24 =	sadd.s32 s4, s5;
	s0 =	sadd.s32 $0x800, s0;
	[dreg:$0x7] =	wrdreg s25  }
0xb: {  	s22 =	sshrl.u32 s8, $0x1;
	s26 =	sadd.s32 $0x1000, s24;
	[dreg:$0x5] =	wrdreg s0  }
0xc: {  	s6 =	ssub.s32 s8, s22;
	s8 =	sadd.s32 $0x1400, s24;
	[dreg:$0x8] =	wrdreg s26  }
0xd: {  	s10 =	sadd.s32 $0x1800, s24;
	[dreg:$0x9] =	wrdreg s8  }
0xe: {  	s11 =	sadd.s32 $0x1C00, s24;
	[dreg:$0xa] =	wrdreg s10  }
0xf: {  	s12 =	sadd.s32 $0x2000, s24;
	[dreg:$0xb] =	wrdreg s11  }
0x10: {  	s29 =	simm.s32 $0x40;
	s13 =	sadd.s32 $0x2400, s24;
	[dreg:$0xc] =	wrdreg s12  }
0x11: {  	s28 =	simm.s32 $0xA;
	s14 =	sadd.s32 $0x16800, s24;
	[dreg:$0xd] =	wrdreg s13  }
0x12: {  	s30 =	simm.s32 $0x13;
	s15 =	sadd.s32 $0x16C00, s24;
	[dreg:$0xe] =	wrdreg s14  }
0x13: {  	s31 =	simm.s32 $0x14;
	s16 =	sadd.s32 $0x17000, s24;
	[dreg:$0xf] =	wrdreg s15  }
0x14: {  	s18 =	smul.u32 $0x32000, s9;
	s17 =	sadd.s32 $0x17400, s24;
	[dreg:$0x10] =	wrdreg s16  }
0x15: {  	s1 =	smul.u32 $0x19000, s1;
	s19 =	sadd.s32 $0x17800, s24;
	[dreg:$0x11] =	wrdreg s17  }
0x16: {  	s4 =	sadd.s32 s18, s4;
	s20 =	sadd.s32 $0x17C00, s24;
	[dreg:$0x12] =	wrdreg s19  }
0x17: {  	s18 =	simm.s32 $0xD;
	s21 =	sadd.s32 $0x18000, s24;
	[dreg:$0x13] =	wrdreg s20  }
0x18: {  	s22 =	sadd.s32 $0x18400, s24;
	s1 =	sadd.s32 s1, s4;
	[dreg:$0x14] =	wrdreg s21  }
0x19: {  	s23 =	sadd.s32 $0x18800, s24;
	s4 =	simm.s32 $0x11;
	[dreg:$0x15] =	wrdreg s22  }
0x1a: {  	[dreg:$0x16] =	wrdreg s23;
	s0 =	sadd.s32 $0x18C00, s24;
	s24 =	smax.u32 s6, $0x1  }
0x1b: {  	s25 =	sadd.s32 $0x4C00, s1;
	s26 =	sadd.s32 $0xC00, s7;
	[dreg:$0x17] =	wrdreg s0  }
0x1c: {  	s19 =	simm.s32 $0x6;
	s20 =	simm.s32 $0xE;
	[dreg:$0x18] =	wrdreg s24  }
0x1d: {  	s21 =	simm.s32 $0x7;
	s22 =	simm.s32 $0xF;
	[dreg:$0x19] =	wrdreg s25  }
0x1e: {  	s23 =	simm.s32 $0x8;
	s1 =	simm.s32 $0x0;
	[dreg:$0x1a] =	wrdreg s26  }
0x1f: {  	s24 =	simm.s32 $0x10;
	s26 =	simm.s32 $0x9;
	s25 =	simm.s32 $0x12  }
.LBB2_1:
0x20: {  	[dreg:$0x1b] =	wrdreg s1  }
0x21: {  	s0 =	rddreg [dreg:$0x5];
	s5 =	simm.s32 $0x15  }
0x22: {  	[tilespmem:s3], [sflag:$0x15] =	stream.linear.gather [hbm4b:s0+s3], $0x1900, $0x38;
	[tilespmem:$0x15900] =	vst v63  }
0x23: {  	_ =	swait.ge [sflag:s5], $0x1900  }
0x24: {  	[sflag:s5] =	ssyncset.done $0x0  }
0x25: {  	s10 =	simm.s32 $0x1900;
	[sflag:s5] =	ssyncadd.s32 $0xFFFFE700  }
0x26: {  	[tilespmem:s10], [sflag:$0x1] =	stream.indirect.gather [hbm4b:s2+s29], $0x80, s3, s29, $0xb8;
	[tilespmem:$0x15900] =	vst v63  }
0x27: {  	s11 =	simm.s32 $0x3900  }
0x28: {  	[tilespmem:s11], [sflag:$0x2] =	stream.indirect.gather [hbm4b:s2+s29], $0x80, s29, s29, $0xb8;
	[tilespmem:$0x15900] =	vst v63  }
0x29: {  	s6 =	simm.s32 $0x80;
	s12 =	simm.s32 $0x5900  }
0x2a: {  	[tilespmem:s12], [sflag:$0x3] =	stream.indirect.gather [hbm4b:s2+s29], $0x80, s6, s29, $0xb8;
	[tilespmem:$0x15900] =	vst v63  }
0x2b: {  	s7 =	simm.s32 $0xC0;
	s13 =	simm.s32 $0x7900  }
0x2c: {  	[tilespmem:s13], [sflag:$0x4] =	stream.indirect.gather [hbm4b:s2+s29], $0x80, s7, s29, $0xb8;
	[tilespmem:$0x15900] =	vst v63  }
0x2d: {  	s8 =	simm.s32 $0x100;
	s9 =	simm.s32 $0x9900  }
0x2e: {  	[tilespmem:s9], [sflag:$0x5] =	stream.indirect.gather [hbm4b:s2+s29], $0x80, s8, s29, $0xb8;
	[tilespmem:$0x15900] =	vst v63  }
0x2f: {  	s14 =	simm.s32 $0x140;
	s15 =	simm.s32 $0xB900  }
0x30: {  	[tilespmem:s15], [sflag:$0x6] =	stream.indirect.gather [hbm4b:s2+s29], $0x80, s14, s29, $0xb8;
	[tilespmem:$0x15900] =	vst v63  }
0x31: {  	s16 =	simm.s32 $0x180;
	s17 =	simm.s32 $0xD900  }
0x32: {  	[tilespmem:s17], [sflag:$0x7] =	stream.indirect.gather [hbm4b:s2+s29], $0x80, s16, s29, $0xb8;
	[tilespmem:$0x15900] =	vst v63  }
0x33: {  	s1 =	simm.s32 $0x1C0;
	s5 =	simm.s32 $0xF900  }
0x34: {  	[tilespmem:s5], [sflag:$0x8] =	stream.indirect.gather [hbm4b:s2+s29], $0x80, s1, s29, $0xb8;
	[tilespmem:$0x15900] =	vst v63  }
0x35: {  	s1 =	simm.s32 $0x1  }
0x36: {  	_ =	swait.ge [sflag:s1], $0x2000  }
0x37: {  	[sflag:s1] =	ssyncset.done $0x0  }
0x38: {  	s7 =	rddreg [dreg:$0x4];
	[sflag:s1] =	ssyncadd.s32 $0xFFFFE000  }
0x39: {  	[hbm4b:s7+s3] =	stream.linear.scatter [tilespmem:s10], [sflag:$0xB], $0x2000, $0x38;
	[tilespmem:$0x15900] =	vst v63  }
0x3a: {  	s8 =	simm.s32 $0x200;
	s14 =	simm.s32 $0x2;
	s5 =	simm.s32 $0x11900  }
0x3b: {  	[tilespmem:s5], [sflag:$0x9] =	stream.indirect.gather [hbm4b:s2+s29], $0x80, s8, s29, $0xb8;
	[tilespmem:$0x15900] =	vst v63  }
0x3c: {  	_ =	swait.ge [sflag:s14], $0x2000  }
0x3d: {  	[sflag:s14] =	ssyncset.done $0x0  }
0x3e: {  	s9 =	rddreg [dreg:$0x6];
	[sflag:s14] =	ssyncadd.s32 $0xFFFFE000  }
0x3f: {  	[hbm4b:s9+s3] =	stream.linear.scatter [tilespmem:s11], [sflag:$0xC], $0x2000, $0x38;
	[tilespmem:$0x15900] =	vst v63  }
0x40: {  	s16 =	simm.s32 $0x240;
	s17 =	simm.s32 $0x13900  }
0x41: {  	[tilespmem:s17], [sflag:$0xA] =	stream.indirect.gather [hbm4b:s2+s29], $0x80, s16, s29, $0xb8;
	[tilespmem:$0x15900] =	vst v63  }
0x42: {  	s16 =	simm.s32 $0x3  }
0x43: {  	_ =	swait.ge [sflag:s16], $0x2000  }
0x44: {  	[sflag:s16] =	ssyncset.done $0x0  }
0x45: {  	s17 =	simm.s32 $0xB;
	s5 =	rddreg [dreg:$0x7];
	[sflag:s16] =	ssyncadd.s32 $0xFFFFE000  }
0x46: {  	[hbm4b:s5+s3] =	stream.linear.scatter [tilespmem:s12], [sflag:$0xD], $0x2000, $0x38;
	[tilespmem:$0x15900] =	vst v63  }
0x47: {  	_ =	swait.ge [sflag:s17], $0x2000  }
0x48: {  	[sflag:s17] =	ssyncset.done $0x0  }
0x49: {  	s7 =	simm.s32 $0x280;
	[sflag:s17] =	ssyncadd.s32 $0xFFFFE000  }
0x4a: {  	[tilespmem:s10], [sflag:$0x1] =	stream.indirect.gather [hbm4b:s2+s29], $0x80, s7, s29, $0xb8;
	[tilespmem:$0x15900] =	vst v63  }
0x4b: {  	s7 =	simm.s32 $0x4  }
0x4c: {  	_ =	swait.ge [sflag:s7], $0x2000  }
0x4d: {  	[sflag:s7] =	ssyncset.done $0x0  }
0x4e: {  	s8 =	rddreg [dreg:$0x1a];
	[sflag:s7] =	ssyncadd.s32 $0xFFFFE000  }
0x4f: {  	[hbm4b:s8+s3] =	stream.linear.scatter [tilespmem:s13], [sflag:$0xE], $0x2000, $0x38;
	[tilespmem:$0x15900] =	vst v63  }
0x50: {  	s8 =	simm.s32 $0xC  }
0x51: {  	_ =	swait.ge [sflag:s8], $0x2000  }
0x52: {  	[sflag:s8] =	ssyncset.done $0x0  }
0x53: {  	s9 =	simm.s32 $0x2C0;
	[sflag:s8] =	ssyncadd.s32 $0xFFFFE000  }
0x54: {  	[tilespmem:s11], [sflag:$0x2] =	stream.indirect.gather [hbm4b:s2+s29], $0x80, s9, s29, $0xb8;
	[tilespmem:$0x15900] =	vst v63  }
0x55: {  	s9 =	simm.s32 $0x5  }
0x56: {  	_ =	swait.ge [sflag:s9], $0x2000  }
0x57: {  	[sflag:s9] =	ssyncset.done $0x0  }
0x58: {  	s6 =	simm.s32 $0x9900;
	s5 =	rddreg [dreg:$0x8];
	[sflag:s9] =	ssyncadd.s32 $0xFFFFE000  }
0x59: {  	[hbm4b:s5+s3] =	stream.linear.scatter [tilespmem:s6], [sflag:$0xF], $0x2000, $0x38;
	[tilespmem:$0x15900] =	vst v63  }
0x5a: {  	_ =	swait.ge [sflag:s18], $0x2000  }
0x5b: {  	[sflag:s18] =	ssyncset.done $0x0  }
0x5c: {  	s5 =	simm.s32 $0x300;
	[sflag:s18] =	ssyncadd.s32 $0xFFFFE000  }
0x5d: {  	[tilespmem:s12], [sflag:$0x3] =	stream.indirect.gather [hbm4b:s2+s29], $0x80, s5, s29, $0xb8;
	[tilespmem:$0x15900] =	vst v63  }
0x5e: {  	_ =	swait.ge [sflag:s19], $0x2000  }
0x5f: {  	[sflag:s19] =	ssyncset.done $0x0  }
0x60: {  	s5 =	simm.s32 $0xB900;
	s0 =	rddreg [dreg:$0x9];
	[sflag:s19] =	ssyncadd.s32 $0xFFFFE000  }
0x61: {  	[hbm4b:s0+s3] =	stream.linear.scatter [tilespmem:s5], [sflag:$0x10], $0x2000, $0x38;
	[tilespmem:$0x15900] =	vst v63  }
0x62: {  	_ =	swait.ge [sflag:s20], $0x2000  }
0x63: {  	[sflag:s20] =	ssyncset.done $0x0  }
0x64: {  	s0 =	simm.s32 $0x340;
	[sflag:s20] =	ssyncadd.s32 $0xFFFFE000  }
0x65: {  	[tilespmem:s13], [sflag:$0x4] =	stream.indirect.gather [hbm4b:s2+s29], $0x80, s0, s29, $0xb8;
	[tilespmem:$0x15900] =	vst v63  }
0x66: {  	_ =	swait.ge [sflag:s21], $0x2000  }
0x67: {  	[sflag:s21] =	ssyncset.done $0x0  }
0x68: {  	s15 =	simm.s32 $0xD900;
	s0 =	rddreg [dreg:$0xa];
	[sflag:s21] =	ssyncadd.s32 $0xFFFFE000  }
0x69: {  	[hbm4b:s0+s3] =	stream.linear.scatter [tilespmem:s15], [sflag:$0x11], $0x2000, $0x38;
	[tilespmem:$0x15900] =	vst v63  }
0x6a: {  	_ =	swait.ge [sflag:s22], $0x2000  }
0x6b: {  	[sflag:s22] =	ssyncset.done $0x0  }
0x6c: {  	s0 =	simm.s32 $0x380;
	[sflag:s22] =	ssyncadd.s32 $0xFFFFE000  }
0x6d: {  	[tilespmem:s6], [sflag:$0x5] =	stream.indirect.gather [hbm4b:s2+s29], $0x80, s0, s29, $0xb8;
	[tilespmem:$0x15900] =	vst v63  }
0x6e: {  	_ =	swait.ge [sflag:s23], $0x2000  }
0x6f: {  	[sflag:s23] =	ssyncset.done $0x0  }
0x70: {  	s6 =	simm.s32 $0xF900;
	s0 =	rddreg [dreg:$0xb];
	[sflag:s23] =	ssyncadd.s32 $0xFFFFE000  }
0x71: {  	[hbm4b:s0+s3] =	stream.linear.scatter [tilespmem:s6], [sflag:$0x12], $0x2000, $0x38;
	[tilespmem:$0x15900] =	vst v63  }
0x72: {  	_ =	swait.ge [sflag:s24], $0x2000  }
0x73: {  	[sflag:s24] =	ssyncset.done $0x0  }
0x74: {  	s0 =	simm.s32 $0x3C0;
	[sflag:s24] =	ssyncadd.s32 $0xFFFFE000  }
0x75: {  	[tilespmem:s5], [sflag:$0x6] =	stream.indirect.gather [hbm4b:s2+s29], $0x80, s0, s29, $0xb8;
	[tilespmem:$0x15900] =	vst v63  }
0x76: {  	_ =	swait.ge [sflag:s26], $0x2000  }
0x77: {  	[sflag:s26] =	ssyncset.done $0x0  }
0x78: {  	s5 =	simm.s32 $0x11900;
	s0 =	rddreg [dreg:$0xc];
	[sflag:s26] =	ssyncadd.s32 $0xFFFFE000  }
0x79: {  	[hbm4b:s0+s3] =	stream.linear.scatter [tilespmem:s5], [sflag:$0x13], $0x2000, $0x38;
	[tilespmem:$0x15900] =	vst v63  }
0x7a: {  	_ =	swait.ge [sflag:s4], $0x2000  }
0x7b: {  	[sflag:s4] =	ssyncset.done $0x0  }
0x7c: {  	s0 =	simm.s32 $0x400;
	[sflag:s4] =	ssyncadd.s32 $0xFFFFE000  }
0x7d: {  	[tilespmem:s15], [sflag:$0x7] =	stream.indirect.gather [hbm4b:s2+s29], $0x80, s0, s29, $0xb8;
	[tilespmem:$0x15900] =	vst v63  }
0x7e: {  	_ =	swait.ge [sflag:s28], $0x2000  }
0x7f: {  	[sflag:s28] =	ssyncset.done $0x0  }
0x80: {  	s15 =	simm.s32 $0x13900;
	s0 =	rddreg [dreg:$0xd];
	[sflag:s28] =	ssyncadd.s32 $0xFFFFE000  }
0x81: {  	[hbm4b:s0+s3] =	stream.linear.scatter [tilespmem:s15], [sflag:$0x14], $0x2000, $0x38;
	[tilespmem:$0x15900] =	vst v63  }
0x82: {  	_ =	swait.ge [sflag:s25], $0x2000  }
0x83: {  	[sflag:s25] =	ssyncset.done $0x0  }
0x84: {  	s15 =	simm.s32 $0x440;
	[sflag:s25] =	ssyncadd.s32 $0xFFFFE000  }
0x85: {  	[tilespmem:s6], [sflag:$0x8] =	stream.indirect.gather [hbm4b:s2+s29], $0x80, s15, s29, $0xb8;
	[tilespmem:$0x15900] =	vst v63  }
0x86: {  	_ =	swait.ge [sflag:s1], $0x2000  }
0x87: {  	[sflag:s1] =	ssyncset.done $0x0  }
0x88: {  	[sflag:s1] =	ssyncadd.s32 $0xFFFFE000;
	s1 =	rddreg [dreg:$0x19]  }
0x89: {  	s15 =	sadd.s32 $0xFFFFDC00, s1  }
0x8a: {  	[hbm4b:s15+s3] =	stream.linear.scatter [tilespmem:s10], [sflag:$0xB], $0x2000, $0x38;
	[tilespmem:$0x15900] =	vst v63  }
0x8b: {  	_ =	swait.ge [sflag:s30], $0x2000  }
0x8c: {  	[sflag:s30] =	ssyncset.done $0x0  }
0x8d: {  	s6 =	simm.s32 $0x480;
	[sflag:s30] =	ssyncadd.s32 $0xFFFFE000  }
0x8e: {  	[tilespmem:s5], [sflag:$0x9] =	stream.indirect.gather [hbm4b:s2+s29], $0x80, s6, s29, $0xb8;
	[tilespmem:$0x15900] =	vst v63  }
0x8f: {  	_ =	swait.ge [sflag:s14], $0x2000  }
0x90: {  	[sflag:s14] =	ssyncset.done $0x0  }
0x91: {  	[sflag:s14] =	ssyncadd.s32 $0xFFFFE000;
	s14 =	sadd.s32 $0xFFFFE000, s1  }
0x92: {  	[hbm4b:s14+s3] =	stream.linear.scatter [tilespmem:s11], [sflag:$0xC], $0x2000, $0x38;
	[tilespmem:$0x15900] =	vst v63  }
0x93: {  	_ =	swait.ge [sflag:s31], $0x2000  }
0x94: {  	[sflag:s31] =	ssyncset.done $0x0  }
0x95: {  	s5 =	simm.s32 $0x4C0;
	s6 =	simm.s32 $0x13900;
	[sflag:s31] =	ssyncadd.s32 $0xFFFFE000  }
0x96: {  	[tilespmem:s6], [sflag:$0xA] =	stream.indirect.gather [hbm4b:s2+s29], $0x80, s5, s29, $0xb8;
	[tilespmem:$0x15900] =	vst v63  }
0x97: {  	_ =	swait.ge [sflag:s16], $0x2000  }
0x98: {  	[sflag:s16] =	ssyncset.done $0x0  }
0x99: {  	s5 =	sadd.s32 $0xFFFFE400, s1;
	[sflag:s16] =	ssyncadd.s32 $0xFFFFE000  }
0x9a: {  	[hbm4b:s5+s3] =	stream.linear.scatter [tilespmem:s12], [sflag:$0xD], $0x2000, $0x38;
	[tilespmem:$0x15900] =	vst v63  }
0x9b: {  	_ =	swait.ge [sflag:s17], $0x2000  }
0x9c: {  	[sflag:s17] =	ssyncset.done $0x0  }
0x9d: {  	s6 =	simm.s32 $0x500;
	[sflag:s17] =	ssyncadd.s32 $0xFFFFE000  }
0x9e: {  	[tilespmem:s10], [sflag:$0x1] =	stream.indirect.gather [hbm4b:s2+s29], $0x80, s6, s29, $0xb8;
	[tilespmem:$0x15900] =	vst v63  }
0x9f: {  	_ =	swait.ge [sflag:s7], $0x2000  }
0xa0: {  	[sflag:s7] =	ssyncset.done $0x0  }
0xa1: {  	s16 =	sadd.s32 $0xFFFFE800, s1;
	[sflag:s7] =	ssyncadd.s32 $0xFFFFE000  }
0xa2: {  	[hbm4b:s16+s3] =	stream.linear.scatter [tilespmem:s13], [sflag:$0xE], $0x2000, $0x38;
	[tilespmem:$0x15900] =	vst v63  }
0xa3: {  	_ =	swait.ge [sflag:s8], $0x2000  }
0xa4: {  	[sflag:s8] =	ssyncset.done $0x0  }
0xa5: {  	s17 =	simm.s32 $0x540;
	[sflag:s8] =	ssyncadd.s32 $0xFFFFE000  }
0xa6: {  	[tilespmem:s11], [sflag:$0x2] =	stream.indirect.gather [hbm4b:s2+s29], $0x80, s17, s29, $0xb8;
	[tilespmem:$0x15900] =	vst v63  }
0xa7: {  	_ =	swait.ge [sflag:s9], $0x2000  }
0xa8: {  	[sflag:s9] =	ssyncset.done $0x0  }
0xa9: {  	s5 =	sadd.s32 $0xFFFFEC00, s1;
	s6 =	simm.s32 $0x9900;
	[sflag:s9] =	ssyncadd.s32 $0xFFFFE000  }
0xaa: {  	[hbm4b:s5+s3] =	stream.linear.scatter [tilespmem:s6], [sflag:$0xF], $0x2000, $0x38;
	[tilespmem:$0x15900] =	vst v63  }
0xab: {  	_ =	swait.ge [sflag:s18], $0x2000  }
0xac: {  	[sflag:s18] =	ssyncset.done $0x0  }
0xad: {  	s11 =	simm.s32 $0x580;
	[sflag:s18] =	ssyncadd.s32 $0xFFFFE000  }
0xae: {  	[tilespmem:s12], [sflag:$0x3] =	stream.indirect.gather [hbm4b:s2+s29], $0x80, s11, s29, $0xb8;
	[tilespmem:$0x15900] =	vst v63  }
0xaf: {  	_ =	swait.ge [sflag:s19], $0x2000  }
0xb0: {  	[sflag:s19] =	ssyncset.done $0x0  }
0xb1: {  	s16 =	sadd.s32 $0xFFFFF000, s1;
	s17 =	simm.s32 $0xB900;
	[sflag:s19] =	ssyncadd.s32 $0xFFFFE000  }
0xb2: {  	[hbm4b:s16+s3] =	stream.linear.scatter [tilespmem:s17], [sflag:$0x10], $0x2000, $0x38;
	[tilespmem:$0x15900] =	vst v63  }
0xb3: {  	_ =	swait.ge [sflag:s20], $0x2000  }
0xb4: {  	[sflag:s20] =	ssyncset.done $0x0  }
0xb5: {  	s5 =	simm.s32 $0x5C0;
	[sflag:s20] =	ssyncadd.s32 $0xFFFFE000  }
0xb6: {  	[tilespmem:s13], [sflag:$0x4] =	stream.indirect.gather [hbm4b:s2+s29], $0x80, s5, s29, $0xb8;
	[tilespmem:$0x15900] =	vst v63  }
0xb7: {  	_ =	swait.ge [sflag:s21], $0x2000  }
0xb8: {  	[sflag:s21] =	ssyncset.done $0x0  }
0xb9: {  	s8 =	sadd.s32 $0xFFFFF400, s1;
	s9 =	simm.s32 $0xD900;
	[sflag:s21] =	ssyncadd.s32 $0xFFFFE000  }
0xba: {  	[hbm4b:s8+s3] =	stream.linear.scatter [tilespmem:s9], [sflag:$0x11], $0x2000, $0x38;
	[tilespmem:$0x15900] =	vst v63  }
0xbb: {  	_ =	swait.ge [sflag:s22], $0x2000  }
0xbc: {  	[sflag:s22] =	ssyncset.done $0x0  }
0xbd: {  	s10 =	simm.s32 $0x600;
	[sflag:s22] =	ssyncadd.s32 $0xFFFFE000  }
0xbe: {  	[tilespmem:s6], [sflag:$0x5] =	stream.indirect.gather [hbm4b:s2+s29], $0x80, s10, s29, $0xb8;
	[tilespmem:$0x15900] =	vst v63  }
0xbf: {  	_ =	swait.ge [sflag:s23], $0x2000  }
0xc0: {  	[sflag:s23] =	ssyncset.done $0x0  }
0xc1: {  	s11 =	sadd.s32 $0xFFFFF800, s1;
	s12 =	simm.s32 $0xF900;
	[sflag:s23] =	ssyncadd.s32 $0xFFFFE000  }
0xc2: {  	[hbm4b:s11+s3] =	stream.linear.scatter [tilespmem:s12], [sflag:$0x12], $0x2000, $0x38;
	[tilespmem:$0x15900] =	vst v63  }
0xc3: {  	_ =	swait.ge [sflag:s24], $0x2000  }
0xc4: {  	[sflag:s24] =	ssyncset.done $0x0  }
0xc5: {  	s13 =	simm.s32 $0x640;
	[sflag:s24] =	ssyncadd.s32 $0xFFFFE000  }
0xc6: {  	[tilespmem:s17], [sflag:$0x6] =	stream.indirect.gather [hbm4b:s2+s29], $0x80, s13, s29, $0xb8;
	[tilespmem:$0x15900] =	vst v63  }
0xc7: {  	_ =	swait.ge [sflag:s26], $0x2000  }
0xc8: {  	[sflag:s26] =	ssyncset.done $0x0  }
0xc9: {  	s15 =	simm.s32 $0x11900;
	s16 =	sadd.s32 $0xFFFFFC00, s1;
	[sflag:s26] =	ssyncadd.s32 $0xFFFFE000  }
0xca: {  	[hbm4b:s16+s3] =	stream.linear.scatter [tilespmem:s15], [sflag:$0x13], $0x2000, $0x38;
	[tilespmem:$0x15900] =	vst v63  }
0xcb: {  	_ =	swait.ge [sflag:s4], $0x2000  }
0xcc: {  	[sflag:s4] =	ssyncset.done $0x0  }
0xcd: {  	s17 =	simm.s32 $0x680;
	[sflag:s4] =	ssyncadd.s32 $0xFFFFE000  }
0xce: {  	[tilespmem:s9], [sflag:$0x7] =	stream.indirect.gather [hbm4b:s2+s29], $0x80, s17, s29, $0xb8;
	[tilespmem:$0x15900] =	vst v63  }
0xcf: {  	_ =	swait.ge [sflag:s28], $0x2000  }
0xd0: {  	[sflag:s28] =	ssyncset.done $0x0  }
0xd1: {  	s14 =	simm.s32 $0x13900;
	[sflag:s28] =	ssyncadd.s32 $0xFFFFE000  }
0xd2: {  	[hbm4b:s1+s3] =	stream.linear.scatter [tilespmem:s14], [sflag:$0x14], $0x2000, $0x38;
	[tilespmem:$0x15900] =	vst v63  }
0xd3: {  	_ =	swait.ge [sflag:s25], $0x2000  }
0xd4: {  	s0 =	simm.s32 $0xA00;
	[sflag:s25] =	ssyncset.done $0x0  }
0xd5: {  	s5 =	simm.s32 $0x6C0;
	s1 =	sadd.s32 $0x2800, s1;
	[sflag:s25] =	ssyncadd.s32 $0xFFFFE000  }
.LBB2_2:
0xd6: {  	s15 =	simm.s32 $0xF900  }
0xd7: {  	[tilespmem:s15], [sflag:$0x8] =	stream.indirect.gather [hbm4b:s2+s29], $0x80, s5, s29, $0xb8;
	[tilespmem:$0x15900] =	vst v63  }
0xd8: {  	s6 =	simm.s32 $0x1;
	s5 =	smov.u32 s0  }
0xd9: {  	p0 =	sne.s32 s0, $0x4600;
	s0 =	sadd.s32 $0xA00, s0;
	_ =	swait.ge [sflag:s6], $0x2000  }
0xda: {  	[sflag:s6] =	ssyncset.done $0x0  }
0xdb: {  	s8 =	simm.s32 $0x1900;
	[sflag:s6] =	ssyncadd.s32 $0xFFFFE000;
	s6 =	sadd.s32 $0xFFFFDC00, s1  }
0xdc: {  	[hbm4b:s6+s3] =	stream.linear.scatter [tilespmem:s8], [sflag:$0xB], $0x2000, $0x38;
	[tilespmem:$0x15900] =	vst v63  }
0xdd: {  	_ =	swait.ge [sflag:s30], $0x2000  }
0xde: {  	s5 =	sshra.s32 s5, $0x2;
	[sflag:s30] =	ssyncset.done $0x0  }
0xdf: {  	s16 =	simm.s32 $0x11900;
	s6 =	sadd.s32 $0x480, s5;
	[sflag:s30] =	ssyncadd.s32 $0xFFFFE000  }
0xe0: {  	[tilespmem:s16], [sflag:$0x9] =	stream.indirect.gather [hbm4b:s2+s29], $0x80, s6, s29, $0xb8;
	[tilespmem:$0x15900] =	vst v63  }
0xe1: {  	s6 =	simm.s32 $0x2  }
0xe2: {  	_ =	swait.ge [sflag:s6], $0x2000  }
0xe3: {  	[sflag:s6] =	ssyncset.done $0x0  }
0xe4: {  	s10 =	simm.s32 $0x3900;
	[sflag:s6] =	ssyncadd.s32 $0xFFFFE000;
	s6 =	sadd.s32 $0xFFFFE000, s1  }
0xe5: {  	[hbm4b:s6+s3] =	stream.linear.scatter [tilespmem:s10], [sflag:$0xC], $0x2000, $0x38;
	[tilespmem:$0x15900] =	vst v63  }
0xe6: {  	_ =	swait.ge [sflag:s31], $0x2000  }
0xe7: {  	[sflag:s31] =	ssyncset.done $0x0  }
0xe8: {  	s17 =	simm.s32 $0x13900;
	s6 =	sadd.s32 $0x4C0, s5;
	[sflag:s31] =	ssyncadd.s32 $0xFFFFE000  }
0xe9: {  	[tilespmem:s17], [sflag:$0xA] =	stream.indirect.gather [hbm4b:s2+s29], $0x80, s6, s29, $0xb8;
	[tilespmem:$0x15900] =	vst v63  }
0xea: {  	s6 =	simm.s32 $0x3  }
0xeb: {  	_ =	swait.ge [sflag:s6], $0x2000  }
0xec: {  	[sflag:s6] =	ssyncset.done $0x0  }
0xed: {  	s12 =	simm.s32 $0x5900;
	[sflag:s6] =	ssyncadd.s32 $0xFFFFE000;
	s6 =	sadd.s32 $0xFFFFE400, s1  }
0xee: {  	[hbm4b:s6+s3] =	stream.linear.scatter [tilespmem:s12], [sflag:$0xD], $0x2000, $0x38;
	[tilespmem:$0x15900] =	vst v63  }
0xef: {  	s6 =	simm.s32 $0xB  }
0xf0: {  	_ =	swait.ge [sflag:s6], $0x2000  }
0xf1: {  	[sflag:s6] =	ssyncset.done $0x0  }
0xf2: {  	[sflag:s6] =	ssyncadd.s32 $0xFFFFE000;
	s6 =	sadd.s32 $0x500, s5  }
0xf3: {  	[tilespmem:s8], [sflag:$0x1] =	stream.indirect.gather [hbm4b:s2+s29], $0x80, s6, s29, $0xb8;
	[tilespmem:$0x15900] =	vst v63  }
0xf4: {  	s7 =	simm.s32 $0x1900;
	s6 =	simm.s32 $0x4  }
0xf5: {  	_ =	swait.ge [sflag:s6], $0x2000  }
0xf6: {  	[sflag:s6] =	ssyncset.done $0x0  }
0xf7: {  	s9 =	simm.s32 $0x7900;
	[sflag:s6] =	ssyncadd.s32 $0xFFFFE000;
	s6 =	sadd.s32 $0xFFFFE800, s1  }
0xf8: {  	[hbm4b:s6+s3] =	stream.linear.scatter [tilespmem:s9], [sflag:$0xE], $0x2000, $0x38;
	[tilespmem:$0x15900] =	vst v63  }
0xf9: {  	s6 =	simm.s32 $0xC  }
0xfa: {  	_ =	swait.ge [sflag:s6], $0x2000  }
0xfb: {  	[sflag:s6] =	ssyncset.done $0x0  }
0xfc: {  	[sflag:s6] =	ssyncadd.s32 $0xFFFFE000;
	s6 =	sadd.s32 $0x540, s5  }
0xfd: {  	[tilespmem:s10], [sflag:$0x2] =	stream.indirect.gather [hbm4b:s2+s29], $0x80, s6, s29, $0xb8;
	[tilespmem:$0x15900] =	vst v63  }
0xfe: {  	s8 =	simm.s32 $0x3900;
	s6 =	simm.s32 $0x5  }
0xff: {  	_ =	swait.ge [sflag:s6], $0x2000  }
0x100: {  	[sflag:s6] =	ssyncset.done $0x0  }
0x101: {  	s11 =	simm.s32 $0x9900;
	[sflag:s6] =	ssyncadd.s32 $0xFFFFE000;
	s6 =	sadd.s32 $0xFFFFEC00, s1  }
0x102: {  	[hbm4b:s6+s3] =	stream.linear.scatter [tilespmem:s11], [sflag:$0xF], $0x2000, $0x38;
	[tilespmem:$0x15900] =	vst v63  }
0x103: {  	_ =	swait.ge [sflag:s18], $0x2000  }
0x104: {  	[sflag:s18] =	ssyncset.done $0x0  }
0x105: {  	s10 =	simm.s32 $0x5900;
	s6 =	sadd.s32 $0x580, s5;
	[sflag:s18] =	ssyncadd.s32 $0xFFFFE000  }
0x106: {  	[tilespmem:s12], [sflag:$0x3] =	stream.indirect.gather [hbm4b:s2+s29], $0x80, s6, s29, $0xb8;
	[tilespmem:$0x15900] =	vst v63  }
0x107: {  	_ =	swait.ge [sflag:s19], $0x2000  }
0x108: {  	[sflag:s19] =	ssyncset.done $0x0  }
0x109: {  	s13 =	simm.s32 $0xB900;
	s6 =	sadd.s32 $0xFFFFF000, s1;
	[sflag:s19] =	ssyncadd.s32 $0xFFFFE000  }
0x10a: {  	[hbm4b:s6+s3] =	stream.linear.scatter [tilespmem:s13], [sflag:$0x10], $0x2000, $0x38;
	[tilespmem:$0x15900] =	vst v63  }
0x10b: {  	_ =	swait.ge [sflag:s20], $0x2000  }
0x10c: {  	[sflag:s20] =	ssyncset.done $0x0  }
0x10d: {  	s12 =	simm.s32 $0x7900;
	s6 =	sadd.s32 $0x5C0, s5;
	[sflag:s20] =	ssyncadd.s32 $0xFFFFE000  }
0x10e: {  	[tilespmem:s9], [sflag:$0x4] =	stream.indirect.gather [hbm4b:s2+s29], $0x80, s6, s29, $0xb8;
	[tilespmem:$0x15900] =	vst v63  }
0x10f: {  	_ =	swait.ge [sflag:s21], $0x2000  }
0x110: {  	[sflag:s21] =	ssyncset.done $0x0  }
0x111: {  	s14 =	simm.s32 $0xD900;
	s6 =	sadd.s32 $0xFFFFF400, s1;
	[sflag:s21] =	ssyncadd.s32 $0xFFFFE000  }
0x112: {  	[hbm4b:s6+s3] =	stream.linear.scatter [tilespmem:s14], [sflag:$0x11], $0x2000, $0x38;
	[tilespmem:$0x15900] =	vst v63  }
0x113: {  	_ =	swait.ge [sflag:s22], $0x2000  }
0x114: {  	[sflag:s22] =	ssyncset.done $0x0  }
0x115: {  	s9 =	simm.s32 $0x9900;
	s6 =	sadd.s32 $0x600, s5;
	[sflag:s22] =	ssyncadd.s32 $0xFFFFE000  }
0x116: {  	[tilespmem:s11], [sflag:$0x5] =	stream.indirect.gather [hbm4b:s2+s29], $0x80, s6, s29, $0xb8;
	[tilespmem:$0x15900] =	vst v63  }
0x117: {  	_ =	swait.ge [sflag:s23], $0x2000  }
0x118: {  	[sflag:s23] =	ssyncset.done $0x0  }
0x119: {  	s6 =	sadd.s32 $0xFFFFF800, s1;
	[sflag:s23] =	ssyncadd.s32 $0xFFFFE000  }
0x11a: {  	[hbm4b:s6+s3] =	stream.linear.scatter [tilespmem:s15], [sflag:$0x12], $0x2000, $0x38;
	[tilespmem:$0x15900] =	vst v63  }
0x11b: {  	_ =	swait.ge [sflag:s24], $0x2000  }
0x11c: {  	[sflag:s24] =	ssyncset.done $0x0  }
0x11d: {  	s11 =	simm.s32 $0xB900;
	s6 =	sadd.s32 $0x640, s5;
	[sflag:s24] =	ssyncadd.s32 $0xFFFFE000  }
0x11e: {  	[tilespmem:s13], [sflag:$0x6] =	stream.indirect.gather [hbm4b:s2+s29], $0x80, s6, s29, $0xb8;
	[tilespmem:$0x15900] =	vst v63  }
0x11f: {  	_ =	swait.ge [sflag:s26], $0x2000  }
0x120: {  	[sflag:s26] =	ssyncset.done $0x0  }
0x121: {  	s6 =	sadd.s32 $0xFFFFFC00, s1;
	[sflag:s26] =	ssyncadd.s32 $0xFFFFE000  }
0x122: {  	[hbm4b:s6+s3] =	stream.linear.scatter [tilespmem:s16], [sflag:$0x13], $0x2000, $0x38;
	[tilespmem:$0x15900] =	vst v63  }
0x123: {  	_ =	swait.ge [sflag:s4], $0x2000  }
0x124: {  	[sflag:s4] =	ssyncset.done $0x0  }
0x125: {  	s13 =	simm.s32 $0xD900;
	s6 =	sadd.s32 $0x680, s5;
	[sflag:s4] =	ssyncadd.s32 $0xFFFFE000  }
0x126: {  	[tilespmem:s14], [sflag:$0x7] =	stream.indirect.gather [hbm4b:s2+s29], $0x80, s6, s29, $0xb8;
	[tilespmem:$0x15900] =	vst v63  }
0x127: {  	_ =	swait.ge [sflag:s28], $0x2000  }
0x128: {  	[sflag:s28] =	ssyncset.done $0x0  }
.Ltmp0:
0x129: {  	[sflag:s28] =	ssyncadd.s32 $0xFFFFE000;
	(pc) =	sbr.rel @p0 .LBB2_2-.Ltmp0, $4  }
0x12a: {  	[hbm4b:s1+s3] =	stream.linear.scatter [tilespmem:s17], [sflag:$0x14], $0x2000, $0x38;
	[tilespmem:$0x15900] =	vst v63  }
0x12b: {  	_ =	swait.ge [sflag:s25], $0x2000  }
0x12c: {  	[sflag:s25] =	ssyncset.done $0x0  }
0x12d: {  	s5 =	sadd.s32 $0x6C0, s5;
	s1 =	sadd.s32 $0x2800, s1;
	[sflag:s25] =	ssyncadd.s32 $0xFFFFE000  }
0x12e: {  	s1 =	simm.s32 $0xF900;
	s0 =	simm.s32 $0x1  }
0x12f: {  	[tilespmem:s1], [sflag:$0x8] =	stream.indirect.gather [hbm4b:s2+s29], $0x80, s5, s29, $0xb8;
	[tilespmem:$0x15900] =	vst v63  }
0x130: {  	_ =	swait.ge [sflag:s0], $0x2000  }
0x131: {  	[sflag:s0] =	ssyncset.done $0x0  }
0x132: {  	s16 =	rddreg [dreg:$0xe];
	[sflag:s0] =	ssyncadd.s32 $0xFFFFE000  }
0x133: {  	[hbm4b:s16+s3] =	stream.linear.scatter [tilespmem:s7], [sflag:$0xB], $0x2000, $0x38;
	[tilespmem:$0x15900] =	vst v63  }
0x134: {  	_ =	swait.ge [sflag:s30], $0x2000  }
0x135: {  	s17 =	simm.s32 $0x1880;
	[sflag:s30] =	ssyncset.done $0x0  }
0x136: {  	s6 =	simm.s32 $0x2;
	s5 =	simm.s32 $0x11900;
	[sflag:s30] =	ssyncadd.s32 $0xFFFFE000  }
0x137: {  	[tilespmem:s5], [sflag:$0x9] =	stream.indirect.gather [hbm4b:s2+s29], $0x80, s17, s29, $0xb8;
	[tilespmem:$0x15900] =	vst v63  }
0x138: {  	_ =	swait.ge [sflag:s6], $0x2000  }
0x139: {  	[sflag:s6] =	ssyncset.done $0x0  }
0x13a: {  	s7 =	rddreg [dreg:$0xf];
	[sflag:s6] =	ssyncadd.s32 $0xFFFFE000  }
0x13b: {  	[hbm4b:s7+s3] =	stream.linear.scatter [tilespmem:s8], [sflag:$0xC], $0x2000, $0x38;
	[tilespmem:$0x15900] =	vst v63  }
0x13c: {  	_ =	swait.ge [sflag:s31], $0x2000  }
0x13d: {  	s14 =	simm.s32 $0x3;
	[sflag:s31] =	ssyncset.done $0x0  }
0x13e: {  	s6 =	simm.s32 $0x13900;
	s8 =	simm.s32 $0x18C0;
	[sflag:s31] =	ssyncadd.s32 $0xFFFFE000  }
0x13f: {  	[tilespmem:s6], [sflag:$0xA] =	stream.indirect.gather [hbm4b:s2+s29], $0x80, s8, s29, $0xb8;
	[tilespmem:$0x15900] =	vst v63  }
0x140: {  	_ =	swait.ge [sflag:s14], $0x2000  }
0x141: {  	[sflag:s14] =	ssyncset.done $0x0  }
0x142: {  	s16 =	simm.s32 $0x4;
	s15 =	rddreg [dreg:$0x10];
	[sflag:s14] =	ssyncadd.s32 $0xFFFFE000  }
0x143: {  	[hbm4b:s15+s3] =	stream.linear.scatter [tilespmem:s10], [sflag:$0xD], $0x2000, $0x38;
	[tilespmem:$0x15900] =	vst v63  }
0x144: {  	_ =	swait.ge [sflag:s16], $0x2000  }
0x145: {  	[sflag:s16] =	ssyncset.done $0x0  }
0x146: {  	s7 =	simm.s32 $0x5;
	s17 =	rddreg [dreg:$0x11];
	[sflag:s16] =	ssyncadd.s32 $0xFFFFE000  }
0x147: {  	[hbm4b:s17+s3] =	stream.linear.scatter [tilespmem:s12], [sflag:$0xE], $0x2000, $0x38;
	[tilespmem:$0x15900] =	vst v63  }
0x148: {  	_ =	swait.ge [sflag:s7], $0x2000  }
0x149: {  	[sflag:s7] =	ssyncset.done $0x0  }
0x14a: {  	s8 =	rddreg [dreg:$0x12];
	[sflag:s7] =	ssyncadd.s32 $0xFFFFE000  }
0x14b: {  	[hbm4b:s8+s3] =	stream.linear.scatter [tilespmem:s9], [sflag:$0xF], $0x2000, $0x38;
	[tilespmem:$0x15900] =	vst v63  }
0x14c: {  	_ =	swait.ge [sflag:s19], $0x2000  }
0x14d: {  	[sflag:s19] =	ssyncset.done $0x0  }
0x14e: {  	s9 =	rddreg [dreg:$0x13];
	[sflag:s19] =	ssyncadd.s32 $0xFFFFE000  }
0x14f: {  	[hbm4b:s9+s3] =	stream.linear.scatter [tilespmem:s11], [sflag:$0x10], $0x2000, $0x38;
	[tilespmem:$0x15900] =	vst v63  }
0x150: {  	_ =	swait.ge [sflag:s21], $0x2000  }
0x151: {  	[sflag:s21] =	ssyncset.done $0x0  }
0x152: {  	s10 =	rddreg [dreg:$0x14];
	[sflag:s21] =	ssyncadd.s32 $0xFFFFE000  }
0x153: {  	[hbm4b:s10+s3] =	stream.linear.scatter [tilespmem:s13], [sflag:$0x11], $0x2000, $0x38;
	[tilespmem:$0x15900] =	vst v63  }
0x154: {  	_ =	swait.ge [sflag:s23], $0x2000  }
0x155: {  	[sflag:s23] =	ssyncset.done $0x0  }
0x156: {  	s11 =	rddreg [dreg:$0x15];
	[sflag:s23] =	ssyncadd.s32 $0xFFFFE000  }
0x157: {  	[hbm4b:s11+s3] =	stream.linear.scatter [tilespmem:s1], [sflag:$0x12], $0x2000, $0x38;
	[tilespmem:$0x15900] =	vst v63  }
0x158: {  	_ =	swait.ge [sflag:s26], $0x2000  }
0x159: {  	[sflag:s26] =	ssyncset.done $0x0  }
0x15a: {  	s12 =	rddreg [dreg:$0x16];
	[sflag:s26] =	ssyncadd.s32 $0xFFFFE000  }
0x15b: {  	[hbm4b:s12+s3] =	stream.linear.scatter [tilespmem:s5], [sflag:$0x13], $0x2000, $0x38;
	[tilespmem:$0x15900] =	vst v63  }
0x15c: {  	_ =	swait.ge [sflag:s28], $0x2000  }
0x15d: {  	[sflag:s28] =	ssyncset.done $0x0  }
0x15e: {  	s14 =	simm.s32 $0xB;
	s13 =	rddreg [dreg:$0x17];
	[sflag:s28] =	ssyncadd.s32 $0xFFFFE000  }
0x15f: {  	[hbm4b:s13+s3] =	stream.linear.scatter [tilespmem:s6], [sflag:$0x14], $0x2000, $0x38;
	[tilespmem:$0x15900] =	vst v63  }
0x160: {  	_ =	swait.ge [sflag:s14], $0x2000  }
0x161: {  	[sflag:s14] =	ssyncset.done $0x0  }
0x162: {  	s15 =	simm.s32 $0xC;
	[sflag:s14] =	ssyncadd.s32 $0xFFFFE000  }
0x163: {  	_ =	swait.ge [sflag:s15], $0x2000  }
0x164: {  	[sflag:s15] =	ssyncset.done $0x0  }
0x165: {  	[sflag:s15] =	ssyncadd.s32 $0xFFFFE000  }
0x166: {  	_ =	swait.ge [sflag:s18], $0x2000  }
0x167: {  	[sflag:s18] =	ssyncset.done $0x0  }
0x168: {  	[sflag:s18] =	ssyncadd.s32 $0xFFFFE000  }
0x169: {  	_ =	swait.ge [sflag:s20], $0x2000  }
0x16a: {  	[sflag:s20] =	ssyncset.done $0x0  }
0x16b: {  	[sflag:s20] =	ssyncadd.s32 $0xFFFFE000  }
0x16c: {  	_ =	swait.ge [sflag:s22], $0x2000  }
0x16d: {  	[sflag:s22] =	ssyncset.done $0x0  }
0x16e: {  	[sflag:s22] =	ssyncadd.s32 $0xFFFFE000  }
0x16f: {  	_ =	swait.ge [sflag:s24], $0x2000  }
0x170: {  	[sflag:s24] =	ssyncset.done $0x0  }
0x171: {  	[sflag:s24] =	ssyncadd.s32 $0xFFFFE000  }
0x172: {  	_ =	swait.ge [sflag:s4], $0x2000  }
0x173: {  	[sflag:s4] =	ssyncset.done $0x0  }
0x174: {  	[sflag:s4] =	ssyncadd.s32 $0xFFFFE000  }
0x175: {  	_ =	swait.ge [sflag:s25], $0x2000  }
0x176: {  	[sflag:s25] =	ssyncset.done $0x0  }
0x177: {  	[sflag:s25] =	ssyncadd.s32 $0xFFFFE000  }
0x178: {  	_ =	swait.ge [sflag:s30], $0x2000  }
0x179: {  	[sflag:s30] =	ssyncset.done $0x0  }
0x17a: {  	[sflag:s30] =	ssyncadd.s32 $0xFFFFE000  }
0x17b: {  	_ =	swait.ge [sflag:s31], $0x2000  }
0x17c: {  	s16 =	rddreg [dreg:$0x1b]  }
0x17d: {  	s17 =	rddreg [dreg:$0x18];
	s1 =	sadd.s32 $0x1, s16  }
0x17e: {  	p0 =	sne.s32 s1, s17  }
.Ltmp1:
0x17f: {  	_ = 	snop;
	(pc) =	sbr.rel @p0 .LBB2_1-.Ltmp1, $3  }
0x180: {  	_ =	sdelay $0x1  }
0x181: {  	[sflag:s31] =	ssyncset.done $0x0  }
0x182: {  	[sflag:s31] =	ssyncadd.s32 $0xFFFFE000  }
0x183: {  	_ =	sfence.sel $0x180000  }
0x184: {  	[bflag:$0x0] =	sbarrier.arrive $0xFFFF  }
0x185: {  	_ =	strace $0x90000047  }
0x186: {  	s0 =	stileid.u32;
	[bflag:$0x2] =	sbarrier.arrive $0xFFFF  }
0x187: {  	p0 =	sne.s32 s0, $0x0;
	s0 =	rddreg [dreg:$0x3]  }
0x188: {  	s0 =	sadd.s32 @!p0 $0x100000, s0  }
0x189: {  	[sflag:s0] =	ssyncadd.tile.s32 @!p0 $0x1;
	_ =	shalt  }
.Lfunc_end2:
_tile_overlayer_lowered:
.L_overlay_start_2:
0x18a: {  	(tag) =	ssettag $0x2  }
0x18b: {  	s0 =	rddreg [dreg:$0x0];
	s2 =	stileid.u32  }
0x18c: {  	s1 =	rddreg [dreg:$0x1];
	p0 =	sne.s32 s2, $0x0  }
0x18d: {  	s3 =	rddreg [dreg:$0x2];
	[bflag:$0x3] =	sbarrier.arrive $0xFFFF;
	s2 =	simm.s32 @!p0 $0x1C15  }
0x18e: {  	[timem:s3], [sflag:s2] =	dma.local @!p0 [hbm:s0], s1  }
0x18f: {  	s0 =	simm.s32 @!p0 $0x15  }
0x190: {  	_ =	swait.ge @!p0 [sflag:s0], s1  }
0x191: {  	s1 =	ssub.s32 @!p0 $0x0, s1;
	[sflag:s0] =	ssyncset.done @!p0 $0x0  }
0x192: {  	[sflag:s0] =	ssyncadd.s32 @!p0 s1  }
0x193: {  	[bflag:$0x3] =	sbarrier.arrive $0xFFFF  }
0x194: {  	_ =	shalt  }

// kernel: sparse-core-data-format-call.cloned.1.call-start
scs
called_computation_lowered:
.L_overlay_start_0:
0x0: {  	s2 =	sld [smem:$0x3FD9]  }
0x1: {  	s3 =	sld [smem:$0x3FFE];
	_ =	sdelay $0x1  }
0x2: {  	s1 =	srdreg.scid  }
0x3: {  	s0 =	sand.u32 $0x1, s1  }
0x4: {  	s18 =	sshll.u32 s0, $0xA;
	s2 =	sadd.s32 s3, s2  }
0x5: {  	s2 =	sadd.s32 s2, s18  }
0x6: {  	[smem:$0x3FC6] =	sst s2  }
0x7: {  	_ = 	snop  }
0x8: {  	s2 =	sld [smem:$0x3FD0];
	(tm) =	ssettm $0x1  }
0x9: {  	s19 =	sld [smem:$0x3FFB];
	_ =	sdelay $0x3  }
0xa: {  	_ =	strace s19  }
0xb: {  	s3 =	sld [smem:$0x3FFC];
	_ =	sdelay $0x3  }
0xc: {  	_ =	strace s3  }
0xd: {  	s3 =	sld [smem:$0x3FFD];
	_ =	sdelay $0x3  }
0xe: {  	_ =	strace s3  }
0xf: {  	_ =	strace $0x8FFFFFFF  }
0x10: {  	s20 =	sld [smem:$0x3FDB];
	_ =	sdelay $0x1  }
0x11: {  	s4 =	simm.s32 $_scs_section_size  }
0x12: {  	s5 =	simm.s32 $_size__tile_overlayer_lowered;
	s6 =	simm.s32 $_tile_overlayer_lowered  }
0x13: {  	s23 =	simm.s32 $0x1BFF;
	s22 =	sshll.u32 s6, $0x1;
	s3 =	sadd.s32 s4, s20  }
0x14: {  	s7 =	simm.s32 $0x0;
	s21 =	sshll.u32 s5, $0x1;
	s5 =	sadd.s32 s22, s3  }
0x15: {  	[timem:s7], [sflag:s23] =	dma.local [hbm:s5], s21  }
0x16: {  	_ =	swait.ge [sflag:s23], s21  }
0x17: {  	s4 =	ssub.s32 $0x0, s21;
	[sflag:s23] =	ssyncset.done $0x0  }
0x18: {  	[sflag:s23] =	ssyncadd.s32 s4;
	_ =	sdelay $0x1  }
0x19: {  	s24 =	simm.s32 $0x1B8B  }
0x1a: {  	_ =	swait.ge [sflag:s24], $0x1  }
0x1b: {  	[sflag:s24] =	ssyncset.done $0x0  }
0x1c: {  	s26 =	simm.s32 $0x1B8E;
	s25 =	sld [smem:$0x3FFE];
	[sflag:s24] =	ssyncadd.s32 $0xFFFFFFFF  }
0x1d: {  	s27 =	simm.s32 $execute0_lowered;
	[smem:$0x3FD2] =	sst s26  }
0x1e: {  	s5 =	sshll.u32 s27, $0x1;
	_ =	strace $0x80000049;
	[dreg:$0x1] =	wrdreg $0xFFFFFFFF  }
0x1f: {  	s28 =	simm.s32 $_size_execute0_lowered;
	s3 =	sadd.s32 s3, s5;
	[dreg:$0x0] =	wrdreg $0x0  }
0x20: {  	s5 =	sshll.u32 s28, $0x1;
	[dreg:$0x2] =	wrdreg s3  }
0x21: {  	[dreg:$0x3] =	wrdreg s5  }
0x22: {  	[dreg:$0x4] =	wrdreg $0xC0  }
0x23: {  	_ =	task [dreg:s7], $0x5FFFF  }
0x24: {  	[dreg:$0x1] =	wrdreg $0xFFFFFFFF  }
0x25: {  	[dreg:$0x0] =	wrdreg $0x60  }
0x26: {  	[dreg:$0x2] =	wrdreg s25  }
0x27: {  	[dreg:$0x3] =	wrdreg s2  }
0x28: {  	[dreg:$0x4] =	wrdreg $0x9  }
0x29: {  	_ =	task.clear_ibuf [dreg:s7], $0x5FFFF;
	_ =	strace $0x90000049  }
0x2a: {  	s29 =	simm.s32 $0x9;
	_ =	strace $0x8000004B  }
0x2b: {  	_ =	swait.ge [sflag:s29], $0x1  }
0x2c: {  	[sflag:s29] =	ssyncadd.s32 $0xFFFFFFFF  }
0x2d: {  	_ =	strace $0x9000004B  }
0x2e: {  	_ =	sfence  }
0x2f: {  	s30 =	sld [smem:$0x0];
	_ =	sdelay $0x2  }
0x30: {  	s31 =	sshll.u32 s1, $0xD;
	s1 =	sshrl.u32 s1, $0x2  }
0x31: {  	s3 =	sand.u32 $0x4000, s31;
	s1 =	sadd.s32 s1, s30  }
0x32: {  	s0 =	sor.u32 s3, s0;
	s1 =	sshll.u32 s1, $0x11  }
0x33: {  	s0 =	sor.u32 s1, s0  }
0x34: {  	s0 =	sadd.s32 $0x8F2B, s0  }
0x35: {  	[sflag:s0] =	ssyncadd.remote.s32 $0x1  }
0x36: {  	_ =	sfence.sel $0xFFFF  }
0x37: {  	[dreg:$0x0] =	wrdreg $0xFFFFFFFF;
	(pc) =	sbr.abs _section_cstart, $3  }
0x38: {  	[dreg:$0x1] =	wrdreg $0xFFFFFFFF  }
0x39: {  	_ =	task.clear_ibuf [dreg:s7], $0x2FFFF;
	_ =	strace $0x9FFFFFFF  }
0x3a: {  	(tm) =	ssettm $0x7FFFFFFF  }
0x3b: {  	_ =	shalt  }
tec
execute0_lowered:
.L_overlay_start_1:
0x0: {  	(tag) =	ssettag $0x1  }
0x1: {  	s0 =	srdreg.scid  }
0x2: {  	s1 =	sshll.u32 s0, $0x4  }
0x3: {  	s0 =	stileid.u32;
	s1 =	sand.u32 $0x10, s1  }
0x4: {  	s1 =	sor.u32 s0, s1  }
0x5: {  	s6 =	rddreg [dreg:$0x0];
	s4 =	simm.s32 $0x1;
	s2 =	sshll.u32 s1, $0x6  }
0x6: {  	s7 =	simm.s32 $0x2;
	s13 =	simm.s32 $0x0;
	s1 =	ssub.s32 $0x1000, s2  }
0x7: {  	s8 =	simm.s32 $0x2000;
	s9 =	simm.s32 $0x80000;
	s3 =	sand.u32 $0x7C0, s1  }
0x8: {  	s14 =	simm.s32 $0x0;
	s5 =	sshrl.u32 s1, $0xB;
	p0 =	sne.s32 s3, $0x0  }
.Ltmp0:
0x9: {  	s1 =	rddreg [dreg:$0x2];
	s4 =	simm.s32 @!p0 $0x0;
	(pc) =	sbr.rel .LBB1_1-.Ltmp0, $4  }
0xa: {  	s10 =	simm.s32 $0x0;
	s3 =	rddreg [dreg:$0x1];
	s5 =	sadd.s32 s4, s5  }
0xb: {  	_ =	strace $0x8000004A;
	s4 =	simm.s32 $0x1;
	s5 =	smul.u32 $0x19, s5  }
0xc: {  	s12 =	simm.s32 $0x0;
	s6 =	sadd.s32 $0x800, s6;
	[sflag:s4] =	ssyncpa.u1 $0x0  }
0xd: {  	s11 =	smov.u32 s2;
	[sflag:s7] =	ssyncpa.u1 $0x0;
	s7 =	sadd.s32 $0x1, s5  }
.LBB1_7:
0xe: {  	s15 =	sadd.s32 $0x2, s10  }
0xf: {  	s13 =	sadd.s32 $0x800, s11;
	s17 =	smov.u32 s11;
	p1 =	sgt.s32 s15, $0x31  }
0x10: {  	s17 =	smov.u32 @p1 s13  }
0x11: {  	s15 =	simm.s32 @p1 $0x0;
	p1 =	sgt.s32 s17, $0xFFF  }
0x12: {  	s17 =	smov.u32 @p1 s2;
	p1 =	sne.s32 s12, s7  }
.Ltmp1:
0x13: {  	p0 =	slt.u32 s12, $0x2;
	(pc) =	sbr.rel @!p1 .LBB1_8-.Ltmp1, $4  }
0x14: {  	s16 =	simm.s32 @!p0 $0x2  }
0x15: {  	s14 =	smov.u32 s11;
	_ =	swait.ge @!p0 [sflag:s16], $0x4000  }
0x16: {  	s13 =	smov.u32 s10;
	[sflag:s16] =	ssyncset.done @!p0 $0x0;
	s10 =	smov.u32 s15  }
0x17: {  	s12 =	sadd.s32 $0x1, s12;
	[sflag:s16] =	ssyncadd.s32 @!p0 $0xFFFFC000;
	s11 =	smov.u32 s17  }
.LBB1_1:
0x18: {  	p0 =	sge.u32 s12, s5  }
0x19: {  	s15 =	sand.u32 @!p0 $0x1FFFFFF, s10  }
0x1a: {  	s16 =	smulhi.u32 @!p0 $0x4924925, s15;
	_ =	sdelay $0x1  }
0x1b: {  	s16 =	smul.u32 @!p0 $0x38, s16  }
0x1c: {  	s17 =	sxor.u32 @!p0 $0xFFFFFFFF, s12;
	s18 =	smul.u32 @!p0 $0x380, s11  }
0x1d: {  	s31 =	sadd.s32 $0xFFFFFFFF, s12;
	s17 =	sshll.u32 @!p0 s17, $0xE;
	s15 =	ssub.s32 @!p0 s15, s16  }
0x1e: {  	s16 =	sand.u32 @!p0 $0x4000, s17;
	s17 =	sadd.s32 @!p0 s6, s18;
	s15 =	sshll.u32 @!p0 s15, $0x4  }
0x1f: {  	s18 =	simm.s32 @!p0 $0x1C00;
	s15 =	sadd.s32 @!p0 s15, s17;
	s17 =	simm.s32 @!p0 $0x100  }
0x20: {  	[tilespmem:s16], [sflag:$0x1] =	stream.strided.gather @!p0 [hbm4b:s15+s17], $0x4000, s18, s17, $0x38;
	[tilespmem:$0x10000] =	vst v63  }
0x21: {  	p0 =	sge.u32 s31, s5  }
.Ltmp2:
0x22: {  	_ = 	snop;
	(pc) =	sbr.rel @p0 .LBB1_7-.Ltmp2, $1  }
0x23: {  	_ =	sdelay $0x3  }
0x24: {  	_ =	swait.ge [sflag:s4], $0x4000;
	s15 =	sshll.u32 s12, $0xE  }
0x25: {  	[sflag:s4] =	ssyncset.done $0x0;
	s16 =	sand.u32 $0x4000, s15  }
0x26: {  	s17 =	simm.s32 $0x0;
	[sflag:s4] =	ssyncadd.s32 $0xFFFFC000;
	s15 =	sor.u32 $0x8000, s16  }
.LBB1_3:
0x27: {  	s18 =	sshll.u32 s17, $0x8  }
0x28: {  	s18 =	sand.u32 $0x3FFFFF00, s18  }
0x29: {  	s19 =	sshll.u32 s17, $0x7;
	s18 =	sadd.s32 s18, s16  }
0x2a: {  	s19 =	sand.u32 $0x3FFFFF80, s19;
	v0 =	vmov s18  }
0x2b: {  	s19 =	sadd.s32 s19, s15  }
0x2c: {  	p0 =	por $0x1, $0x1;
	v1 =	vmov s19;
	s18 =	simm.s32 $0x0  }
.LBB1_4:
0x2d: {  	s19 =	sshll.u32 s18, $0x7  }
0x2e: {  	s19 =	sand.u32 $0x3FFFFF80, s19  }
0x2f: {  	v2 =	vld.idx.msk [tilespmem:v0+s19+$0x0 ss:$0x1], $0xffff  }
0x30: {  	v3 =	vld.idx.msk [tilespmem:v0+s19+$0x10 ss:$0x1], $0xffff  }
0x31: {  	v4 =	vld.idx.msk [tilespmem:v0+s19+$0x20 ss:$0x1], $0xffff  }
0x32: {  	s31 =	sshll.u32 s18, $0xD;
	v5 =	vld.idx.msk [tilespmem:v0+s19+$0x30 ss:$0x1], $0xffff  }
0x33: {  	s18 =	sand.u32 $0x3FFFE000, s31;
	v6 =	vld.idx.msk [tilespmem:v0+s19+$0x40 ss:$0x1], $0xffff  }
0x34: {  	v63 =	vld.idx.msk [tilespmem:v0+s19+$0x70 ss:$0x1], $0xffff;
	[tilespmem:v1+s18+$0x0 ss:$0x1] =	vst.idx.msk $0xffff, v2  }
0x35: {  	v2 =	vld.idx.msk [tilespmem:v0+s19+$0x50 ss:$0x1], $0xffff;
	[tilespmem:v1+s18+$0x10 ss:$0x1] =	vst.idx.msk $0xffff, v3  }
0x36: {  	p1 =	por p0, p0;
	v3 =	vld.idx.msk [tilespmem:v0+s19+$0x60 ss:$0x1], $0xffff;
	[tilespmem:v1+s18+$0x20 ss:$0x1] =	vst.idx.msk $0xffff, v4  }
.Ltmp3:
0x37: {  	[tilespmem:v1+s18+$0x30 ss:$0x1] =	vst.idx.msk $0xffff, v5;
	(pc) =	sbr.rel @p1 .LBB1_4-.Ltmp3, $4  }
0x38: {  	[tilespmem:v1+s18+$0x40 ss:$0x1] =	vst.idx.msk $0xffff, v6  }
0x39: {  	[tilespmem:v1+s18+$0x70 ss:$0x1] =	vst.idx.msk $0xffff, v63  }
0x3a: {  	[tilespmem:v1+s18+$0x50 ss:$0x1] =	vst.idx.msk $0xffff, v2  }
0x3b: {  	p0 =	por $0x0, $0x0;
	[tilespmem:v1+s18+$0x60 ss:$0x1] =	vst.idx.msk $0xffff, v3;
	s18 =	simm.s32 $0x1  }
0x3c: {  	s17 =	sadd.s32 $0x1, s17  }
0x3d: {  	p0 =	sne.s32 s17, $0x40  }
.Ltmp4:
0x3e: {  	_ = 	snop;
	(pc) =	sbr.rel @p0 .LBB1_3-.Ltmp4, $1  }
0x3f: {  	_ =	sdelay $0x3  }
.Ltmp5:
0x40: {  	s14 =	sshll.u32 s14, $0x4;
	(pc) =	sbr.rel .LBB1_7-.Ltmp5, $4  }
0x41: {  	s14 =	sand.u32 $0xFFF0, s14  }
0x42: {  	s13 =	sshll.u32 s13, $0x10;
	s14 =	sadd.s32 s3, s14  }
0x43: {  	s13 =	sadd.s32 s13, s14  }
0x44: {  	[hbm4b:s13+s8] =	stream.strided.scatter [tilespmem:s15], [sflag:$0x2], $0x4000, s9, s8, $0x38;
	[tilespmem:$0x10000] =	vst v63  }
.LBB1_8:
0x45: {  	_ =	sfence.sel $0x180000  }
0x46: {  	s2 =	simm.s32 $0x1;
	[bflag:$0x0] =	sbarrier.arrive $0xFFFF  }
0x47: {  	s31 =	simm.s32 $0x2;
	[sflag:s2] =	ssyncpa.u1 $0x1  }
0x48: {  	[sflag:s31] =	ssyncpa.u1 $0x1  }
0x49: {  	p0 =	sne.s32 s0, $0x0;
	_ =	strace $0x9000004A  }
0x4a: {  	s0 =	sadd.s32 @!p0 $0x100000, s1;
	[bflag:$0x2] =	sbarrier.arrive $0xFFFF  }
0x4b: {  	[sflag:s0] =	ssyncadd.tile.s32 @!p0 $0x1;
	_ =	shalt  }
.Lfunc_end1:
_tile_overlayer_lowered:
.L_overlay_start_2:
0x4c: {  	(tag) =	ssettag $0x2  }
0x4d: {  	s0 =	rddreg [dreg:$0x0];
	s2 =	stileid.u32  }
0x4e: {  	s1 =	rddreg [dreg:$0x1];
	p0 =	sne.s32 s2, $0x0  }
0x4f: {  	s3 =	rddreg [dreg:$0x2];
	[bflag:$0x3] =	sbarrier.arrive $0xFFFF;
	s2 =	simm.s32 @!p0 $0x1C01  }
0x50: {  	[timem:s3], [sflag:s2] =	dma.local @!p0 [hbm:s0], s1  }
0x51: {  	s0 =	simm.s32 @!p0 $0x1  }
0x52: {  	_ =	swait.ge @!p0 [sflag:s0], s1  }
0x53: {  	s1 =	ssub.s32 @!p0 $0x0, s1;
	[sflag:s0] =	ssyncset.done @!p0 $0x0  }
0x54: {  	[sflag:s0] =	ssyncadd.s32 @!p0 s1  }
0x55: {  	[bflag:$0x3] =	sbarrier.arrive $0xFFFF  }
0x56: {  	_ =	shalt  }

</sc_bundles>
